<compile_context>
chip_gen: v7x
topology: tpu7x:2x2x1
jax: 0.10.2.dev20260603
libtpu: 0.0.44.dev20260713+nightly
codegen_flags: <defaults>
</compile_context>

<pallas_src>
import jax
import jax.numpy as jnp
from jax import lax
from jax.experimental import pallas as pl
from jax.experimental.pallas import tpu as pltpu
from jax.experimental.pallas import tpu_sc as plsc

N = 10000
E = 320000
D = 128
DE = 16
T_STEPS = 3
NC, NS, L = 2, 16, 16
NW = NC * NS
EW = E // NW
K = 100
CH = EW // K
NP = 10240
RPT = NP // NS
EB = 4000
KE = 50
CHE = EW // KE
KP = 100
CHP = EW // KP


def _sc_mesh():
    return plsc.VectorSubcoreMesh(core_axis_name="c", subcore_axis_name="s",
                                  num_cores=NC, num_subcores=NS)


def _deg_body(dst_hbm, zeros_hbm, ones_hbm, out_hbm, idx_v, ones_v, deg_sp, sem):
    del sem
    cid = lax.axis_index("c")
    sid = lax.axis_index("s")
    wid = cid * NS + sid
    pltpu.sync_copy(zeros_hbm, deg_sp.at[pl.ds(sid * RPT, RPT)])
    pltpu.sync_copy(ones_hbm, ones_v)
    pltpu.sync_copy(dst_hbm.at[wid], idx_v)
    plsc.subcore_barrier()

    def chunk(i, carry):
        pltpu.sync_copy(ones_v, deg_sp.at[idx_v.at[i]], add=True)
        return carry

    lax.fori_loop(0, CH, chunk, 0)
    plsc.subcore_barrier()
    pltpu.sync_copy(deg_sp.at[pl.ds(sid * RPT, RPT)],
                    out_hbm.at[cid, pl.ds(sid * RPT, RPT)])


def _deg_call(dst3, zeros16, ones16, interpret=False):
    f = pl.kernel(
        _deg_body,
        out_type=jax.ShapeDtypeStruct((NC, NP), jnp.float32),
        mesh=_sc_mesh(),
        scratch_types=[
            pltpu.VMEM((CH, K), jnp.int32),
            pltpu.VMEM((K,), jnp.float32),
            pltpu.VMEM_SHARED((NP,), jnp.float32),
            pltpu.SemaphoreType.DMA,
        ],
        interpret=interpret,
    )
    return f(dst3, zeros16, ones16)


def _prop_body(sd_hbm, xws_hbm, zeros_hbm, out_hbm,
               idx_v, rows0, acc_sp, gsem0):
    cid = lax.axis_index("c")
    sid = lax.axis_index("s")
    wid = cid * NS + sid
    pltpu.sync_copy(zeros_hbm, acc_sp.at[pl.ds(sid * RPT, RPT)])
    pltpu.sync_copy(sd_hbm.at[wid], idx_v)
    plsc.subcore_barrier()
    def chunk(i, carry):
        pltpu.async_copy(xws_hbm.at[idx_v.at[i]], rows0, gsem0).wait()
        pltpu.sync_copy(rows0, acc_sp.at[idx_v.at[CHP + i]], add=True)
        return carry

    lax.fori_loop(0, CHP, chunk, 0)
    plsc.subcore_barrier()
    pltpu.sync_copy(acc_sp.at[pl.ds(sid * RPT, RPT)],
                    out_hbm.at[cid, pl.ds(sid * RPT, RPT)])


def _prop_call(sd4, xws, zerosD, interpret=False):
    f = pl.kernel(
        _prop_body,
        out_type=jax.ShapeDtypeStruct((NC, NP, D), jnp.float32),
        mesh=_sc_mesh(),
        scratch_types=[
            pltpu.VMEM((2 * CHP, KP), jnp.int32),
            pltpu.VMEM((KP, D), jnp.float32),
            pltpu.VMEM_SHARED((NP, D), jnp.float32),
            pltpu.SemaphoreType.DMA,
        ],
        interpret=interpret,
    )
    return f(sd4, xws, zerosD)


def _edge_body(src_hbm, dst_hbm, a_hbm, b_hbm, c_hbm, w2_hbm, out_hbm,
               src_v, dst_v, a0, b0, c0, z0, a1, b1, c1, z1, w2_v,
               gsem0, gsem1, zsem0, zsem1):
    cid = lax.axis_index("c")
    sid = lax.axis_index("s")
    wid = cid * NS + sid
    pltpu.sync_copy(src_hbm.at[wid], src_v)
    pltpu.sync_copy(dst_hbm.at[wid], dst_v)
    pltpu.sync_copy(w2_hbm, w2_v)
    w2s = [w2_v[pl.ds(16 * d, 16)] for d in range(D // 16)]
    bufs = ((a0, b0, c0, z0, gsem0, zsem0), (a1, b1, c1, z1, gsem1, zsem1))

    def issue(i, a_v, b_v, c_v, gsem):
        pltpu.async_copy(a_hbm.at[src_v.at[i]], a_v, gsem)
        pltpu.async_copy(b_hbm.at[dst_v.at[i]], b_v, gsem)
        pltpu.async_copy(c_hbm.at[wid, i], c_v, gsem)

    issue(0, a0, b0, c0, gsem0)
    issue(1, a1, b1, c1, gsem1)

    def pair(p, carry):
        for bsel in range(2):
            a_v, b_v, c_v, z_v, gsem, zsem = bufs[bsel]
            i = 2 * p + bsel
            for dbuf in (a_v, b_v, c_v):
                pltpu.make_async_copy(c_hbm.at[wid, 0], dbuf, gsem).wait()
            @pl.when(p > 0)
            def _():
                pltpu.make_async_copy(z_v, out_hbm.at[wid, 0], zsem).wait()

            @plsc.parallel_loop(0, KE, unroll=4)
            def edge_fn(e):
                s_acc = jnp.zeros((L,), jnp.float32)
                for d in range(D // 16):
                    va = a_v[e, pl.ds(16 * d, 16)]
                    vb = b_v[e, pl.ds(16 * d, 16)]
                    vc = c_v[e, pl.ds(16 * d, 16)]
                    s = jnp.maximum(va + vb + vc, 0.0)
                    s_acc = s_acc + s * w2s[d]
                z_v[e, :] = s_acc

            pltpu.async_copy(z_v, out_hbm.at[wid, i], zsem)

            @pl.when(i + 2 < CHE)
            def _():
                issue(i + 2, a_v, b_v, c_v, gsem)
        return carry

    lax.fori_loop(0, CHE // 2, pair, 0)
    for a_v, b_v, c_v, z_v, gsem, zsem in bufs:
        pltpu.make_async_copy(z_v, out_hbm.at[wid, 0], zsem).wait()


def _edge_call(src3, dst3, A, B, C4, w2, interpret=False):
    f = pl.kernel(
        _edge_body,
        out_type=jax.ShapeDtypeStruct((NW, CHE, KE, L), jnp.float32),
        mesh=_sc_mesh(),
        scratch_types=[
            pltpu.VMEM((CHE, KE), jnp.int32),
            pltpu.VMEM((CHE, KE), jnp.int32),
            pltpu.VMEM((KE, D), jnp.float32),
            pltpu.VMEM((KE, D), jnp.float32),
            pltpu.VMEM((KE, D), jnp.float32),
            pltpu.VMEM((KE, L), jnp.float32),
            pltpu.VMEM((KE, D), jnp.float32),
            pltpu.VMEM((KE, D), jnp.float32),
            pltpu.VMEM((KE, D), jnp.float32),
            pltpu.VMEM((KE, L), jnp.float32),
            pltpu.VMEM((D,), jnp.float32),
            pltpu.SemaphoreType.DMA,
            pltpu.SemaphoreType.DMA,
            pltpu.SemaphoreType.DMA,
            pltpu.SemaphoreType.DMA,
        ],
        interpret=interpret,
    )
    return f(src3, dst3, A, B, C4, w2)


def _fin_body(z_ref, sel_ref, b2_ref, out_ref):
    out_ref[...] = lax.dot_general(
        z_ref[...], sel_ref[...], (((1,), (0,)), ((), ())),
        preferred_element_type=jnp.float32) + b2_ref[0]


def _fin_call(z2, sel, b2, interpret=False):
    f = pl.pallas_call(
        _fin_body,
        out_shape=jax.ShapeDtypeStruct((E // 32, 32), jnp.float32),
        interpret=interpret,
    )
    return f(z2, sel, b2)


def _lstm_gates(wt, h, W_ih, W_hh, b_ih, b_hh):
    dn = (((1,), (1,)), ((), ()))
    gates = (lax.dot_general(wt, W_ih, dn, preferred_element_type=jnp.float32)
             + lax.dot_general(h, W_hh, dn, preferred_element_type=jnp.float32)
             + b_ih[None, :] + b_hh[None, :])
    return gates


def _prep_body(x_ref, w0t_ref, wih_ref, whh_ref, bih_ref, bhh_ref, degp_ref,
               xw_ref, xws_ref, dis_ref):
    wt = w0t_ref[...]
    h = jnp.zeros((D, D), jnp.float32)
    c = jnp.zeros((D, D), jnp.float32)
    W_ih = wih_ref[...]
    W_hh = whh_ref[...]
    b_ih = bih_ref[...]
    b_hh = bhh_ref[...]
    for _ in range(T_STEPS):
        gates = _lstm_gates(wt, h, W_ih, W_hh, b_ih, b_hh)
        gi = jax.nn.sigmoid(gates[:, 0 * D:1 * D])
        gf = jax.nn.sigmoid(gates[:, 1 * D:2 * D])
        gg = jnp.tanh(gates[:, 2 * D:3 * D])
        go = jax.nn.sigmoid(gates[:, 3 * D:4 * D])
        c = gf * c + gi * gg
        h = go * jnp.tanh(c)
        wt = h
    xw = lax.dot_general(x_ref[...], h, (((1,), (1,)), ((), ())),
                         preferred_element_type=jnp.float32)
    deg = degp_ref[0, :N] + degp_ref[1, :N] + 1.0
    dis = lax.rsqrt(deg)
    xw_ref[...] = xw
    xws_ref[...] = xw * dis[:, None]
    dis_ref[...] = dis


def _prep_call(x, w0t, wih, whh, bih, bhh, degp, interpret=False):
    f = pl.pallas_call(
        _prep_body,
        out_shape=[
            jax.ShapeDtypeStruct((N, D), jnp.float32),
            jax.ShapeDtypeStruct((N, D), jnp.float32),
            jax.ShapeDtypeStruct((N,), jnp.float32),
        ],
        interpret=interpret,
    )
    return f(x, w0t, wih, whh, bih, bhh, degp)


def _node_body(pacc_ref, xw_ref, dis_ref, w1a_ref, w1b_ref, b1_ref,
               a_ref, b_ref):
    dis = dis_ref[...]
    s = ((pacc_ref[0, :N] + pacc_ref[1, :N]) * dis[:, None]
         + (dis * dis)[:, None] * xw_ref[...])
    emb = jnp.maximum(s, 0.0)
    dn = (((1,), (1,)), ((), ()))
    a_ref[...] = lax.dot_general(emb, w1a_ref[...], dn,
                                 preferred_element_type=jnp.float32)
    b_ref[...] = lax.dot_general(emb, w1b_ref[...], dn,
                                 preferred_element_type=jnp.float32) + b1_ref[...][None, :]


def _node_call(pacc, xw, dis, w1a, w1b, b1, interpret=False):
    f = pl.pallas_call(
        _node_body,
        out_shape=[
            jax.ShapeDtypeStruct((N, D), jnp.float32),
            jax.ShapeDtypeStruct((N, D), jnp.float32),
        ],
        interpret=interpret,
    )
    return f(pacc, xw, dis, w1a, w1b, b1)


def _edgec_body(attr_ref, w1c_ref, c_ref):
    c_ref[...] = lax.dot_general(attr_ref[...], w1c_ref[...],
                                 (((1,), (1,)), ((), ())),
                                 preferred_element_type=jnp.float32)


def _edgec_call(edge_attr, w1c, interpret=False):
    f = pl.pallas_call(
        _edgec_body,
        grid=(E // EB,),
        in_specs=[
            pl.BlockSpec((EB, DE), lambda i: (i, 0)),
            pl.BlockSpec((D, DE), lambda i: (0, 0)),
        ],
        out_specs=pl.BlockSpec((EB, D), lambda i: (i, 0)),
        out_shape=jax.ShapeDtypeStruct((E, D), jnp.float32),
        interpret=interpret,
    )
    return f(edge_attr, w1c)


def _run(x, edge_index, edge_attr, initial_weights, lstm_W_ih, lstm_W_hh,
         lstm_b_ih, lstm_b_hh, mlp_W1, mlp_b1, mlp_W2, mlp_b2,
         interpret=False):
    src = edge_index[0]
    dst = edge_index[1]
    src3 = src.reshape(NW, CH, K)
    dst3 = dst.reshape(NW, CH, K)

    zeros1 = jnp.zeros((RPT,), jnp.float32)
    ones1 = jnp.ones((K,), jnp.float32)
    degp = _deg_call(dst3, zeros1, ones1, interpret=interpret)

    w1a = mlp_W1[:, :D]
    w1b = mlp_W1[:, D:2 * D]
    w1c = mlp_W1[:, 2 * D:]
    C = _edgec_call(edge_attr, w1c, interpret=interpret)
    C4 = C.reshape(NW, CHE, KE, D)

    xw, xws, dis = _prep_call(x, initial_weights.T, lstm_W_ih, lstm_W_hh,
                              lstm_b_ih, lstm_b_hh, degp, interpret=interpret)

    zerosD = jnp.zeros((RPT, D), jnp.float32)
    srcP = src.reshape(NW, CHP, KP)
    dstP = dst.reshape(NW, CHP, KP)
    sd4 = jnp.concatenate([srcP, dstP], axis=1)
    pacc = _prop_call(sd4, xws, zerosD, interpret=interpret)

    A, B = _node_call(pacc, xw, dis, w1a, w1b, mlp_b1, interpret=interpret)

    w2 = mlp_W2[0]
    srcE = src.reshape(NW, CHE, KE)
    dstE = dst.reshape(NW, CHE, KE)
    z = _edge_call(srcE, dstE, A, B, C4, w2, interpret=interpret)
    sel = jnp.repeat(jnp.eye(32, dtype=jnp.float32), L, axis=0)
    out2 = _fin_call(z.reshape(E // 32, 32 * L), sel, mlp_b2,
                     interpret=interpret)
    return out2.reshape(E)


def kernel(x, edge_index, edge_attr, initial_weights, lstm_W_ih, lstm_W_hh,
           lstm_b_ih, lstm_b_hh, mlp_W1, mlp_b1, mlp_W2, mlp_b2):
    return _run(x, edge_index, edge_attr, initial_weights, lstm_W_ih,
                lstm_W_hh, lstm_b_ih, lstm_b_hh, mlp_W1, mlp_b1, mlp_W2,
                mlp_b2)

# --- scband reference (transcript-rebuilt; emitter-appended) ---
"""Pipeline reference for scband-evolving-gnn-83614423318998 (READ-ONLY COPY).

The authoritative reference and input builder live on the scoring server;
editing this copy changes nothing except your own understanding.
"""

import jax, jax.numpy as jnp
import numpy as np

N = 10000
E = 320000
D_IN = 128
D_HID = 128
D_EDGE = 16
T = 3  # graph_sequence of length 3, same graph tensors reused at each timestep


def setup_inputs(seed: int = 0) -> dict:
    key = jax.random.key(seed)
    ks = [jax.random.fold_in(key, i) for i in range(12)]
    x = jax.random.normal(ks[0], (N, D_IN), dtype=jnp.float32)
    edge_index = jax.random.randint(ks[1], (2, E), 0, N, dtype=jnp.int32)
    edge_attr = jax.random.normal(ks[2], (E, D_EDGE), dtype=jnp.float32)
    initial_weights = jax.random.normal(ks[3], (D_IN, D_HID), dtype=jnp.float32) * (1.0 / np.sqrt(D_IN))
    lstm_W_ih = jax.random.normal(ks[4], (4 * D_IN, D_IN), dtype=jnp.float32) * 0.05
    lstm_W_hh = jax.random.normal(ks[5], (4 * D_IN, D_IN), dtype=jnp.float32) * 0.05
    lstm_b_ih = jnp.zeros((4 * D_IN,), dtype=jnp.float32)
    lstm_b_hh = jnp.zeros((4 * D_IN,), dtype=jnp.float32)
    mlp_W1 = jax.random.normal(ks[6], (D_HID, 2 * D_HID + D_EDGE), dtype=jnp.float32) * 0.05
    mlp_b1 = jnp.zeros((D_HID,), dtype=jnp.float32)
    mlp_W2 = jax.random.normal(ks[7], (1, D_HID), dtype=jnp.float32) * 0.05
    mlp_b2 = jnp.zeros((1,), dtype=jnp.float32)
    return {
        'x': x, 'edge_index': edge_index, 'edge_attr': edge_attr,
        'initial_weights': initial_weights,
        'lstm_W_ih': lstm_W_ih, 'lstm_W_hh': lstm_W_hh,
        'lstm_b_ih': lstm_b_ih, 'lstm_b_hh': lstm_b_hh,
        'mlp_W1': mlp_W1, 'mlp_b1': mlp_b1, 'mlp_W2': mlp_W2, 'mlp_b2': mlp_b2,
    }


def _lstm_step(inp, h, c, W_ih, W_hh, b_ih, b_hh):
    gates = inp @ W_ih.T + h @ W_hh.T + b_ih + b_hh
    i, f, g, o = jnp.split(gates, 4, axis=-1)
    i = jax.nn.sigmoid(i)
    f = jax.nn.sigmoid(f)
    g = jnp.tanh(g)
    o = jax.nn.sigmoid(o)
    c_new = f * c + i * g
    h_new = o * jnp.tanh(c_new)
    return h_new, c_new


def _gcn_layer(x, edge_index, weight):
    n = x.shape[0]
    loops = jnp.arange(n, dtype=edge_index.dtype)
    row = jnp.concatenate([edge_index[0], loops])
    col = jnp.concatenate([edge_index[1], loops])
    xw = x @ weight
    deg = jnp.zeros((n,), dtype=xw.dtype).at[col].add(1.0)
    deg_inv_sqrt = jnp.where(deg > 0, deg ** -0.5, 0.0)
    norm = deg_inv_sqrt[row] * deg_inv_sqrt[col]
    msg = norm[:, None] * xw[row]
    out = jnp.zeros((n, xw.shape[1]), dtype=xw.dtype).at[col].add(msg)
    return out


def reference(x, edge_index, edge_attr, initial_weights, lstm_W_ih, lstm_W_hh,
              lstm_b_ih, lstm_b_hh, mlp_W1, mlp_b1, mlp_W2, mlp_b2):
    current_weight = initial_weights
    h = jnp.zeros((D_HID, D_IN), dtype=jnp.float32)
    c = jnp.zeros((D_HID, D_IN), dtype=jnp.float32)
    final_embeddings = None
    for t in range(T):
        w_input = current_weight.T  # [hidden_dim, input_dim], seq_len=1 LSTM step
        h, c = _lstm_step(w_input, h, c, lstm_W_ih, lstm_W_hh, lstm_b_ih, lstm_b_hh)
        current_weight = h.T  # [input_dim, hidden_dim]
        emb = _gcn_layer(x, edge_index, current_weight)
        emb = jax.nn.relu(emb)
        # dropout is identity in eval mode
        final_embeddings = emb
    src = edge_index[0]
    dst = edge_index[1]
    h_src = final_embeddings[src]
    h_dst = final_embeddings[dst]
    edge_input = jnp.concatenate([h_src, h_dst, edge_attr], axis=1)
    hidden = jax.nn.relu(edge_input @ mlp_W1.T + mlp_b1)
    logits = (hidden @ mlp_W2.T + mlp_b2).squeeze(-1)
    return logits

if __name__ == "__main__":
    import jax
    _d = setup_inputs()
    print(jax.jit(kernel)(*tuple(_d.values())))

</pallas_src>

<mosaic_0001>
#map = affine_map<(d0, d1) -> (0, 0, 0)>
#map1 = affine_map<(d0, d1) -> (0, 0)>
#map2 = affine_map<(d0, d1) -> (0, 0, 0, 0)>
#map3 = affine_map<(d0, d1) -> (0)>
module attributes {stable_mosaic.version = 14 : i64} {
  func.func @_edge_body(%arg0: i32, %arg1: i32, %arg2: memref<32x200x50xi32, #tpu.memory_space<hbm>>, %arg3: memref<32x200x50xi32, #tpu.memory_space<hbm>>, %arg4: memref<10000x128xf32, #tpu.memory_space<hbm>>, %arg5: memref<10000x128xf32, #tpu.memory_space<hbm>>, %arg6: memref<32x200x50x128xf32, #tpu.memory_space<hbm>>, %arg7: memref<128xf32, #tpu.memory_space<hbm>>, %arg8: memref<32x200x50x16xf32, #tpu.memory_space<hbm>>, %arg9: memref<200x50xi32, #tpu.memory_space<vmem>>, %arg10: memref<200x50xi32, #tpu.memory_space<vmem>>, %arg11: memref<50x128xf32, #tpu.memory_space<vmem>>, %arg12: memref<50x128xf32, #tpu.memory_space<vmem>>, %arg13: memref<50x128xf32, #tpu.memory_space<vmem>>, %arg14: memref<50x16xf32, #tpu.memory_space<vmem>>, %arg15: memref<50x128xf32, #tpu.memory_space<vmem>>, %arg16: memref<50x128xf32, #tpu.memory_space<vmem>>, %arg17: memref<50x128xf32, #tpu.memory_space<vmem>>, %arg18: memref<50x16xf32, #tpu.memory_space<vmem>>, %arg19: memref<128xf32, #tpu.memory_space<vmem>>, %arg20: memref<!tpu.dma_semaphore, #tpu.memory_space<semaphore_mem>>, %arg21: memref<!tpu.dma_semaphore, #tpu.memory_space<semaphore_mem>>, %arg22: memref<!tpu.dma_semaphore, #tpu.memory_space<semaphore_mem>>, %arg23: memref<!tpu.dma_semaphore, #tpu.memory_space<semaphore_mem>>) attributes {dimension_semantics = [#tpu.dimension_semantics<core_parallel>, #tpu.dimension_semantics<subcore_parallel>], iteration_bounds = array<i64: 2, 16>, scalar_prefetch = 0 : i64, scratch_operands = 15 : i64, tpu.core_type = #tpu.core_type<sc_vector_subcore>, window_params = [{transform_indices = #map}, {transform_indices = #map}, {transform_indices = #map1}, {transform_indices = #map1}, {transform_indices = #map2}, {transform_indices = #map3}, {transform_indices = #map2}]} {
    %mul3A = arith.constant 16 : i32
    %mul3A_0 = arith.muli %arg0, %mul3A : i32
    %add3A = arith.addi %mul3A_0, %arg1 : i32
    "tpu.region"() ({
      %run_scoped3A = tpu.sem_alloc : memref<!tpu.dma_semaphore, #tpu.memory_space<semaphore_mem>>
      %dma_start3A_91 = arith.constant 0 : i32
      %dma_start3A_92 = arith.constant 0 : i32
      %dma_start3A_93 = tpu.memref_slice %arg2[%add3A, %dma_start3A_91, %dma_start3A_92] : memref<32x200x50xi32, #tpu.memory_space<hbm>> -> memref<1x200x50xi32, #tpu.memory_space<hbm>>
      %dma_start3A_94 = tpu.memref_squeeze %dma_start3A_93 : memref<1x200x50xi32, #tpu.memory_space<hbm>> -> memref<200x50xi32, #tpu.memory_space<hbm>>
      %dma_start3A_95 = arith.constant 0 : i32
      %dma_start3A_96 = arith.constant 0 : i32
      %dma_start3A_97 = tpu.memref_slice %arg2[%add3A, %dma_start3A_95, %dma_start3A_96] : memref<32x200x50xi32, #tpu.memory_space<hbm>> -> memref<1x200x50xi32, #tpu.memory_space<hbm>>
      %dma_start3A_98 = tpu.memref_squeeze %dma_start3A_97 : memref<1x200x50xi32, #tpu.memory_space<hbm>> -> memref<200x50xi32, #tpu.memory_space<hbm>>
      tpu.enqueue_dma source(%dma_start3A_98 : memref<200x50xi32, #tpu.memory_space<hbm>>) target(%arg9 : memref<200x50xi32, #tpu.memory_space<vmem>>) target_semaphore(%run_scoped3A : memref<!tpu.dma_semaphore, #tpu.memory_space<semaphore_mem>>)
      %dma_wait3A_99 = arith.constant 0 : i32
      %dma_wait3A_100 = arith.constant 0 : i32
      %dma_wait3A_101 = tpu.memref_slice %arg2[%add3A, %dma_wait3A_99, %dma_wait3A_100] : memref<32x200x50xi32, #tpu.memory_space<hbm>> -> memref<1x200x50xi32, #tpu.memory_space<hbm>>
      %dma_wait3A_102 = tpu.memref_squeeze %dma_wait3A_101 : memref<1x200x50xi32, #tpu.memory_space<hbm>> -> memref<200x50xi32, #tpu.memory_space<hbm>>
      %dma_wait3A_103 = arith.constant 0 : i32
      %dma_wait3A_104 = arith.constant 0 : i32
      %dma_wait3A_105 = tpu.memref_slice %arg2[%add3A, %dma_wait3A_103, %dma_wait3A_104] : memref<32x200x50xi32, #tpu.memory_space<hbm>> -> memref<1x200x50xi32, #tpu.memory_space<hbm>>
      %dma_wait3A_106 = tpu.memref_squeeze %dma_wait3A_105 : memref<1x200x50xi32, #tpu.memory_space<hbm>> -> memref<200x50xi32, #tpu.memory_space<hbm>>
      tpu.wait_dma2 semaphore(%run_scoped3A : memref<!tpu.dma_semaphore, #tpu.memory_space<semaphore_mem>>) src(%dma_wait3A_106 : memref<200x50xi32, #tpu.memory_space<hbm>>) dst(%arg9 : memref<200x50xi32, #tpu.memory_space<vmem>>)
      tpu.yield
    }) : () -> ()
    "tpu.region"() ({
      %run_scoped3A = tpu.sem_alloc : memref<!tpu.dma_semaphore, #tpu.memory_space<semaphore_mem>>
      %dma_start3A_91 = arith.constant 0 : i32
      %dma_start3A_92 = arith.constant 0 : i32
      %dma_start3A_93 = tpu.memref_slice %arg3[%add3A, %dma_start3A_91, %dma_start3A_92] : memref<32x200x50xi32, #tpu.memory_space<hbm>> -> memref<1x200x50xi32, #tpu.memory_space<hbm>>
      %dma_start3A_94 = tpu.memref_squeeze %dma_start3A_93 : memref<1x200x50xi32, #tpu.memory_space<hbm>> -> memref<200x50xi32, #tpu.memory_space<hbm>>
      %dma_start3A_95 = arith.constant 0 : i32
      %dma_start3A_96 = arith.constant 0 : i32
      %dma_start3A_97 = tpu.memref_slice %arg3[%add3A, %dma_start3A_95, %dma_start3A_96] : memref<32x200x50xi32, #tpu.memory_space<hbm>> -> memref<1x200x50xi32, #tpu.memory_space<hbm>>
      %dma_start3A_98 = tpu.memref_squeeze %dma_start3A_97 : memref<1x200x50xi32, #tpu.memory_space<hbm>> -> memref<200x50xi32, #tpu.memory_space<hbm>>
      tpu.enqueue_dma source(%dma_start3A_98 : memref<200x50xi32, #tpu.memory_space<hbm>>) target(%arg10 : memref<200x50xi32, #tpu.memory_space<vmem>>) target_semaphore(%run_scoped3A : memref<!tpu.dma_semaphore, #tpu.memory_space<semaphore_mem>>)
      %dma_wait3A_99 = arith.constant 0 : i32
      %dma_wait3A_100 = arith.constant 0 : i32
      %dma_wait3A_101 = tpu.memref_slice %arg3[%add3A, %dma_wait3A_99, %dma_wait3A_100] : memref<32x200x50xi32, #tpu.memory_space<hbm>> -> memref<1x200x50xi32, #tpu.memory_space<hbm>>
      %dma_wait3A_102 = tpu.memref_squeeze %dma_wait3A_101 : memref<1x200x50xi32, #tpu.memory_space<hbm>> -> memref<200x50xi32, #tpu.memory_space<hbm>>
      %dma_wait3A_103 = arith.constant 0 : i32
      %dma_wait3A_104 = arith.constant 0 : i32
      %dma_wait3A_105 = tpu.memref_slice %arg3[%add3A, %dma_wait3A_103, %dma_wait3A_104] : memref<32x200x50xi32, #tpu.memory_space<hbm>> -> memref<1x200x50xi32, #tpu.memory_space<hbm>>
      %dma_wait3A_106 = tpu.memref_squeeze %dma_wait3A_105 : memref<1x200x50xi32, #tpu.memory_space<hbm>> -> memref<200x50xi32, #tpu.memory_space<hbm>>
      tpu.wait_dma2 semaphore(%run_scoped3A : memref<!tpu.dma_semaphore, #tpu.memory_space<semaphore_mem>>) src(%dma_wait3A_106 : memref<200x50xi32, #tpu.memory_space<hbm>>) dst(%arg10 : memref<200x50xi32, #tpu.memory_space<vmem>>)
      tpu.yield
    }) : () -> ()
    "tpu.region"() ({
      %run_scoped3A = tpu.sem_alloc : memref<!tpu.dma_semaphore, #tpu.memory_space<semaphore_mem>>
      tpu.enqueue_dma source(%arg7 : memref<128xf32, #tpu.memory_space<hbm>>) target(%arg19 : memref<128xf32, #tpu.memory_space<vmem>>) target_semaphore(%run_scoped3A : memref<!tpu.dma_semaphore, #tpu.memory_space<semaphore_mem>>)
      tpu.wait_dma2 semaphore(%run_scoped3A : memref<!tpu.dma_semaphore, #tpu.memory_space<semaphore_mem>>) src(%arg7 : memref<128xf32, #tpu.memory_space<hbm>>) dst(%arg19 : memref<128xf32, #tpu.memory_space<vmem>>)
      tpu.yield
    }) : () -> ()
    %get3A = arith.constant 0 : index
    %get3A_1 = tpu.vector_load %arg19[%get3A] {strides = array<i32>} : memref<128xf32, #tpu.memory_space<vmem>>, vector<16xf32>,
    %get3A_2 = vector.shape_cast %get3A_1 : vector<16xf32> to vector<16xf32>
    %get3A_3 = arith.constant 16 : index
    %get3A_4 = tpu.vector_load %arg19[%get3A_3] {strides = array<i32>} : memref<128xf32, #tpu.memory_space<vmem>>, vector<16xf32>,
    %get3A_5 = vector.shape_cast %get3A_4 : vector<16xf32> to vector<16xf32>
    %get3A_6 = arith.constant 32 : index
    %get3A_7 = tpu.vector_load %arg19[%get3A_6] {strides = array<i32>} : memref<128xf32, #tpu.memory_space<vmem>>, vector<16xf32>,
    %get3A_8 = vector.shape_cast %get3A_7 : vector<16xf32> to vector<16xf32>
    %get3A_9 = arith.constant 48 : index
    %get3A_10 = tpu.vector_load %arg19[%get3A_9] {strides = array<i32>} : memref<128xf32, #tpu.memory_space<vmem>>, vector<16xf32>,
    %get3A_11 = vector.shape_cast %get3A_10 : vector<16xf32> to vector<16xf32>
    %get3A_12 = arith.constant 64 : index
    %get3A_13 = tpu.vector_load %arg19[%get3A_12] {strides = array<i32>} : memref<128xf32, #tpu.memory_space<vmem>>, vector<16xf32>,
    %get3A_14 = vector.shape_cast %get3A_13 : vector<16xf32> to vector<16xf32>
    %get3A_15 = arith.constant 80 : index
    %get3A_16 = tpu.vector_load %arg19[%get3A_15] {strides = array<i32>} : memref<128xf32, #tpu.memory_space<vmem>>, vector<16xf32>,
    %get3A_17 = vector.shape_cast %get3A_16 : vector<16xf32> to vector<16xf32>
    %get3A_18 = arith.constant 96 : index
    %get3A_19 = tpu.vector_load %arg19[%get3A_18] {strides = array<i32>} : memref<128xf32, #tpu.memory_space<vmem>>, vector<16xf32>,
    %get3A_20 = vector.shape_cast %get3A_19 : vector<16xf32> to vector<16xf32>
    %get3A_21 = arith.constant 112 : index
    %get3A_22 = tpu.vector_load %arg19[%get3A_21] {strides = array<i32>} : memref<128xf32, #tpu.memory_space<vmem>>, vector<16xf32>,
    %get3A_23 = vector.shape_cast %get3A_22 : vector<16xf32> to vector<16xf32>
    %dma_start3A = arith.constant 0 : i32
    %dma_start3A_24 = arith.constant 0 : i32
    %dma_start3A_25 = tpu.memref_slice %arg9[%dma_start3A, %dma_start3A_24] : memref<200x50xi32, #tpu.memory_space<vmem>> -> memref<1x50xi32, #tpu.memory_space<vmem>>
    %dma_start3A_26 = tpu.memref_squeeze %dma_start3A_25 : memref<1x50xi32, #tpu.memory_space<vmem>> -> memref<50xi32, #tpu.memory_space<vmem>>
    %dma_start3A_27 = arith.constant 0 : i32
    %dma_start3A_28 = arith.constant 0 : i32
    %dma_start3A_29 = tpu.memref_slice %arg4[%dma_start3A_27, %dma_start3A_28] : memref<10000x128xf32, #tpu.memory_space<hbm>> -> memref<10000x128xf32, #tpu.memory_space<hbm>>
    tpu.enqueue_indirect_dma source(%dma_start3A_29 : memref<10000x128xf32, #tpu.memory_space<hbm>>) target(%arg11 : memref<50x128xf32, #tpu.memory_space<vmem>>) offsets(%dma_start3A_26 : memref<50xi32, #tpu.memory_space<vmem>>) semaphore(%arg20 : memref<!tpu.dma_semaphore, #tpu.memory_space<semaphore_mem>>)
    %dma_start3A_30 = arith.constant 0 : i32
    %dma_start3A_31 = arith.constant 0 : i32
    %dma_start3A_32 = tpu.memref_slice %arg10[%dma_start3A_30, %dma_start3A_31] : memref<200x50xi32, #tpu.memory_space<vmem>> -> memref<1x50xi32, #tpu.memory_space<vmem>>
    %dma_start3A_33 = tpu.memref_squeeze %dma_start3A_32 : memref<1x50xi32, #tpu.memory_space<vmem>> -> memref<50xi32, #tpu.memory_space<vmem>>
    %dma_start3A_34 = arith.constant 0 : i32
    %dma_start3A_35 = arith.constant 0 : i32
    %dma_start3A_36 = tpu.memref_slice %arg5[%dma_start3A_34, %dma_start3A_35] : memref<10000x128xf32, #tpu.memory_space<hbm>> -> memref<10000x128xf32, #tpu.memory_space<hbm>>
    tpu.enqueue_indirect_dma source(%dma_start3A_36 : memref<10000x128xf32, #tpu.memory_space<hbm>>) target(%arg12 : memref<50x128xf32, #tpu.memory_space<vmem>>) offsets(%dma_start3A_33 : memref<50xi32, #tpu.memory_space<vmem>>) semaphore(%arg20 : memref<!tpu.dma_semaphore, #tpu.memory_space<semaphore_mem>>)
    %dma_start3A_37 = arith.constant 0 : i32
    %dma_start3A_38 = arith.constant 0 : i32
    %dma_start3A_39 = arith.constant 0 : i32
    %dma_start3A_40 = tpu.memref_slice %arg6[%add3A, %dma_start3A_37, %dma_start3A_38, %dma_start3A_39] : memref<32x200x50x128xf32, #tpu.memory_space<hbm>> -> memref<1x1x50x128xf32, #tpu.memory_space<hbm>>
    %dma_start3A_41 = tpu.memref_squeeze %dma_start3A_40 : memref<1x1x50x128xf32, #tpu.memory_space<hbm>> -> memref<50x128xf32, #tpu.memory_space<hbm>>
    %dma_start3A_42 = arith.constant 0 : i32
    %dma_start3A_43 = arith.constant 0 : i32
    %dma_start3A_44 = tpu.memref_slice %arg6[%add3A, %dma_start3A_37, %dma_start3A_42, %dma_start3A_43] : memref<32x200x50x128xf32, #tpu.memory_space<hbm>> -> memref<1x1x50x128xf32, #tpu.memory_space<hbm>>
    %dma_start3A_45 = tpu.memref_squeeze %dma_start3A_44 : memref<1x1x50x128xf32, #tpu.memory_space<hbm>> -> memref<50x128xf32, #tpu.memory_space<hbm>>
    tpu.enqueue_dma source(%dma_start3A_45 : memref<50x128xf32, #tpu.memory_space<hbm>>) target(%arg13 : memref<50x128xf32, #tpu.memory_space<vmem>>) target_semaphore(%arg20 : memref<!tpu.dma_semaphore, #tpu.memory_space<semaphore_mem>>)
    %dma_start3A_46 = arith.constant 1 : i32
    %dma_start3A_47 = arith.constant 0 : i32
    %dma_start3A_48 = tpu.memref_slice %arg9[%dma_start3A_46, %dma_start3A_47] : memref<200x50xi32, #tpu.memory_space<vmem>> -> memref<1x50xi32, #tpu.memory_space<vmem>>
    %dma_start3A_49 = tpu.memref_squeeze %dma_start3A_48 : memref<1x50xi32, #tpu.memory_space<vmem>> -> memref<50xi32, #tpu.memory_space<vmem>>
    %dma_start3A_50 = arith.constant 0 : i32
    %dma_start3A_51 = arith.constant 0 : i32
    %dma_start3A_52 = tpu.memref_slice %arg4[%dma_start3A_50, %dma_start3A_51] : memref<10000x128xf32, #tpu.memory_space<hbm>> -> memref<10000x128xf32, #tpu.memory_space<hbm>>
    tpu.enqueue_indirect_dma source(%dma_start3A_52 : memref<10000x128xf32, #tpu.memory_space<hbm>>) target(%arg15 : memref<50x128xf32, #tpu.memory_space<vmem>>) offsets(%dma_start3A_49 : memref<50xi32, #tpu.memory_space<vmem>>) semaphore(%arg21 : memref<!tpu.dma_semaphore, #tpu.memory_space<semaphore_mem>>)
    %dma_start3A_53 = arith.constant 1 : i32
    %dma_start3A_54 = arith.constant 0 : i32
    %dma_start3A_55 = tpu.memref_slice %arg10[%dma_start3A_53, %dma_start3A_54] : memref<200x50xi32, #tpu.memory_space<vmem>> -> memref<1x50xi32, #tpu.memory_space<vmem>>
    %dma_start3A_56 = tpu.memref_squeeze %dma_start3A_55 : memref<1x50xi32, #tpu.memory_space<vmem>> -> memref<50xi32, #tpu.memory_space<vmem>>
    %dma_start3A_57 = arith.constant 0 : i32
    %dma_start3A_58 = arith.constant 0 : i32
    %dma_start3A_59 = tpu.memref_slice %arg5[%dma_start3A_57, %dma_start3A_58] : memref<10000x128xf32, #tpu.memory_space<hbm>> -> memref<10000x128xf32, #tpu.memory_space<hbm>>
    tpu.enqueue_indirect_dma source(%dma_start3A_59 : memref<10000x128xf32, #tpu.memory_space<hbm>>) target(%arg16 : memref<50x128xf32, #tpu.memory_space<vmem>>) offsets(%dma_start3A_56 : memref<50xi32, #tpu.memory_space<vmem>>) semaphore(%arg21 : memref<!tpu.dma_semaphore, #tpu.memory_space<semaphore_mem>>)
    %dma_start3A_60 = arith.constant 1 : i32
    %dma_start3A_61 = arith.constant 0 : i32
    %dma_start3A_62 = arith.constant 0 : i32
    %dma_start3A_63 = tpu.memref_slice %arg6[%add3A, %dma_start3A_60, %dma_start3A_61, %dma_start3A_62] : memref<32x200x50x128xf32, #tpu.memory_space<hbm>> -> memref<1x1x50x128xf32, #tpu.memory_space<hbm>>
    %dma_start3A_64 = tpu.memref_squeeze %dma_start3A_63 : memref<1x1x50x128xf32, #tpu.memory_space<hbm>> -> memref<50x128xf32, #tpu.memory_space<hbm>>
    %dma_start3A_65 = arith.constant 0 : i32
    %dma_start3A_66 = arith.constant 0 : i32
    %dma_start3A_67 = tpu.memref_slice %arg6[%add3A, %dma_start3A_60, %dma_start3A_65, %dma_start3A_66] : memref<32x200x50x128xf32, #tpu.memory_space<hbm>> -> memref<1x1x50x128xf32, #tpu.memory_space<hbm>>
    %dma_start3A_68 = tpu.memref_squeeze %dma_start3A_67 : memref<1x1x50x128xf32, #tpu.memory_space<hbm>> -> memref<50x128xf32, #tpu.memory_space<hbm>>
    tpu.enqueue_dma source(%dma_start3A_68 : memref<50x128xf32, #tpu.memory_space<hbm>>) target(%arg17 : memref<50x128xf32, #tpu.memory_space<vmem>>) target_semaphore(%arg21 : memref<!tpu.dma_semaphore, #tpu.memory_space<semaphore_mem>>)
    %scan3A = arith.constant 0 : i32
    %scan3A_69 = arith.constant 0 : i32
    %scan3A_70 = arith.constant 100 : i32
    %scan3A_71 = arith.addi %scan3A_69, %scan3A_70 : i32
    %scan3A_72 = arith.constant 1 : i32
    scf.for %scan3A_91 = %scan3A_69 to %scan3A_71 step %scan3A_72  : i32 {
      %mul3A_92 = arith.constant 2 : i32
      %mul3A_93 = arith.muli %mul3A_92, %scan3A_91 : i32
      %add3A_94 = arith.constant 0 : i32
      %add3A_95 = arith.addi %mul3A_93, %add3A_94 : i32
      %dma_wait3A_96 = arith.constant 0 : i32
      %dma_wait3A_97 = arith.constant 0 : i32
      %dma_wait3A_98 = arith.constant 0 : i32
      %dma_wait3A_99 = tpu.memref_slice %arg6[%add3A, %dma_wait3A_96, %dma_wait3A_97, %dma_wait3A_98] : memref<32x200x50x128xf32, #tpu.memory_space<hbm>> -> memref<1x1x50x128xf32, #tpu.memory_space<hbm>>
      %dma_wait3A_100 = tpu.memref_squeeze %dma_wait3A_99 : memref<1x1x50x128xf32, #tpu.memory_space<hbm>> -> memref<50x128xf32, #tpu.memory_space<hbm>>
      %dma_wait3A_101 = arith.constant 0 : i32
      %dma_wait3A_102 = arith.constant 0 : i32
      %dma_wait3A_103 = tpu.memref_slice %arg6[%add3A, %dma_wait3A_96, %dma_wait3A_101, %dma_wait3A_102] : memref<32x200x50x128xf32, #tpu.memory_space<hbm>> -> memref<1x1x50x128xf32, #tpu.memory_space<hbm>>
      %dma_wait3A_104 = tpu.memref_squeeze %dma_wait3A_103 : memref<1x1x50x128xf32, #tpu.memory_space<hbm>> -> memref<50x128xf32, #tpu.memory_space<hbm>>
      tpu.wait_dma2 semaphore(%arg20 : memref<!tpu.dma_semaphore, #tpu.memory_space<semaphore_mem>>) src(%dma_wait3A_104 : memref<50x128xf32, #tpu.memory_space<hbm>>) dst(%arg11 : memref<50x128xf32, #tpu.memory_space<vmem>>)
      %dma_wait3A_105 = arith.constant 0 : i32
      %dma_wait3A_106 = arith.constant 0 : i32
      %dma_wait3A_107 = arith.constant 0 : i32
      %dma_wait3A_108 = tpu.memref_slice %arg6[%add3A, %dma_wait3A_105, %dma_wait3A_106, %dma_wait3A_107] : memref<32x200x50x128xf32, #tpu.memory_space<hbm>> -> memref<1x1x50x128xf32, #tpu.memory_space<hbm>>
      %dma_wait3A_109 = tpu.memref_squeeze %dma_wait3A_108 : memref<1x1x50x128xf32, #tpu.memory_space<hbm>> -> memref<50x128xf32, #tpu.memory_space<hbm>>
      %dma_wait3A_110 = arith.constant 0 : i32
      %dma_wait3A_111 = arith.constant 0 : i32
      %dma_wait3A_112 = tpu.memref_slice %arg6[%add3A, %dma_wait3A_105, %dma_wait3A_110, %dma_wait3A_111] : memref<32x200x50x128xf32, #tpu.memory_space<hbm>> -> memref<1x1x50x128xf32, #tpu.memory_space<hbm>>
      %dma_wait3A_113 = tpu.memref_squeeze %dma_wait3A_112 : memref<1x1x50x128xf32, #tpu.memory_space<hbm>> -> memref<50x128xf32, #tpu.memory_space<hbm>>
      tpu.wait_dma2 semaphore(%arg20 : memref<!tpu.dma_semaphore, #tpu.memory_space<semaphore_mem>>) src(%dma_wait3A_113 : memref<50x128xf32, #tpu.memory_space<hbm>>) dst(%arg12 : memref<50x128xf32, #tpu.memory_space<vmem>>)
      %dma_wait3A_114 = arith.constant 0 : i32
      %dma_wait3A_115 = arith.constant 0 : i32
      %dma_wait3A_116 = arith.constant 0 : i32
      %dma_wait3A_117 = tpu.memref_slice %arg6[%add3A, %dma_wait3A_114, %dma_wait3A_115, %dma_wait3A_116] : memref<32x200x50x128xf32, #tpu.memory_space<hbm>> -> memref<1x1x50x128xf32, #tpu.memory_space<hbm>>
      %dma_wait3A_118 = tpu.memref_squeeze %dma_wait3A_117 : memref<1x1x50x128xf32, #tpu.memory_space<hbm>> -> memref<50x128xf32, #tpu.memory_space<hbm>>
      %dma_wait3A_119 = arith.constant 0 : i32
      %dma_wait3A_120 = arith.constant 0 : i32
      %dma_wait3A_121 = tpu.memref_slice %arg6[%add3A, %dma_wait3A_114, %dma_wait3A_119, %dma_wait3A_120] : memref<32x200x50x128xf32, #tpu.memory_space<hbm>> -> memref<1x1x50x128xf32, #tpu.memory_space<hbm>>
      %dma_wait3A_122 = tpu.memref_squeeze %dma_wait3A_121 : memref<1x1x50x128xf32, #tpu.memory_space<hbm>> -> memref<50x128xf32, #tpu.memory_space<hbm>>
      tpu.wait_dma2 semaphore(%arg20 : memref<!tpu.dma_semaphore, #tpu.memory_space<semaphore_mem>>) src(%dma_wait3A_122 : memref<50x128xf32, #tpu.memory_space<hbm>>) dst(%arg13 : memref<50x128xf32, #tpu.memory_space<vmem>>)
      %gt3A = arith.constant 0 : i32
      %gt3A_123 = arith.cmpi sgt, %scan3A_91, %gt3A : i32
      %convert_element_type3A = arith.extui %gt3A_123 : i1 to i32
      %cond3A = arith.constant 0 : i32
      %cond3A_124 = arith.cmpi ne, %convert_element_type3A, %cond3A : i32
      scf.if %cond3A_124 {
        %dma_wait3A_195 = arith.constant 0 : i32
        %dma_wait3A_196 = arith.constant 0 : i32
        %dma_wait3A_197 = arith.constant 0 : i32
        %dma_wait3A_198 = tpu.memref_slice %arg8[%add3A, %dma_wait3A_195, %dma_wait3A_196, %dma_wait3A_197] : memref<32x200x50x16xf32, #tpu.memory_space<hbm>> -> memref<1x1x50x16xf32, #tpu.memory_space<hbm>>
        %dma_wait3A_199 = tpu.memref_squeeze %dma_wait3A_198 : memref<1x1x50x16xf32, #tpu.memory_space<hbm>> -> memref<50x16xf32, #tpu.memory_space<hbm>>
        %dma_wait3A_200 = arith.constant 0 : i32
        %dma_wait3A_201 = arith.constant 0 : i32
        %dma_wait3A_202 = tpu.memref_slice %arg8[%add3A, %dma_wait3A_195, %dma_wait3A_200, %dma_wait3A_201] : memref<32x200x50x16xf32, #tpu.memory_space<hbm>> -> memref<1x1x50x16xf32, #tpu.memory_space<hbm>>
        %dma_wait3A_203 = tpu.memref_squeeze %dma_wait3A_202 : memref<1x1x50x16xf32, #tpu.memory_space<hbm>> -> memref<50x16xf32, #tpu.memory_space<hbm>>
        tpu.wait_dma2 semaphore(%arg22 : memref<!tpu.dma_semaphore, #tpu.memory_space<semaphore_mem>>) src(%arg14 : memref<50x16xf32, #tpu.memory_space<vmem>>) dst(%dma_wait3A_203 : memref<50x16xf32, #tpu.memory_space<hbm>>)
      } else {
      }
      %parallel_loop3A = arith.constant 0 : i32
      %parallel_loop3A_125 = arith.constant 50 : i32
      %parallel_loop3A_126 = arith.constant 1 : i32
      scf.for %parallel_loop3A_195 = %parallel_loop3A to %parallel_loop3A_125 step %parallel_loop3A_126  : i32 {
        %parallel_loop3A_196 = arith.constant 0.000000e+00 : f32
        %parallel_loop3A_197 = vector.broadcast %parallel_loop3A_196 : f32 to vector<16xf32>
        %parallel_loop3A_198 = arith.index_cast %parallel_loop3A_195 : i32 to index
        %parallel_loop3A_199 = arith.constant 0 : index
        %parallel_loop3A_200 = tpu.vector_load %arg11[%parallel_loop3A_198, %parallel_loop3A_199] {strides = array<i32>} : memref<50x128xf32, #tpu.memory_space<vmem>>, vector<1x16xf32>,
        %parallel_loop3A_201 = vector.shape_cast %parallel_loop3A_200 : vector<1x16xf32> to vector<16xf32>
        %parallel_loop3A_202 = arith.index_cast %parallel_loop3A_195 : i32 to index
        %parallel_loop3A_203 = arith.constant 0 : index
        %parallel_loop3A_204 = tpu.vector_load %arg12[%parallel_loop3A_202, %parallel_loop3A_203] {strides = array<i32>} : memref<50x128xf32, #tpu.memory_space<vmem>>, vector<1x16xf32>,
        %parallel_loop3A_205 = vector.shape_cast %parallel_loop3A_204 : vector<1x16xf32> to vector<16xf32>
        %parallel_loop3A_206 = arith.index_cast %parallel_loop3A_195 : i32 to index
        %parallel_loop3A_207 = arith.constant 0 : index
        %parallel_loop3A_208 = tpu.vector_load %arg13[%parallel_loop3A_206, %parallel_loop3A_207] {strides = array<i32>} : memref<50x128xf32, #tpu.memory_space<vmem>>, vector<1x16xf32>,
        %parallel_loop3A_209 = vector.shape_cast %parallel_loop3A_208 : vector<1x16xf32> to vector<16xf32>
        %parallel_loop3A_210 = arith.addf %parallel_loop3A_201, %parallel_loop3A_205 : vector<16xf32>
        %parallel_loop3A_211 = arith.addf %parallel_loop3A_210, %parallel_loop3A_209 : vector<16xf32>
        %parallel_loop3A_212 = arith.constant 0.000000e+00 : f32
        %parallel_loop3A_213 = vector.broadcast %parallel_loop3A_212 : f32 to vector<16xf32>
        %parallel_loop3A_214 = arith.maximumf %parallel_loop3A_211, %parallel_loop3A_213 : vector<16xf32>
        %parallel_loop3A_215 = arith.mulf %parallel_loop3A_214, %get3A_2 : vector<16xf32>
        %parallel_loop3A_216 = arith.addf %parallel_loop3A_197, %parallel_loop3A_215 : vector<16xf32>
        %parallel_loop3A_217 = arith.index_cast %parallel_loop3A_195 : i32 to index
        %parallel_loop3A_218 = arith.constant 16 : index
        %parallel_loop3A_219 = tpu.vector_load %arg11[%parallel_loop3A_217, %parallel_loop3A_218] {strides = array<i32>} : memref<50x128xf32, #tpu.memory_space<vmem>>, vector<1x16xf32>,
        %parallel_loop3A_220 = vector.shape_cast %parallel_loop3A_219 : vector<1x16xf32> to vector<16xf32>
        %parallel_loop3A_221 = arith.index_cast %parallel_loop3A_195 : i32 to index
        %parallel_loop3A_222 = arith.constant 16 : index
        %parallel_loop3A_223 = tpu.vector_load %arg12[%parallel_loop3A_221, %parallel_loop3A_222] {strides = array<i32>} : memref<50x128xf32, #tpu.memory_space<vmem>>, vector<1x16xf32>,
        %parallel_loop3A_224 = vector.shape_cast %parallel_loop3A_223 : vector<1x16xf32> to vector<16xf32>
        %parallel_loop3A_225 = arith.index_cast %parallel_loop3A_195 : i32 to index
        %parallel_loop3A_226 = arith.constant 16 : index
        %parallel_loop3A_227 = tpu.vector_load %arg13[%parallel_loop3A_225, %parallel_loop3A_226] {strides = array<i32>} : memref<50x128xf32, #tpu.memory_space<vmem>>, vector<1x16xf32>,
        %parallel_loop3A_228 = vector.shape_cast %parallel_loop3A_227 : vector<1x16xf32> to vector<16xf32>
        %parallel_loop3A_229 = arith.addf %parallel_loop3A_220, %parallel_loop3A_224 : vector<16xf32>
        %parallel_loop3A_230 = arith.addf %parallel_loop3A_229, %parallel_loop3A_228 : vector<16xf32>
        %parallel_loop3A_231 = arith.constant 0.000000e+00 : f32
        %parallel_loop3A_232 = vector.broadcast %parallel_loop3A_231 : f32 to vector<16xf32>
        %parallel_loop3A_233 = arith.maximumf %parallel_loop3A_230, %parallel_loop3A_232 : vector<16xf32>
        %parallel_loop3A_234 = arith.mulf %parallel_loop3A_233, %get3A_5 : vector<16xf32>
        %parallel_loop3A_235 = arith.addf %parallel_loop3A_216, %parallel_loop3A_234 : vector<16xf32>
        %parallel_loop3A_236 = arith.index_cast %parallel_loop3A_195 : i32 to index
        %parallel_loop3A_237 = arith.constant 32 : index
        %parallel_loop3A_238 = tpu.vector_load %arg11[%parallel_loop3A_236, %parallel_loop3A_237] {strides = array<i32>} : memref<50x128xf32, #tpu.memory_space<vmem>>, vector<1x16xf32>,
        %parallel_loop3A_239 = vector.shape_cast %parallel_loop3A_238 : vector<1x16xf32> to vector<16xf32>
        %parallel_loop3A_240 = arith.index_cast %parallel_loop3A_195 : i32 to index
        %parallel_loop3A_241 = arith.constant 32 : index
        %parallel_loop3A_242 = tpu.vector_load %arg12[%parallel_loop3A_240, %parallel_loop3A_241] {strides = array<i32>} : memref<50x128xf32, #tpu.memory_space<vmem>>, vector<1x16xf32>,
        %parallel_loop3A_243 = vector.shape_cast %parallel_loop3A_242 : vector<1x16xf32> to vector<16xf32>
        %parallel_loop3A_244 = arith.index_cast %parallel_loop3A_195 : i32 to index
        %parallel_loop3A_245 = arith.constant 32 : index
        %parallel_loop3A_246 = tpu.vector_load %arg13[%parallel_loop3A_244, %parallel_loop3A_245] {strides = array<i32>} : memref<50x128xf32, #tpu.memory_space<vmem>>, vector<1x16xf32>,
        %parallel_loop3A_247 = vector.shape_cast %parallel_loop3A_246 : vector<1x16xf32> to vector<16xf32>
        %parallel_loop3A_248 = arith.addf %parallel_loop3A_239, %parallel_loop3A_243 : vector<16xf32>
        %parallel_loop3A_249 = arith.addf %parallel_loop3A_248, %parallel_loop3A_247 : vector<16xf32>
        %parallel_loop3A_250 = arith.constant 0.000000e+00 : f32
        %parallel_loop3A_251 = vector.broadcast %parallel_loop3A_250 : f32 to vector<16xf32>
        %parallel_loop3A_252 = arith.maximumf %parallel_loop3A_249, %parallel_loop3A_251 : vector<16xf32>
        %parallel_loop3A_253 = arith.mulf %parallel_loop3A_252, %get3A_8 : vector<16xf32>
        %parallel_loop3A_254 = arith.addf %parallel_loop3A_235, %parallel_loop3A_253 : vector<16xf32>
        %parallel_loop3A_255 = arith.index_cast %parallel_loop3A_195 : i32 to index
        %parallel_loop3A_256 = arith.constant 48 : index
        %parallel_loop3A_257 = tpu.vector_load %arg11[%parallel_loop3A_255, %parallel_loop3A_256] {strides = array<i32>} : memref<50x128xf32, #tpu.memory_space<vmem>>, vector<1x16xf32>,
        %parallel_loop3A_258 = vector.shape_cast %parallel_loop3A_257 : vector<1x16xf32> to vector<16xf32>
        %parallel_loop3A_259 = arith.index_cast %parallel_loop3A_195 : i32 to index
        %parallel_loop3A_260 = arith.constant 48 : index
        %parallel_loop3A_261 = tpu.vector_load %arg12[%parallel_loop3A_259, %parallel_loop3A_260] {strides = array<i32>} : memref<50x128xf32, #tpu.memory_space<vmem>>, vector<1x16xf32>,
        %parallel_loop3A_262 = vector.shape_cast %parallel_loop3A_261 : vector<1x16xf32> to vector<16xf32>
        %parallel_loop3A_263 = arith.index_cast %parallel_loop3A_195 : i32 to index
        %parallel_loop3A_264 = arith.constant 48 : index
        %parallel_loop3A_265 = tpu.vector_load %arg13[%parallel_loop3A_263, %parallel_loop3A_264] {strides = array<i32>} : memref<50x128xf32, #tpu.memory_space<vmem>>, vector<1x16xf32>,
        %parallel_loop3A_266 = vector.shape_cast %parallel_loop3A_265 : vector<1x16xf32> to vector<16xf32>
        %parallel_loop3A_267 = arith.addf %parallel_loop3A_258, %parallel_loop3A_262 : vector<16xf32>
        %parallel_loop3A_268 = arith.addf %parallel_loop3A_267, %parallel_loop3A_266 : vector<16xf32>
        %parallel_loop3A_269 = arith.constant 0.000000e+00 : f32
        %parallel_loop3A_270 = vector.broadcast %parallel_loop3A_269 : f32 to vector<16xf32>
        %parallel_loop3A_271 = arith.maximumf %parallel_loop3A_268, %parallel_loop3A_270 : vector<16xf32>
        %parallel_loop3A_272 = arith.mulf %parallel_loop3A_271, %get3A_11 : vector<16xf32>
        %parallel_loop3A_273 = arith.addf %parallel_loop3A_254, %parallel_loop3A_272 : vector<16xf32>
        %parallel_loop3A_274 = arith.index_cast %parallel_loop3A_195 : i32 to index
        %parallel_loop3A_275 = arith.constant 64 : index
        %parallel_loop3A_276 = tpu.vector_load %arg11[%parallel_loop3A_274, %parallel_loop3A_275] {strides = array<i32>} : memref<50x128xf32, #tpu.memory_space<vmem>>, vector<1x16xf32>,
        %parallel_loop3A_277 = vector.shape_cast %parallel_loop3A_276 : vector<1x16xf32> to vector<16xf32>
        %parallel_loop3A_278 = arith.index_cast %parallel_loop3A_195 : i32 to index
        %parallel_loop3A_279 = arith.constant 64 : index
        %parallel_loop3A_280 = tpu.vector_load %arg12[%parallel_loop3A_278, %parallel_loop3A_279] {strides = array<i32>} : memref<50x128xf32, #tpu.memory_space<vmem>>, vector<1x16xf32>,
        %parallel_loop3A_281 = vector.shape_cast %parallel_loop3A_280 : vector<1x16xf32> to vector<16xf32>
        %parallel_loop3A_282 = arith.index_cast %parallel_loop3A_195 : i32 to index
        %parallel_loop3A_283 = arith.constant 64 : index
        %parallel_loop3A_284 = tpu.vector_load %arg13[%parallel_loop3A_282, %parallel_loop3A_283] {strides = array<i32>} : memref<50x128xf32, #tpu.memory_space<vmem>>, vector<1x16xf32>,
        %parallel_loop3A_285 = vector.shape_cast %parallel_loop3A_284 : vector<1x16xf32> to vector<16xf32>
        %parallel_loop3A_286 = arith.addf %parallel_loop3A_277, %parallel_loop3A_281 : vector<16xf32>
        %parallel_loop3A_287 = arith.addf %parallel_loop3A_286, %parallel_loop3A_285 : vector<16xf32>
        %parallel_loop3A_288 = arith.constant 0.000000e+00 : f32
        %parallel_loop3A_289 = vector.broadcast %parallel_loop3A_288 : f32 to vector<16xf32>
        %parallel_loop3A_290 = arith.maximumf %parallel_loop3A_287, %parallel_loop3A_289 : vector<16xf32>
        %parallel_loop3A_291 = arith.mulf %parallel_loop3A_290, %get3A_14 : vector<16xf32>
        %parallel_loop3A_292 = arith.addf %parallel_loop3A_273, %parallel_loop3A_291 : vector<16xf32>
        %parallel_loop3A_293 = arith.index_cast %parallel_loop3A_195 : i32 to index
        %parallel_loop3A_294 = arith.constant 80 : index
        %parallel_loop3A_295 = tpu.vector_load %arg11[%parallel_loop3A_293, %parallel_loop3A_294] {strides = array<i32>} : memref<50x128xf32, #tpu.memory_space<vmem>>, vector<1x16xf32>,
        %parallel_loop3A_296 = vector.shape_cast %parallel_loop3A_295 : vector<1x16xf32> to vector<16xf32>
        %parallel_loop3A_297 = arith.index_cast %parallel_loop3A_195 : i32 to index
        %parallel_loop3A_298 = arith.constant 80 : index
        %parallel_loop3A_299 = tpu.vector_load %arg12[%parallel_loop3A_297, %parallel_loop3A_298] {strides = array<i32>} : memref<50x128xf32, #tpu.memory_space<vmem>>, vector<1x16xf32>,
        %parallel_loop3A_300 = vector.shape_cast %parallel_loop3A_299 : vector<1x16xf32> to vector<16xf32>
        %parallel_loop3A_301 = arith.index_cast %parallel_loop3A_195 : i32 to index
        %parallel_loop3A_302 = arith.constant 80 : index
        %parallel_loop3A_303 = tpu.vector_load %arg13[%parallel_loop3A_301, %parallel_loop3A_302] {strides = array<i32>} : memref<50x128xf32, #tpu.memory_space<vmem>>, vector<1x16xf32>,
        %parallel_loop3A_304 = vector.shape_cast %parallel_loop3A_303 : vector<1x16xf32> to vector<16xf32>
        %parallel_loop3A_305 = arith.addf %parallel_loop3A_296, %parallel_loop3A_300 : vector<16xf32>
        %parallel_loop3A_306 = arith.addf %parallel_loop3A_305, %parallel_loop3A_304 : vector<16xf32>
        %parallel_loop3A_307 = arith.constant 0.000000e+00 : f32
        %parallel_loop3A_308 = vector.broadcast %parallel_loop3A_307 : f32 to vector<16xf32>
        %parallel_loop3A_309 = arith.maximumf %parallel_loop3A_306, %parallel_loop3A_308 : vector<16xf32>
        %parallel_loop3A_310 = arith.mulf %parallel_loop3A_309, %get3A_17 : vector<16xf32>
        %parallel_loop3A_311 = arith.addf %parallel_loop3A_292, %parallel_loop3A_310 : vector<16xf32>
        %parallel_loop3A_312 = arith.index_cast %parallel_loop3A_195 : i32 to index
        %parallel_loop3A_313 = arith.constant 96 : index
        %parallel_loop3A_314 = tpu.vector_load %arg11[%parallel_loop3A_312, %parallel_loop3A_313] {strides = array<i32>} : memref<50x128xf32, #tpu.memory_space<vmem>>, vector<1x16xf32>,
        %parallel_loop3A_315 = vector.shape_cast %parallel_loop3A_314 : vector<1x16xf32> to vector<16xf32>
        %parallel_loop3A_316 = arith.index_cast %parallel_loop3A_195 : i32 to index
        %parallel_loop3A_317 = arith.constant 96 : index
        %parallel_loop3A_318 = tpu.vector_load %arg12[%parallel_loop3A_316, %parallel_loop3A_317] {strides = array<i32>} : memref<50x128xf32, #tpu.memory_space<vmem>>, vector<1x16xf32>,
        %parallel_loop3A_319 = vector.shape_cast %parallel_loop3A_318 : vector<1x16xf32> to vector<16xf32>
        %parallel_loop3A_320 = arith.index_cast %parallel_loop3A_195 : i32 to index
        %parallel_loop3A_321 = arith.constant 96 : index
        %parallel_loop3A_322 = tpu.vector_load %arg13[%parallel_loop3A_320, %parallel_loop3A_321] {strides = array<i32>} : memref<50x128xf32, #tpu.memory_space<vmem>>, vector<1x16xf32>,
        %parallel_loop3A_323 = vector.shape_cast %parallel_loop3A_322 : vector<1x16xf32> to vector<16xf32>
        %parallel_loop3A_324 = arith.addf %parallel_loop3A_315, %parallel_loop3A_319 : vector<16xf32>
        %parallel_loop3A_325 = arith.addf %parallel_loop3A_324, %parallel_loop3A_323 : vector<16xf32>
        %parallel_loop3A_326 = arith.constant 0.000000e+00 : f32
        %parallel_loop3A_327 = vector.broadcast %parallel_loop3A_326 : f32 to vector<16xf32>
        %parallel_loop3A_328 = arith.maximumf %parallel_loop3A_325, %parallel_loop3A_327 : vector<16xf32>
        %parallel_loop3A_329 = arith.mulf %parallel_loop3A_328, %get3A_20 : vector<16xf32>
        %parallel_loop3A_330 = arith.addf %parallel_loop3A_311, %parallel_loop3A_329 : vector<16xf32>
        %parallel_loop3A_331 = arith.index_cast %parallel_loop3A_195 : i32 to index
        %parallel_loop3A_332 = arith.constant 112 : index
        %parallel_loop3A_333 = tpu.vector_load %arg11[%parallel_loop3A_331, %parallel_loop3A_332] {strides = array<i32>} : memref<50x128xf32, #tpu.memory_space<vmem>>, vector<1x16xf32>,
        %parallel_loop3A_334 = vector.shape_cast %parallel_loop3A_333 : vector<1x16xf32> to vector<16xf32>
        %parallel_loop3A_335 = arith.index_cast %parallel_loop3A_195 : i32 to index
        %parallel_loop3A_336 = arith.constant 112 : index
        %parallel_loop3A_337 = tpu.vector_load %arg12[%parallel_loop3A_335, %parallel_loop3A_336] {strides = array<i32>} : memref<50x128xf32, #tpu.memory_space<vmem>>, vector<1x16xf32>,
        %parallel_loop3A_338 = vector.shape_cast %parallel_loop3A_337 : vector<1x16xf32> to vector<16xf32>
        %parallel_loop3A_339 = arith.index_cast %parallel_loop3A_195 : i32 to index
        %parallel_loop3A_340 = arith.constant 112 : index
        %parallel_loop3A_341 = tpu.vector_load %arg13[%parallel_loop3A_339, %parallel_loop3A_340] {strides = array<i32>} : memref<50x128xf32, #tpu.memory_space<vmem>>, vector<1x16xf32>,
        %parallel_loop3A_342 = vector.shape_cast %parallel_loop3A_341 : vector<1x16xf32> to vector<16xf32>
        %parallel_loop3A_343 = arith.addf %parallel_loop3A_334, %parallel_loop3A_338 : vector<16xf32>
        %parallel_loop3A_344 = arith.addf %parallel_loop3A_343, %parallel_loop3A_342 : vector<16xf32>
        %parallel_loop3A_345 = arith.constant 0.000000e+00 : f32
        %parallel_loop3A_346 = vector.broadcast %parallel_loop3A_345 : f32 to vector<16xf32>
        %parallel_loop3A_347 = arith.maximumf %parallel_loop3A_344, %parallel_loop3A_346 : vector<16xf32>
        %parallel_loop3A_348 = arith.mulf %parallel_loop3A_347, %get3A_23 : vector<16xf32>
        %parallel_loop3A_349 = arith.addf %parallel_loop3A_330, %parallel_loop3A_348 : vector<16xf32>
        %parallel_loop3A_350 = arith.index_cast %parallel_loop3A_195 : i32 to index
        %parallel_loop3A_351 = arith.constant 0 : index
        %parallel_loop3A_352 = tpu.vector_load %arg14[%parallel_loop3A_350, %parallel_loop3A_351] {strides = array<i32>} : memref<50x16xf32, #tpu.memory_space<vmem>>, vector<1x16xf32>,
        %parallel_loop3A_353 = vector.shape_cast %parallel_loop3A_352 : vector<1x16xf32> to vector<16xf32>
        %parallel_loop3A_354 = vector.shape_cast %parallel_loop3A_349 : vector<16xf32> to vector<1x16xf32>
        tpu.vector_store %arg14[%parallel_loop3A_350, %parallel_loop3A_351], %parallel_loop3A_354 {strides = array<i32>} : memref<50x16xf32, #tpu.memory_space<vmem>>, vector<1x16xf32>,
      } {sc.loop_unroll_factor = 4 : i64, sc.parallel_access}
      %dma_start3A_127 = arith.constant 0 : i32
      %dma_start3A_128 = arith.constant 0 : i32
      %dma_start3A_129 = tpu.memref_slice %arg8[%add3A, %add3A_95, %dma_start3A_127, %dma_start3A_128] : memref<32x200x50x16xf32, #tpu.memory_space<hbm>> -> memref<1x1x50x16xf32, #tpu.memory_space<hbm>>
      %dma_start3A_130 = tpu.memref_squeeze %dma_start3A_129 : memref<1x1x50x16xf32, #tpu.memory_space<hbm>> -> memref<50x16xf32, #tpu.memory_space<hbm>>
      %dma_start3A_131 = arith.constant 0 : i32
      %dma_start3A_132 = arith.constant 0 : i32
      %dma_start3A_133 = tpu.memref_slice %arg8[%add3A, %add3A_95, %dma_start3A_131, %dma_start3A_132] : memref<32x200x50x16xf32, #tpu.memory_space<hbm>> -> memref<1x1x50x16xf32, #tpu.memory_space<hbm>>
      %dma_start3A_134 = tpu.memref_squeeze %dma_start3A_133 : memref<1x1x50x16xf32, #tpu.memory_space<hbm>> -> memref<50x16xf32, #tpu.memory_space<hbm>>
      tpu.enqueue_dma source(%arg14 : memref<50x16xf32, #tpu.memory_space<vmem>>) target(%dma_start3A_134 : memref<50x16xf32, #tpu.memory_space<hbm>>) target_semaphore(%arg22 : memref<!tpu.dma_semaphore, #tpu.memory_space<semaphore_mem>>)
      %add3A_135 = arith.constant 2 : i32
      %add3A_136 = arith.addi %add3A_95, %add3A_135 : i32
      %lt3A = arith.constant 200 : i32
      %lt3A_137 = arith.cmpi slt, %add3A_136, %lt3A : i32
      %convert_element_type3A_138 = arith.extui %lt3A_137 : i1 to i32
      %cond3A_139 = arith.constant 0 : i32
      %cond3A_140 = arith.cmpi ne, %convert_element_type3A_138, %cond3A_139 : i32
      scf.if %cond3A_140 {
        %add3A_195 = arith.constant 2 : i32
        %add3A_196 = arith.addi %add3A_95, %add3A_195 : i32
        %dma_start3A_197 = arith.constant 0 : i32
        %dma_start3A_198 = tpu.memref_slice %arg9[%add3A_196, %dma_start3A_197] : memref<200x50xi32, #tpu.memory_space<vmem>> -> memref<1x50xi32, #tpu.memory_space<vmem>>
        %dma_start3A_199 = tpu.memref_squeeze %dma_start3A_198 : memref<1x50xi32, #tpu.memory_space<vmem>> -> memref<50xi32, #tpu.memory_space<vmem>>
        %dma_start3A_200 = arith.constant 0 : i32
        %dma_start3A_201 = arith.constant 0 : i32
        %dma_start3A_202 = tpu.memref_slice %arg4[%dma_start3A_200, %dma_start3A_201] : memref<10000x128xf32, #tpu.memory_space<hbm>> -> memref<10000x128xf32, #tpu.memory_space<hbm>>
        tpu.enqueue_indirect_dma source(%dma_start3A_202 : memref<10000x128xf32, #tpu.memory_space<hbm>>) target(%arg11 : memref<50x128xf32, #tpu.memory_space<vmem>>) offsets(%dma_start3A_199 : memref<50xi32, #tpu.memory_space<vmem>>) semaphore(%arg20 : memref<!tpu.dma_semaphore, #tpu.memory_space<semaphore_mem>>)
        %dma_start3A_203 = arith.constant 0 : i32
        %dma_start3A_204 = tpu.memref_slice %arg10[%add3A_196, %dma_start3A_203] : memref<200x50xi32, #tpu.memory_space<vmem>> -> memref<1x50xi32, #tpu.memory_space<vmem>>
        %dma_start3A_205 = tpu.memref_squeeze %dma_start3A_204 : memref<1x50xi32, #tpu.memory_space<vmem>> -> memref<50xi32, #tpu.memory_space<vmem>>
        %dma_start3A_206 = arith.constant 0 : i32
        %dma_start3A_207 = arith.constant 0 : i32
        %dma_start3A_208 = tpu.memref_slice %arg5[%dma_start3A_206, %dma_start3A_207] : memref<10000x128xf32, #tpu.memory_space<hbm>> -> memref<10000x128xf32, #tpu.memory_space<hbm>>
        tpu.enqueue_indirect_dma source(%dma_start3A_208 : memref<10000x128xf32, #tpu.memory_space<hbm>>) target(%arg12 : memref<50x128xf32, #tpu.memory_space<vmem>>) offsets(%dma_start3A_205 : memref<50xi32, #tpu.memory_space<vmem>>) semaphore(%arg20 : memref<!tpu.dma_semaphore, #tpu.memory_space<semaphore_mem>>)
        %dma_start3A_209 = arith.constant 0 : i32
        %dma_start3A_210 = arith.constant 0 : i32
        %dma_start3A_211 = tpu.memref_slice %arg6[%add3A, %add3A_196, %dma_start3A_209, %dma_start3A_210] : memref<32x200x50x128xf32, #tpu.memory_space<hbm>> -> memref<1x1x50x128xf32, #tpu.memory_space<hbm>>
        %dma_start3A_212 = tpu.memref_squeeze %dma_start3A_211 : memref<1x1x50x128xf32, #tpu.memory_space<hbm>> -> memref<50x128xf32, #tpu.memory_space<hbm>>
        %dma_start3A_213 = arith.constant 0 : i32
        %dma_start3A_214 = arith.constant 0 : i32
        %dma_start3A_215 = tpu.memref_slice %arg6[%add3A, %add3A_196, %dma_start3A_213, %dma_start3A_214] : memref<32x200x50x128xf32, #tpu.memory_space<hbm>> -> memref<1x1x50x128xf32, #tpu.memory_space<hbm>>
        %dma_start3A_216 = tpu.memref_squeeze %dma_start3A_215 : memref<1x1x50x128xf32, #tpu.memory_space<hbm>> -> memref<50x128xf32, #tpu.memory_space<hbm>>
        tpu.enqueue_dma source(%dma_start3A_216 : memref<50x128xf32, #tpu.memory_space<hbm>>) target(%arg13 : memref<50x128xf32, #tpu.memory_space<vmem>>) target_semaphore(%arg20 : memref<!tpu.dma_semaphore, #tpu.memory_space<semaphore_mem>>)
      } else {
      }
      %mul3A_141 = arith.constant 2 : i32
      %mul3A_142 = arith.muli %mul3A_141, %scan3A_91 : i32
      %add3A_143 = arith.constant 1 : i32
      %add3A_144 = arith.addi %mul3A_142, %add3A_143 : i32
      %dma_wait3A_145 = arith.constant 0 : i32
      %dma_wait3A_146 = arith.constant 0 : i32
      %dma_wait3A_147 = arith.constant 0 : i32
      %dma_wait3A_148 = tpu.memref_slice %arg6[%add3A, %dma_wait3A_145, %dma_wait3A_146, %dma_wait3A_147] : memref<32x200x50x128xf32, #tpu.memory_space<hbm>> -> memref<1x1x50x128xf32, #tpu.memory_space<hbm>>
      %dma_wait3A_149 = tpu.memref_squeeze %dma_wait3A_148 : memref<1x1x50x128xf32, #tpu.memory_space<hbm>> -> memref<50x128xf32, #tpu.memory_space<hbm>>
      %dma_wait3A_150 = arith.constant 0 : i32
      %dma_wait3A_151 = arith.constant 0 : i32
      %dma_wait3A_152 = tpu.memref_slice %arg6[%add3A, %dma_wait3A_145, %dma_wait3A_150, %dma_wait3A_151] : memref<32x200x50x128xf32, #tpu.memory_space<hbm>> -> memref<1x1x50x128xf32, #tpu.memory_space<hbm>>
      %dma_wait3A_153 = tpu.memref_squeeze %dma_wait3A_152 : memref<1x1x50x128xf32, #tpu.memory_space<hbm>> -> memref<50x128xf32, #tpu.memory_space<hbm>>
      tpu.wait_dma2 semaphore(%arg21 : memref<!tpu.dma_semaphore, #tpu.memory_space<semaphore_mem>>) src(%dma_wait3A_153 : memref<50x128xf32, #tpu.memory_space<hbm>>) dst(%arg15 : memref<50x128xf32, #tpu.memory_space<vmem>>)
      %dma_wait3A_154 = arith.constant 0 : i32
      %dma_wait3A_155 = arith.constant 0 : i32
      %dma_wait3A_156 = arith.constant 0 : i32
      %dma_wait3A_157 = tpu.memref_slice %arg6[%add3A, %dma_wait3A_154, %dma_wait3A_155, %dma_wait3A_156] : memref<32x200x50x128xf32, #tpu.memory_space<hbm>> -> memref<1x1x50x128xf32, #tpu.memory_space<hbm>>
      %dma_wait3A_158 = tpu.memref_squeeze %dma_wait3A_157 : memref<1x1x50x128xf32, #tpu.memory_space<hbm>> -> memref<50x128xf32, #tpu.memory_space<hbm>>
      %dma_wait3A_159 = arith.constant 0 : i32
      %dma_wait3A_160 = arith.constant 0 : i32
      %dma_wait3A_161 = tpu.memref_slice %arg6[%add3A, %dma_wait3A_154, %dma_wait3A_159, %dma_wait3A_160] : memref<32x200x50x128xf32, #tpu.memory_space<hbm>> -> memref<1x1x50x128xf32, #tpu.memory_space<hbm>>
      %dma_wait3A_162 = tpu.memref_squeeze %dma_wait3A_161 : memref<1x1x50x128xf32, #tpu.memory_space<hbm>> -> memref<50x128xf32, #tpu.memory_space<hbm>>
      tpu.wait_dma2 semaphore(%arg21 : memref<!tpu.dma_semaphore, #tpu.memory_space<semaphore_mem>>) src(%dma_wait3A_162 : memref<50x128xf32, #tpu.memory_space<hbm>>) dst(%arg16 : memref<50x128xf32, #tpu.memory_space<vmem>>)
      %dma_wait3A_163 = arith.constant 0 : i32
      %dma_wait3A_164 = arith.constant 0 : i32
      %dma_wait3A_165 = arith.constant 0 : i32
      %dma_wait3A_166 = tpu.memref_slice %arg6[%add3A, %dma_wait3A_163, %dma_wait3A_164, %dma_wait3A_165] : memref<32x200x50x128xf32, #tpu.memory_space<hbm>> -> memref<1x1x50x128xf32, #tpu.memory_space<hbm>>
      %dma_wait3A_167 = tpu.memref_squeeze %dma_wait3A_166 : memref<1x1x50x128xf32, #tpu.memory_space<hbm>> -> memref<50x128xf32, #tpu.memory_space<hbm>>
      %dma_wait3A_168 = arith.constant 0 : i32
      %dma_wait3A_169 = arith.constant 0 : i32
      %dma_wait3A_170 = tpu.memref_slice %arg6[%add3A, %dma_wait3A_163, %dma_wait3A_168, %dma_wait3A_169] : memref<32x200x50x128xf32, #tpu.memory_space<hbm>> -> memref<1x1x50x128xf32, #tpu.memory_space<hbm>>
      %dma_wait3A_171 = tpu.memref_squeeze %dma_wait3A_170 : memref<1x1x50x128xf32, #tpu.memory_space<hbm>> -> memref<50x128xf32, #tpu.memory_space<hbm>>
      tpu.wait_dma2 semaphore(%arg21 : memref<!tpu.dma_semaphore, #tpu.memory_space<semaphore_mem>>) src(%dma_wait3A_171 : memref<50x128xf32, #tpu.memory_space<hbm>>) dst(%arg17 : memref<50x128xf32, #tpu.memory_space<vmem>>)
      %gt3A_172 = arith.constant 0 : i32
      %gt3A_173 = arith.cmpi sgt, %scan3A_91, %gt3A_172 : i32
      %convert_element_type3A_174 = arith.extui %gt3A_173 : i1 to i32
      %cond3A_175 = arith.constant 0 : i32
      %cond3A_176 = arith.cmpi ne, %convert_element_type3A_174, %cond3A_175 : i32
      scf.if %cond3A_176 {
        %dma_wait3A_195 = arith.constant 0 : i32
        %dma_wait3A_196 = arith.constant 0 : i32
        %dma_wait3A_197 = arith.constant 0 : i32
        %dma_wait3A_198 = tpu.memref_slice %arg8[%add3A, %dma_wait3A_195, %dma_wait3A_196, %dma_wait3A_197] : memref<32x200x50x16xf32, #tpu.memory_space<hbm>> -> memref<1x1x50x16xf32, #tpu.memory_space<hbm>>
        %dma_wait3A_199 = tpu.memref_squeeze %dma_wait3A_198 : memref<1x1x50x16xf32, #tpu.memory_space<hbm>> -> memref<50x16xf32, #tpu.memory_space<hbm>>
        %dma_wait3A_200 = arith.constant 0 : i32
        %dma_wait3A_201 = arith.constant 0 : i32
        %dma_wait3A_202 = tpu.memref_slice %arg8[%add3A, %dma_wait3A_195, %dma_wait3A_200, %dma_wait3A_201] : memref<32x200x50x16xf32, #tpu.memory_space<hbm>> -> memref<1x1x50x16xf32, #tpu.memory_space<hbm>>
        %dma_wait3A_203 = tpu.memref_squeeze %dma_wait3A_202 : memref<1x1x50x16xf32, #tpu.memory_space<hbm>> -> memref<50x16xf32, #tpu.memory_space<hbm>>
        tpu.wait_dma2 semaphore(%arg23 : memref<!tpu.dma_semaphore, #tpu.memory_space<semaphore_mem>>) src(%arg18 : memref<50x16xf32, #tpu.memory_space<vmem>>) dst(%dma_wait3A_203 : memref<50x16xf32, #tpu.memory_space<hbm>>)
      } else {
      }
      %parallel_loop3A_177 = arith.constant 0 : i32
      %parallel_loop3A_178 = arith.constant 50 : i32
      %parallel_loop3A_179 = arith.constant 1 : i32
      scf.for %parallel_loop3A_195 = %parallel_loop3A_177 to %parallel_loop3A_178 step %parallel_loop3A_179  : i32 {
        %parallel_loop3A_196 = arith.constant 0.000000e+00 : f32
        %parallel_loop3A_197 = vector.broadcast %parallel_loop3A_196 : f32 to vector<16xf32>
        %parallel_loop3A_198 = arith.index_cast %parallel_loop3A_195 : i32 to index
        %parallel_loop3A_199 = arith.constant 0 : index
        %parallel_loop3A_200 = tpu.vector_load %arg15[%parallel_loop3A_198, %parallel_loop3A_199] {strides = array<i32>} : memref<50x128xf32, #tpu.memory_space<vmem>>, vector<1x16xf32>,
        %parallel_loop3A_201 = vector.shape_cast %parallel_loop3A_200 : vector<1x16xf32> to vector<16xf32>
        %parallel_loop3A_202 = arith.index_cast %parallel_loop3A_195 : i32 to index
        %parallel_loop3A_203 = arith.constant 0 : index
        %parallel_loop3A_204 = tpu.vector_load %arg16[%parallel_loop3A_202, %parallel_loop3A_203] {strides = array<i32>} : memref<50x128xf32, #tpu.memory_space<vmem>>, vector<1x16xf32>,
        %parallel_loop3A_205 = vector.shape_cast %parallel_loop3A_204 : vector<1x16xf32> to vector<16xf32>
        %parallel_loop3A_206 = arith.index_cast %parallel_loop3A_195 : i32 to index
        %parallel_loop3A_207 = arith.constant 0 : index
        %parallel_loop3A_208 = tpu.vector_load %arg17[%parallel_loop3A_206, %parallel_loop3A_207] {strides = array<i32>} : memref<50x128xf32, #tpu.memory_space<vmem>>, vector<1x16xf32>,
        %parallel_loop3A_209 = vector.shape_cast %parallel_loop3A_208 : vector<1x16xf32> to vector<16xf32>
        %parallel_loop3A_210 = arith.addf %parallel_loop3A_201, %parallel_loop3A_205 : vector<16xf32>
        %parallel_loop3A_211 = arith.addf %parallel_loop3A_210, %parallel_loop3A_209 : vector<16xf32>
        %parallel_loop3A_212 = arith.constant 0.000000e+00 : f32
        %parallel_loop3A_213 = vector.broadcast %parallel_loop3A_212 : f32 to vector<16xf32>
        %parallel_loop3A_214 = arith.maximumf %parallel_loop3A_211, %parallel_loop3A_213 : vector<16xf32>
        %parallel_loop3A_215 = arith.mulf %parallel_loop3A_214, %get3A_2 : vector<16xf32>
        %parallel_loop3A_216 = arith.addf %parallel_loop3A_197, %parallel_loop3A_215 : vector<16xf32>
        %parallel_loop3A_217 = arith.index_cast %parallel_loop3A_195 : i32 to index
        %parallel_loop3A_218 = arith.constant 16 : index
        %parallel_loop3A_219 = tpu.vector_load %arg15[%parallel_loop3A_217, %parallel_loop3A_218] {strides = array<i32>} : memref<50x128xf32, #tpu.memory_space<vmem>>, vector<1x16xf32>,
        %parallel_loop3A_220 = vector.shape_cast %parallel_loop3A_219 : vector<1x16xf32> to vector<16xf32>
        %parallel_loop3A_221 = arith.index_cast %parallel_loop3A_195 : i32 to index
        %parallel_loop3A_222 = arith.constant 16 : index
        %parallel_loop3A_223 = tpu.vector_load %arg16[%parallel_loop3A_221, %parallel_loop3A_222] {strides = array<i32>} : memref<50x128xf32, #tpu.memory_space<vmem>>, vector<1x16xf32>,
        %parallel_loop3A_224 = vector.shape_cast %parallel_loop3A_223 : vector<1x16xf32> to vector<16xf32>
        %parallel_loop3A_225 = arith.index_cast %parallel_loop3A_195 : i32 to index
        %parallel_loop3A_226 = arith.constant 16 : index
        %parallel_loop3A_227 = tpu.vector_load %arg17[%parallel_loop3A_225, %parallel_loop3A_226] {strides = array<i32>} : memref<50x128xf32, #tpu.memory_space<vmem>>, vector<1x16xf32>,
        %parallel_loop3A_228 = vector.shape_cast %parallel_loop3A_227 : vector<1x16xf32> to vector<16xf32>
        %parallel_loop3A_229 = arith.addf %parallel_loop3A_220, %parallel_loop3A_224 : vector<16xf32>
        %parallel_loop3A_230 = arith.addf %parallel_loop3A_229, %parallel_loop3A_228 : vector<16xf32>
        %parallel_loop3A_231 = arith.constant 0.000000e+00 : f32
        %parallel_loop3A_232 = vector.broadcast %parallel_loop3A_231 : f32 to vector<16xf32>
        %parallel_loop3A_233 = arith.maximumf %parallel_loop3A_230, %parallel_loop3A_232 : vector<16xf32>
        %parallel_loop3A_234 = arith.mulf %parallel_loop3A_233, %get3A_5 : vector<16xf32>
        %parallel_loop3A_235 = arith.addf %parallel_loop3A_216, %parallel_loop3A_234 : vector<16xf32>
        %parallel_loop3A_236 = arith.index_cast %parallel_loop3A_195 : i32 to index
        %parallel_loop3A_237 = arith.constant 32 : index
        %parallel_loop3A_238 = tpu.vector_load %arg15[%parallel_loop3A_236, %parallel_loop3A_237] {strides = array<i32>} : memref<50x128xf32, #tpu.memory_space<vmem>>, vector<1x16xf32>,
        %parallel_loop3A_239 = vector.shape_cast %parallel_loop3A_238 : vector<1x16xf32> to vector<16xf32>
        %parallel_loop3A_240 = arith.index_cast %parallel_loop3A_195 : i32 to index
        %parallel_loop3A_241 = arith.constant 32 : index
        %parallel_loop3A_242 = tpu.vector_load %arg16[%parallel_loop3A_240, %parallel_loop3A_241] {strides = array<i32>} : memref<50x128xf32, #tpu.memory_space<vmem>>, vector<1x16xf32>,
        %parallel_loop3A_243 = vector.shape_cast %parallel_loop3A_242 : vector<1x16xf32> to vector<16xf32>
        %parallel_loop3A_244 = arith.index_cast %parallel_loop3A_195 : i32 to index
        %parallel_loop3A_245 = arith.constant 32 : index
        %parallel_loop3A_246 = tpu.vector_load %arg17[%parallel_loop3A_244, %parallel_loop3A_245] {strides = array<i32>} : memref<50x128xf32, #tpu.memory_space<vmem>>, vector<1x16xf32>,
        %parallel_loop3A_247 = vector.shape_cast %parallel_loop3A_246 : vector<1x16xf32> to vector<16xf32>
        %parallel_loop3A_248 = arith.addf %parallel_loop3A_239, %parallel_loop3A_243 : vector<16xf32>
        %parallel_loop3A_249 = arith.addf %parallel_loop3A_248, %parallel_loop3A_247 : vector<16xf32>
        %parallel_loop3A_250 = arith.constant 0.000000e+00 : f32
        %parallel_loop3A_251 = vector.broadcast %parallel_loop3A_250 : f32 to vector<16xf32>
        %parallel_loop3A_252 = arith.maximumf %parallel_loop3A_249, %parallel_loop3A_251 : vector<16xf32>
        %parallel_loop3A_253 = arith.mulf %parallel_loop3A_252, %get3A_8 : vector<16xf32>
        %parallel_loop3A_254 = arith.addf %parallel_loop3A_235, %parallel_loop3A_253 : vector<16xf32>
        %parallel_loop3A_255 = arith.index_cast %parallel_loop3A_195 : i32 to index
        %parallel_loop3A_256 = arith.constant 48 : index
        %parallel_loop3A_257 = tpu.vector_load %arg15[%parallel_loop3A_255, %parallel_loop3A_256] {strides = array<i32>} : memref<50x128xf32, #tpu.memory_space<vmem>>, vector<1x16xf32>,
        %parallel_loop3A_258 = vector.shape_cast %parallel_loop3A_257 : vector<1x16xf32> to vector<16xf32>
        %parallel_loop3A_259 = arith.index_cast %parallel_loop3A_195 : i32 to index
        %parallel_loop3A_260 = arith.constant 48 : index
        %parallel_loop3A_261 = tpu.vector_load %arg16[%parallel_loop3A_259, %parallel_loop3A_260] {strides = array<i32>} : memref<50x128xf32, #tpu.memory_space<vmem>>, vector<1x16xf32>,
        %parallel_loop3A_262 = vector.shape_cast %parallel_loop3A_261 : vector<1x16xf32> to vector<16xf32>
        %parallel_loop3A_263 = arith.index_cast %parallel_loop3A_195 : i32 to index
        %parallel_loop3A_264 = arith.constant 48 : index
        %parallel_loop3A_265 = tpu.vector_load %arg17[%parallel_loop3A_263, %parallel_loop3A_264] {strides = array<i32>} : memref<50x128xf32, #tpu.memory_space<vmem>>, vector<1x16xf32>,
        %parallel_loop3A_266 = vector.shape_cast %parallel_loop3A_265 : vector<1x16xf32> to vector<16xf32>
        %parallel_loop3A_267 = arith.addf %parallel_loop3A_258, %parallel_loop3A_262 : vector<16xf32>
        %parallel_loop3A_268 = arith.addf %parallel_loop3A_267, %parallel_loop3A_266 : vector<16xf32>
        %parallel_loop3A_269 = arith.constant 0.000000e+00 : f32
        %parallel_loop3A_270 = vector.broadcast %parallel_loop3A_269 : f32 to vector<16xf32>
        %parallel_loop3A_271 = arith.maximumf %parallel_loop3A_268, %parallel_loop3A_270 : vector<16xf32>
        %parallel_loop3A_272 = arith.mulf %parallel_loop3A_271, %get3A_11 : vector<16xf32>
        %parallel_loop3A_273 = arith.addf %parallel_loop3A_254, %parallel_loop3A_272 : vector<16xf32>
        %parallel_loop3A_274 = arith.index_cast %parallel_loop3A_195 : i32 to index
        %parallel_loop3A_275 = arith.constant 64 : index
        %parallel_loop3A_276 = tpu.vector_load %arg15[%parallel_loop3A_274, %parallel_loop3A_275] {strides = array<i32>} : memref<50x128xf32, #tpu.memory_space<vmem>>, vector<1x16xf32>,
        %parallel_loop3A_277 = vector.shape_cast %parallel_loop3A_276 : vector<1x16xf32> to vector<16xf32>
        %parallel_loop3A_278 = arith.index_cast %parallel_loop3A_195 : i32 to index
        %parallel_loop3A_279 = arith.constant 64 : index
        %parallel_loop3A_280 = tpu.vector_load %arg16[%parallel_loop3A_278, %parallel_loop3A_279] {strides = array<i32>} : memref<50x128xf32, #tpu.memory_space<vmem>>, vector<1x16xf32>,
        %parallel_loop3A_281 = vector.shape_cast %parallel_loop3A_280 : vector<1x16xf32> to vector<16xf32>
        %parallel_loop3A_282 = arith.index_cast %parallel_loop3A_195 : i32 to index
        %parallel_loop3A_283 = arith.constant 64 : index
        %parallel_loop3A_284 = tpu.vector_load %arg17[%parallel_loop3A_282, %parallel_loop3A_283] {strides = array<i32>} : memref<50x128xf32, #tpu.memory_space<vmem>>, vector<1x16xf32>,
        %parallel_loop3A_285 = vector.shape_cast %parallel_loop3A_284 : vector<1x16xf32> to vector<16xf32>
        %parallel_loop3A_286 = arith.addf %parallel_loop3A_277, %parallel_loop3A_281 : vector<16xf32>
        %parallel_loop3A_287 = arith.addf %parallel_loop3A_286, %parallel_loop3A_285 : vector<16xf32>
        %parallel_loop3A_288 = arith.constant 0.000000e+00 : f32
        %parallel_loop3A_289 = vector.broadcast %parallel_loop3A_288 : f32 to vector<16xf32>
        %parallel_loop3A_290 = arith.maximumf %parallel_loop3A_287, %parallel_loop3A_289 : vector<16xf32>
        %parallel_loop3A_291 = arith.mulf %parallel_loop3A_290, %get3A_14 : vector<16xf32>
        %parallel_loop3A_292 = arith.addf %parallel_loop3A_273, %parallel_loop3A_291 : vector<16xf32>
        %parallel_loop3A_293 = arith.index_cast %parallel_loop3A_195 : i32 to index
        %parallel_loop3A_294 = arith.constant 80 : index
        %parallel_loop3A_295 = tpu.vector_load %arg15[%parallel_loop3A_293, %parallel_loop3A_294] {strides = array<i32>} : memref<50x128xf32, #tpu.memory_space<vmem>>, vector<1x16xf32>,
        %parallel_loop3A_296 = vector.shape_cast %parallel_loop3A_295 : vector<1x16xf32> to vector<16xf32>
        %parallel_loop3A_297 = arith.index_cast %parallel_loop3A_195 : i32 to index
        %parallel_loop3A_298 = arith.constant 80 : index
        %parallel_loop3A_299 = tpu.vector_load %arg16[%parallel_loop3A_297, %parallel_loop3A_298] {strides = array<i32>} : memref<50x128xf32, #tpu.memory_space<vmem>>, vector<1x16xf32>,
        %parallel_loop3A_300 = vector.shape_cast %parallel_loop3A_299 : vector<1x16xf32> to vector<16xf32>
        %parallel_loop3A_301 = arith.index_cast %parallel_loop3A_195 : i32 to index
        %parallel_loop3A_302 = arith.constant 80 : index
        %parallel_loop3A_303 = tpu.vector_load %arg17[%parallel_loop3A_301, %parallel_loop3A_302] {strides = array<i32>} : memref<50x128xf32, #tpu.memory_space<vmem>>, vector<1x16xf32>,
        %parallel_loop3A_304 = vector.shape_cast %parallel_loop3A_303 : vector<1x16xf32> to vector<16xf32>
        %parallel_loop3A_305 = arith.addf %parallel_loop3A_296, %parallel_loop3A_300 : vector<16xf32>
        %parallel_loop3A_306 = arith.addf %parallel_loop3A_305, %parallel_loop3A_304 : vector<16xf32>
        %parallel_loop3A_307 = arith.constant 0.000000e+00 : f32
        %parallel_loop3A_308 = vector.broadcast %parallel_loop3A_307 : f32 to vector<16xf32>
        %parallel_loop3A_309 = arith.maximumf %parallel_loop3A_306, %parallel_loop3A_308 : vector<16xf32>
        %parallel_loop3A_310 = arith.mulf %parallel_loop3A_309, %get3A_17 : vector<16xf32>
        %parallel_loop3A_311 = arith.addf %parallel_loop3A_292, %parallel_loop3A_310 : vector<16xf32>
        %parallel_loop3A_312 = arith.index_cast %parallel_loop3A_195 : i32 to index
        %parallel_loop3A_313 = arith.constant 96 : index
        %parallel_loop3A_314 = tpu.vector_load %arg15[%parallel_loop3A_312, %parallel_loop3A_313] {strides = array<i32>} : memref<50x128xf32, #tpu.memory_space<vmem>>, vector<1x16xf32>,
        %parallel_loop3A_315 = vector.shape_cast %parallel_loop3A_314 : vector<1x16xf32> to vector<16xf32>
        %parallel_loop3A_316 = arith.index_cast %parallel_loop3A_195 : i32 to index
        %parallel_loop3A_317 = arith.constant 96 : index
        %parallel_loop3A_318 = tpu.vector_load %arg16[%parallel_loop3A_316, %parallel_loop3A_317] {strides = array<i32>} : memref<50x128xf32, #tpu.memory_space<vmem>>, vector<1x16xf32>,
        %parallel_loop3A_319 = vector.shape_cast %parallel_loop3A_318 : vector<1x16xf32> to vector<16xf32>
        %parallel_loop3A_320 = arith.index_cast %parallel_loop3A_195 : i32 to index
        %parallel_loop3A_321 = arith.constant 96 : index
        %parallel_loop3A_322 = tpu.vector_load %arg17[%parallel_loop3A_320, %parallel_loop3A_321] {strides = array<i32>} : memref<50x128xf32, #tpu.memory_space<vmem>>, vector<1x16xf32>,
        %parallel_loop3A_323 = vector.shape_cast %parallel_loop3A_322 : vector<1x16xf32> to vector<16xf32>
        %parallel_loop3A_324 = arith.addf %parallel_loop3A_315, %parallel_loop3A_319 : vector<16xf32>
        %parallel_loop3A_325 = arith.addf %parallel_loop3A_324, %parallel_loop3A_323 : vector<16xf32>
        %parallel_loop3A_326 = arith.constant 0.000000e+00 : f32
        %parallel_loop3A_327 = vector.broadcast %parallel_loop3A_326 : f32 to vector<16xf32>
        %parallel_loop3A_328 = arith.maximumf %parallel_loop3A_325, %parallel_loop3A_327 : vector<16xf32>
        %parallel_loop3A_329 = arith.mulf %parallel_loop3A_328, %get3A_20 : vector<16xf32>
        %parallel_loop3A_330 = arith.addf %parallel_loop3A_311, %parallel_loop3A_329 : vector<16xf32>
        %parallel_loop3A_331 = arith.index_cast %parallel_loop3A_195 : i32 to index
        %parallel_loop3A_332 = arith.constant 112 : index
        %parallel_loop3A_333 = tpu.vector_load %arg15[%parallel_loop3A_331, %parallel_loop3A_332] {strides = array<i32>} : memref<50x128xf32, #tpu.memory_space<vmem>>, vector<1x16xf32>,
        %parallel_loop3A_334 = vector.shape_cast %parallel_loop3A_333 : vector<1x16xf32> to vector<16xf32>
        %parallel_loop3A_335 = arith.index_cast %parallel_loop3A_195 : i32 to index
        %parallel_loop3A_336 = arith.constant 112 : index
        %parallel_loop3A_337 = tpu.vector_load %arg16[%parallel_loop3A_335, %parallel_loop3A_336] {strides = array<i32>} : memref<50x128xf32, #tpu.memory_space<vmem>>, vector<1x16xf32>,
        %parallel_loop3A_338 = vector.shape_cast %parallel_loop3A_337 : vector<1x16xf32> to vector<16xf32>
        %parallel_loop3A_339 = arith.index_cast %parallel_loop3A_195 : i32 to index
        %parallel_loop3A_340 = arith.constant 112 : index
        %parallel_loop3A_341 = tpu.vector_load %arg17[%parallel_loop3A_339, %parallel_loop3A_340] {strides = array<i32>} : memref<50x128xf32, #tpu.memory_space<vmem>>, vector<1x16xf32>,
        %parallel_loop3A_342 = vector.shape_cast %parallel_loop3A_341 : vector<1x16xf32> to vector<16xf32>
        %parallel_loop3A_343 = arith.addf %parallel_loop3A_334, %parallel_loop3A_338 : vector<16xf32>
        %parallel_loop3A_344 = arith.addf %parallel_loop3A_343, %parallel_loop3A_342 : vector<16xf32>
        %parallel_loop3A_345 = arith.constant 0.000000e+00 : f32
        %parallel_loop3A_346 = vector.broadcast %parallel_loop3A_345 : f32 to vector<16xf32>
        %parallel_loop3A_347 = arith.maximumf %parallel_loop3A_344, %parallel_loop3A_346 : vector<16xf32>
        %parallel_loop3A_348 = arith.mulf %parallel_loop3A_347, %get3A_23 : vector<16xf32>
        %parallel_loop3A_349 = arith.addf %parallel_loop3A_330, %parallel_loop3A_348 : vector<16xf32>
        %parallel_loop3A_350 = arith.index_cast %parallel_loop3A_195 : i32 to index
        %parallel_loop3A_351 = arith.constant 0 : index
        %parallel_loop3A_352 = tpu.vector_load %arg18[%parallel_loop3A_350, %parallel_loop3A_351] {strides = array<i32>} : memref<50x16xf32, #tpu.memory_space<vmem>>, vector<1x16xf32>,
        %parallel_loop3A_353 = vector.shape_cast %parallel_loop3A_352 : vector<1x16xf32> to vector<16xf32>
        %parallel_loop3A_354 = vector.shape_cast %parallel_loop3A_349 : vector<16xf32> to vector<1x16xf32>
        tpu.vector_store %arg18[%parallel_loop3A_350, %parallel_loop3A_351], %parallel_loop3A_354 {strides = array<i32>} : memref<50x16xf32, #tpu.memory_space<vmem>>, vector<1x16xf32>,
      } {sc.loop_unroll_factor = 4 : i64, sc.parallel_access}
      %dma_start3A_180 = arith.constant 0 : i32
      %dma_start3A_181 = arith.constant 0 : i32
      %dma_start3A_182 = tpu.memref_slice %arg8[%add3A, %add3A_144, %dma_start3A_180, %dma_start3A_181] : memref<32x200x50x16xf32, #tpu.memory_space<hbm>> -> memref<1x1x50x16xf32, #tpu.memory_space<hbm>>
      %dma_start3A_183 = tpu.memref_squeeze %dma_start3A_182 : memref<1x1x50x16xf32, #tpu.memory_space<hbm>> -> memref<50x16xf32, #tpu.memory_space<hbm>>
      %dma_start3A_184 = arith.constant 0 : i32
      %dma_start3A_185 = arith.constant 0 : i32
      %dma_start3A_186 = tpu.memref_slice %arg8[%add3A, %add3A_144, %dma_start3A_184, %dma_start3A_185] : memref<32x200x50x16xf32, #tpu.memory_space<hbm>> -> memref<1x1x50x16xf32, #tpu.memory_space<hbm>>
      %dma_start3A_187 = tpu.memref_squeeze %dma_start3A_186 : memref<1x1x50x16xf32, #tpu.memory_space<hbm>> -> memref<50x16xf32, #tpu.memory_space<hbm>>
      tpu.enqueue_dma source(%arg18 : memref<50x16xf32, #tpu.memory_space<vmem>>) target(%dma_start3A_187 : memref<50x16xf32, #tpu.memory_space<hbm>>) target_semaphore(%arg23 : memref<!tpu.dma_semaphore, #tpu.memory_space<semaphore_mem>>)
      %add3A_188 = arith.constant 2 : i32
      %add3A_189 = arith.addi %add3A_144, %add3A_188 : i32
      %lt3A_190 = arith.constant 200 : i32
      %lt3A_191 = arith.cmpi slt, %add3A_189, %lt3A_190 : i32
      %convert_element_type3A_192 = arith.extui %lt3A_191 : i1 to i32
      %cond3A_193 = arith.constant 0 : i32
      %cond3A_194 = arith.cmpi ne, %convert_element_type3A_192, %cond3A_193 : i32
      scf.if %cond3A_194 {
        %add3A_195 = arith.constant 2 : i32
        %add3A_196 = arith.addi %add3A_144, %add3A_195 : i32
        %dma_start3A_197 = arith.constant 0 : i32
        %dma_start3A_198 = tpu.memref_slice %arg9[%add3A_196, %dma_start3A_197] : memref<200x50xi32, #tpu.memory_space<vmem>> -> memref<1x50xi32, #tpu.memory_space<vmem>>
        %dma_start3A_199 = tpu.memref_squeeze %dma_start3A_198 : memref<1x50xi32, #tpu.memory_space<vmem>> -> memref<50xi32, #tpu.memory_space<vmem>>
        %dma_start3A_200 = arith.constant 0 : i32
        %dma_start3A_201 = arith.constant 0 : i32
        %dma_start3A_202 = tpu.memref_slice %arg4[%dma_start3A_200, %dma_start3A_201] : memref<10000x128xf32, #tpu.memory_space<hbm>> -> memref<10000x128xf32, #tpu.memory_space<hbm>>
        tpu.enqueue_indirect_dma source(%dma_start3A_202 : memref<10000x128xf32, #tpu.memory_space<hbm>>) target(%arg15 : memref<50x128xf32, #tpu.memory_space<vmem>>) offsets(%dma_start3A_199 : memref<50xi32, #tpu.memory_space<vmem>>) semaphore(%arg21 : memref<!tpu.dma_semaphore, #tpu.memory_space<semaphore_mem>>)
        %dma_start3A_203 = arith.constant 0 : i32
        %dma_start3A_204 = tpu.memref_slice %arg10[%add3A_196, %dma_start3A_203] : memref<200x50xi32, #tpu.memory_space<vmem>> -> memref<1x50xi32, #tpu.memory_space<vmem>>
        %dma_start3A_205 = tpu.memref_squeeze %dma_start3A_204 : memref<1x50xi32, #tpu.memory_space<vmem>> -> memref<50xi32, #tpu.memory_space<vmem>>
        %dma_start3A_206 = arith.constant 0 : i32
        %dma_start3A_207 = arith.constant 0 : i32
        %dma_start3A_208 = tpu.memref_slice %arg5[%dma_start3A_206, %dma_start3A_207] : memref<10000x128xf32, #tpu.memory_space<hbm>> -> memref<10000x128xf32, #tpu.memory_space<hbm>>
        tpu.enqueue_indirect_dma source(%dma_start3A_208 : memref<10000x128xf32, #tpu.memory_space<hbm>>) target(%arg16 : memref<50x128xf32, #tpu.memory_space<vmem>>) offsets(%dma_start3A_205 : memref<50xi32, #tpu.memory_space<vmem>>) semaphore(%arg21 : memref<!tpu.dma_semaphore, #tpu.memory_space<semaphore_mem>>)
        %dma_start3A_209 = arith.constant 0 : i32
        %dma_start3A_210 = arith.constant 0 : i32
        %dma_start3A_211 = tpu.memref_slice %arg6[%add3A, %add3A_196, %dma_start3A_209, %dma_start3A_210] : memref<32x200x50x128xf32, #tpu.memory_space<hbm>> -> memref<1x1x50x128xf32, #tpu.memory_space<hbm>>
        %dma_start3A_212 = tpu.memref_squeeze %dma_start3A_211 : memref<1x1x50x128xf32, #tpu.memory_space<hbm>> -> memref<50x128xf32, #tpu.memory_space<hbm>>
        %dma_start3A_213 = arith.constant 0 : i32
        %dma_start3A_214 = arith.constant 0 : i32
        %dma_start3A_215 = tpu.memref_slice %arg6[%add3A, %add3A_196, %dma_start3A_213, %dma_start3A_214] : memref<32x200x50x128xf32, #tpu.memory_space<hbm>> -> memref<1x1x50x128xf32, #tpu.memory_space<hbm>>
        %dma_start3A_216 = tpu.memref_squeeze %dma_start3A_215 : memref<1x1x50x128xf32, #tpu.memory_space<hbm>> -> memref<50x128xf32, #tpu.memory_space<hbm>>
        tpu.enqueue_dma source(%dma_start3A_216 : memref<50x128xf32, #tpu.memory_space<hbm>>) target(%arg17 : memref<50x128xf32, #tpu.memory_space<vmem>>) target_semaphore(%arg21 : memref<!tpu.dma_semaphore, #tpu.memory_space<semaphore_mem>>)
      } else {
      }
    }
    %scan3A_73 = arith.constant 100 : i32
    %dma_wait3A = arith.constant 0 : i32
    %dma_wait3A_74 = arith.constant 0 : i32
    %dma_wait3A_75 = arith.constant 0 : i32
    %dma_wait3A_76 = tpu.memref_slice %arg8[%add3A, %dma_wait3A, %dma_wait3A_74, %dma_wait3A_75] : memref<32x200x50x16xf32, #tpu.memory_space<hbm>> -> memref<1x1x50x16xf32, #tpu.memory_space<hbm>>
    %dma_wait3A_77 = tpu.memref_squeeze %dma_wait3A_76 : memref<1x1x50x16xf32, #tpu.memory_space<hbm>> -> memref<50x16xf32, #tpu.memory_space<hbm>>
    %dma_wait3A_78 = arith.constant 0 : i32
    %dma_wait3A_79 = arith.constant 0 : i32
    %dma_wait3A_80 = tpu.memref_slice %arg8[%add3A, %dma_wait3A, %dma_wait3A_78, %dma_wait3A_79] : memref<32x200x50x16xf32, #tpu.memory_space<hbm>> -> memref<1x1x50x16xf32, #tpu.memory_space<hbm>>
    %dma_wait3A_81 = tpu.memref_squeeze %dma_wait3A_80 : memref<1x1x50x16xf32, #tpu.memory_space<hbm>> -> memref<50x16xf32, #tpu.memory_space<hbm>>
    tpu.wait_dma2 semaphore(%arg22 : memref<!tpu.dma_semaphore, #tpu.memory_space<semaphore_mem>>) src(%arg14 : memref<50x16xf32, #tpu.memory_space<vmem>>) dst(%dma_wait3A_81 : memref<50x16xf32, #tpu.memory_space<hbm>>)
    %dma_wait3A_82 = arith.constant 0 : i32
    %dma_wait3A_83 = arith.constant 0 : i32
    %dma_wait3A_84 = arith.constant 0 : i32
    %dma_wait3A_85 = tpu.memref_slice %arg8[%add3A, %dma_wait3A_82, %dma_wait3A_83, %dma_wait3A_84] : memref<32x200x50x16xf32, #tpu.memory_space<hbm>> -> memref<1x1x50x16xf32, #tpu.memory_space<hbm>>
    %dma_wait3A_86 = tpu.memref_squeeze %dma_wait3A_85 : memref<1x1x50x16xf32, #tpu.memory_space<hbm>> -> memref<50x16xf32, #tpu.memory_space<hbm>>
    %dma_wait3A_87 = arith.constant 0 : i32
    %dma_wait3A_88 = arith.constant 0 : i32
    %dma_wait3A_89 = tpu.memref_slice %arg8[%add3A, %dma_wait3A_82, %dma_wait3A_87, %dma_wait3A_88] : memref<32x200x50x16xf32, #tpu.memory_space<hbm>> -> memref<1x1x50x16xf32, #tpu.memory_space<hbm>>
    %dma_wait3A_90 = tpu.memref_squeeze %dma_wait3A_89 : memref<1x1x50x16xf32, #tpu.memory_space<hbm>> -> memref<50x16xf32, #tpu.memory_space<hbm>>
    tpu.wait_dma2 semaphore(%arg23 : memref<!tpu.dma_semaphore, #tpu.memory_space<semaphore_mem>>) src(%arg18 : memref<50x16xf32, #tpu.memory_space<vmem>>) dst(%dma_wait3A_90 : memref<50x16xf32, #tpu.memory_space<hbm>>)
    return
  }
}

#map = affine_map<(d0, d1) -> (0, 0, 0)>
#map1 = affine_map<(d0, d1) -> (0, 0)>
module attributes {stable_mosaic.version = 14 : i64} {
  func.func @_prop_body(%arg0: i32, %arg1: i32, %arg2: memref<32x200x100xi32, #tpu.memory_space<hbm>>, %arg3: memref<10000x128xf32, #tpu.memory_space<hbm>>, %arg4: memref<640x128xf32, #tpu.memory_space<hbm>>, %arg5: memref<2x10240x128xf32, #tpu.memory_space<hbm>>, %arg6: memref<200x100xi32, #tpu.memory_space<vmem>>, %arg7: memref<100x128xf32, #tpu.memory_space<vmem>>, %arg8: memref<10240x128xf32, #tpu.memory_space<vmem_shared>>, %arg9: memref<!tpu.dma_semaphore, #tpu.memory_space<semaphore_mem>>) attributes {dimension_semantics = [#tpu.dimension_semantics<core_parallel>, #tpu.dimension_semantics<subcore_parallel>], iteration_bounds = array<i64: 2, 16>, scalar_prefetch = 0 : i64, scratch_operands = 4 : i64, tpu.core_type = #tpu.core_type<sc_vector_subcore>, window_params = [{transform_indices = #map}, {transform_indices = #map1}, {transform_indices = #map1}, {transform_indices = #map}]} {
    %mul3A = arith.constant 16 : i32
    %mul3A_0 = arith.muli %arg0, %mul3A : i32
    %add3A = arith.addi %mul3A_0, %arg1 : i32
    %mul3A_1 = arith.constant 640 : i32
    %mul3A_2 = arith.muli %arg1, %mul3A_1 : i32
    "tpu.region"() ({
      %run_scoped3A = tpu.sem_alloc : memref<!tpu.dma_semaphore, #tpu.memory_space<semaphore_mem>>
      %dma_start3A = arith.constant 0 : i32
      %dma_start3A_13 = tpu.memref_slice %arg8[%mul3A_2, %dma_start3A] : memref<10240x128xf32, #tpu.memory_space<vmem_shared>> -> memref<640x128xf32, #tpu.memory_space<vmem_shared>>
      tpu.enqueue_dma source(%arg4 : memref<640x128xf32, #tpu.memory_space<hbm>>) target(%dma_start3A_13 : memref<640x128xf32, #tpu.memory_space<vmem_shared>>) target_semaphore(%run_scoped3A : memref<!tpu.dma_semaphore, #tpu.memory_space<semaphore_mem>>)
      %dma_wait3A = arith.constant 0 : i32
      %dma_wait3A_14 = tpu.memref_slice %arg8[%mul3A_2, %dma_wait3A] : memref<10240x128xf32, #tpu.memory_space<vmem_shared>> -> memref<640x128xf32, #tpu.memory_space<vmem_shared>>
      tpu.wait_dma2 semaphore(%run_scoped3A : memref<!tpu.dma_semaphore, #tpu.memory_space<semaphore_mem>>) src(%arg4 : memref<640x128xf32, #tpu.memory_space<hbm>>) dst(%dma_wait3A_14 : memref<640x128xf32, #tpu.memory_space<vmem_shared>>)
      tpu.yield
    }) : () -> ()
    "tpu.region"() ({
      %run_scoped3A = tpu.sem_alloc : memref<!tpu.dma_semaphore, #tpu.memory_space<semaphore_mem>>
      %dma_start3A = arith.constant 0 : i32
      %dma_start3A_13 = arith.constant 0 : i32
      %dma_start3A_14 = tpu.memref_slice %arg2[%add3A, %dma_start3A, %dma_start3A_13] : memref<32x200x100xi32, #tpu.memory_space<hbm>> -> memref<1x200x100xi32, #tpu.memory_space<hbm>>
      %dma_start3A_15 = tpu.memref_squeeze %dma_start3A_14 : memref<1x200x100xi32, #tpu.memory_space<hbm>> -> memref<200x100xi32, #tpu.memory_space<hbm>>
      %dma_start3A_16 = arith.constant 0 : i32
      %dma_start3A_17 = arith.constant 0 : i32
      %dma_start3A_18 = tpu.memref_slice %arg2[%add3A, %dma_start3A_16, %dma_start3A_17] : memref<32x200x100xi32, #tpu.memory_space<hbm>> -> memref<1x200x100xi32, #tpu.memory_space<hbm>>
      %dma_start3A_19 = tpu.memref_squeeze %dma_start3A_18 : memref<1x200x100xi32, #tpu.memory_space<hbm>> -> memref<200x100xi32, #tpu.memory_space<hbm>>
      tpu.enqueue_dma source(%dma_start3A_19 : memref<200x100xi32, #tpu.memory_space<hbm>>) target(%arg6 : memref<200x100xi32, #tpu.memory_space<vmem>>) target_semaphore(%run_scoped3A : memref<!tpu.dma_semaphore, #tpu.memory_space<semaphore_mem>>)
      %dma_wait3A = arith.constant 0 : i32
      %dma_wait3A_20 = arith.constant 0 : i32
      %dma_wait3A_21 = tpu.memref_slice %arg2[%add3A, %dma_wait3A, %dma_wait3A_20] : memref<32x200x100xi32, #tpu.memory_space<hbm>> -> memref<1x200x100xi32, #tpu.memory_space<hbm>>
      %dma_wait3A_22 = tpu.memref_squeeze %dma_wait3A_21 : memref<1x200x100xi32, #tpu.memory_space<hbm>> -> memref<200x100xi32, #tpu.memory_space<hbm>>
      %dma_wait3A_23 = arith.constant 0 : i32
      %dma_wait3A_24 = arith.constant 0 : i32
      %dma_wait3A_25 = tpu.memref_slice %arg2[%add3A, %dma_wait3A_23, %dma_wait3A_24] : memref<32x200x100xi32, #tpu.memory_space<hbm>> -> memref<1x200x100xi32, #tpu.memory_space<hbm>>
      %dma_wait3A_26 = tpu.memref_squeeze %dma_wait3A_25 : memref<1x200x100xi32, #tpu.memory_space<hbm>> -> memref<200x100xi32, #tpu.memory_space<hbm>>
      tpu.wait_dma2 semaphore(%run_scoped3A : memref<!tpu.dma_semaphore, #tpu.memory_space<semaphore_mem>>) src(%dma_wait3A_26 : memref<200x100xi32, #tpu.memory_space<hbm>>) dst(%arg6 : memref<200x100xi32, #tpu.memory_space<vmem>>)
      tpu.yield
    }) : () -> ()
    %barrier3A = arith.constant 0 : index
    tpu.barrier barrier_id(%barrier3A)
    %scan3A = arith.constant 0 : i32
    %scan3A_3 = arith.constant 0 : i32
    %scan3A_4 = arith.constant 100 : i32
    %scan3A_5 = arith.addi %scan3A_3, %scan3A_4 : i32
    %scan3A_6 = arith.constant 1 : i32
    scf.for %scan3A_13 = %scan3A_3 to %scan3A_5 step %scan3A_6  : i32 {
      %dma_start3A = arith.constant 0 : i32
      %dma_start3A_14 = tpu.memref_slice %arg6[%scan3A_13, %dma_start3A] : memref<200x100xi32, #tpu.memory_space<vmem>> -> memref<1x100xi32, #tpu.memory_space<vmem>>
      %dma_start3A_15 = tpu.memref_squeeze %dma_start3A_14 : memref<1x100xi32, #tpu.memory_space<vmem>> -> memref<100xi32, #tpu.memory_space<vmem>>
      %dma_start3A_16 = arith.constant 0 : i32
      %dma_start3A_17 = arith.constant 0 : i32
      %dma_start3A_18 = tpu.memref_slice %arg3[%dma_start3A_16, %dma_start3A_17] : memref<10000x128xf32, #tpu.memory_space<hbm>> -> memref<10000x128xf32, #tpu.memory_space<hbm>>
      tpu.enqueue_indirect_dma source(%dma_start3A_18 : memref<10000x128xf32, #tpu.memory_space<hbm>>) target(%arg7 : memref<100x128xf32, #tpu.memory_space<vmem>>) offsets(%dma_start3A_15 : memref<100xi32, #tpu.memory_space<vmem>>) semaphore(%arg9 : memref<!tpu.dma_semaphore, #tpu.memory_space<semaphore_mem>>)
      %dma_wait3A = arith.constant 0 : i32
      %dma_wait3A_19 = tpu.memref_slice %arg6[%scan3A_13, %dma_wait3A] : memref<200x100xi32, #tpu.memory_space<vmem>> -> memref<1x100xi32, #tpu.memory_space<vmem>>
      %dma_wait3A_20 = tpu.memref_squeeze %dma_wait3A_19 : memref<1x100xi32, #tpu.memory_space<vmem>> -> memref<100xi32, #tpu.memory_space<vmem>>
      %dma_wait3A_21 = arith.constant 0 : i32
      %dma_wait3A_22 = arith.constant 0 : i32
      %dma_wait3A_23 = tpu.memref_slice %arg3[%dma_wait3A_21, %dma_wait3A_22] : memref<10000x128xf32, #tpu.memory_space<hbm>> -> memref<10000x128xf32, #tpu.memory_space<hbm>>
      tpu.wait_indirect_dma semaphore(%arg9 : memref<!tpu.dma_semaphore, #tpu.memory_space<semaphore_mem>>) src(%dma_wait3A_23 : memref<10000x128xf32, #tpu.memory_space<hbm>>) dst(%arg7 : memref<100x128xf32, #tpu.memory_space<vmem>>)
      %add3A_24 = arith.constant 100 : i32
      %add3A_25 = arith.addi %add3A_24, %scan3A_13 : i32
      "tpu.region"() ({
        %run_scoped3A = tpu.sem_alloc : memref<!tpu.dma_semaphore, #tpu.memory_space<semaphore_mem>>
        %dma_start3A_26 = arith.constant 0 : i32
        %dma_start3A_27 = tpu.memref_slice %arg6[%add3A_25, %dma_start3A_26] : memref<200x100xi32, #tpu.memory_space<vmem>> -> memref<1x100xi32, #tpu.memory_space<vmem>>
        %dma_start3A_28 = tpu.memref_squeeze %dma_start3A_27 : memref<1x100xi32, #tpu.memory_space<vmem>> -> memref<100xi32, #tpu.memory_space<vmem>>
        %dma_start3A_29 = arith.constant 0 : i32
        %dma_start3A_30 = arith.constant 0 : i32
        %dma_start3A_31 = tpu.memref_slice %arg8[%dma_start3A_29, %dma_start3A_30] : memref<10240x128xf32, #tpu.memory_space<vmem_shared>> -> memref<10240x128xf32, #tpu.memory_space<vmem_shared>>
        tpu.enqueue_indirect_dma source(%arg7 : memref<100x128xf32, #tpu.memory_space<vmem>>) target(%dma_start3A_31 : memref<10240x128xf32, #tpu.memory_space<vmem_shared>>) offsets(%dma_start3A_28 : memref<100xi32, #tpu.memory_space<vmem>>) semaphore(%run_scoped3A : memref<!tpu.dma_semaphore, #tpu.memory_space<semaphore_mem>>) {add = true}
        %dma_wait3A_32 = arith.constant 0 : i32
        %dma_wait3A_33 = tpu.memref_slice %arg6[%add3A_25, %dma_wait3A_32] : memref<200x100xi32, #tpu.memory_space<vmem>> -> memref<1x100xi32, #tpu.memory_space<vmem>>
        %dma_wait3A_34 = tpu.memref_squeeze %dma_wait3A_33 : memref<1x100xi32, #tpu.memory_space<vmem>> -> memref<100xi32, #tpu.memory_space<vmem>>
        %dma_wait3A_35 = arith.constant 0 : i32
        %dma_wait3A_36 = arith.constant 0 : i32
        %dma_wait3A_37 = tpu.memref_slice %arg8[%dma_wait3A_35, %dma_wait3A_36] : memref<10240x128xf32, #tpu.memory_space<vmem_shared>> -> memref<10240x128xf32, #tpu.memory_space<vmem_shared>>
        tpu.wait_indirect_dma semaphore(%run_scoped3A : memref<!tpu.dma_semaphore, #tpu.memory_space<semaphore_mem>>) src(%arg7 : memref<100x128xf32, #tpu.memory_space<vmem>>) dst(%dma_wait3A_37 : memref<10240x128xf32, #tpu.memory_space<vmem_shared>>)
        tpu.yield
      }) : () -> ()
    }
    %scan3A_7 = arith.constant 100 : i32
    %barrier3A_8 = arith.constant 0 : index
    tpu.barrier barrier_id(%barrier3A_8)
    %mul3A_9 = arith.constant 640 : i32
    %mul3A_10 = arith.muli %arg1, %mul3A_9 : i32
    %mul3A_11 = arith.constant 640 : i32
    %mul3A_12 = arith.muli %arg1, %mul3A_11 : i32
    "tpu.region"() ({
      %run_scoped3A = tpu.sem_alloc : memref<!tpu.dma_semaphore, #tpu.memory_space<semaphore_mem>>
      %dma_start3A = arith.constant 0 : i32
      %dma_start3A_13 = tpu.memref_slice %arg5[%arg0, %mul3A_12, %dma_start3A] : memref<2x10240x128xf32, #tpu.memory_space<hbm>> -> memref<1x640x128xf32, #tpu.memory_space<hbm>>
      %dma_start3A_14 = tpu.memref_squeeze %dma_start3A_13 : memref<1x640x128xf32, #tpu.memory_space<hbm>> -> memref<640x128xf32, #tpu.memory_space<hbm>>
      %dma_start3A_15 = arith.constant 0 : i32
      %dma_start3A_16 = tpu.memref_slice %arg8[%mul3A_10, %dma_start3A_15] : memref<10240x128xf32, #tpu.memory_space<vmem_shared>> -> memref<640x128xf32, #tpu.memory_space<vmem_shared>>
      tpu.enqueue_dma source(%dma_start3A_16 : memref<640x128xf32, #tpu.memory_space<vmem_shared>>) target(%dma_start3A_14 : memref<640x128xf32, #tpu.memory_space<hbm>>) target_semaphore(%run_scoped3A : memref<!tpu.dma_semaphore, #tpu.memory_space<semaphore_mem>>)
      %dma_wait3A = arith.constant 0 : i32
      %dma_wait3A_17 = tpu.memref_slice %arg5[%arg0, %mul3A_12, %dma_wait3A] : memref<2x10240x128xf32, #tpu.memory_space<hbm>> -> memref<1x640x128xf32, #tpu.memory_space<hbm>>
      %dma_wait3A_18 = tpu.memref_squeeze %dma_wait3A_17 : memref<1x640x128xf32, #tpu.memory_space<hbm>> -> memref<640x128xf32, #tpu.memory_space<hbm>>
      %dma_wait3A_19 = arith.constant 0 : i32
      %dma_wait3A_20 = tpu.memref_slice %arg8[%mul3A_10, %dma_wait3A_19] : memref<10240x128xf32, #tpu.memory_space<vmem_shared>> -> memref<640x128xf32, #tpu.memory_space<vmem_shared>>
      tpu.wait_dma2 semaphore(%run_scoped3A : memref<!tpu.dma_semaphore, #tpu.memory_space<semaphore_mem>>) src(%dma_wait3A_20 : memref<640x128xf32, #tpu.memory_space<vmem_shared>>) dst(%dma_wait3A_18 : memref<640x128xf32, #tpu.memory_space<hbm>>)
      tpu.yield
    }) : () -> ()
    return
  }
}

#map = affine_map<(d0, d1) -> (0, 0, 0)>
#map1 = affine_map<(d0, d1) -> (0)>
#map2 = affine_map<(d0, d1) -> (0, 0)>
module attributes {stable_mosaic.version = 14 : i64} {
  func.func @_deg_body(%arg0: i32, %arg1: i32, %arg2: memref<32x100x100xi32, #tpu.memory_space<hbm>>, %arg3: memref<640xf32, #tpu.memory_space<hbm>>, %arg4: memref<100xf32, #tpu.memory_space<hbm>>, %arg5: memref<2x10240xf32, #tpu.memory_space<hbm>>, %arg6: memref<100x100xi32, #tpu.memory_space<vmem>>, %arg7: memref<100xf32, #tpu.memory_space<vmem>>, %arg8: memref<10240xf32, #tpu.memory_space<vmem_shared>>, %arg9: memref<!tpu.dma_semaphore, #tpu.memory_space<semaphore_mem>>) attributes {dimension_semantics = [#tpu.dimension_semantics<core_parallel>, #tpu.dimension_semantics<subcore_parallel>], iteration_bounds = array<i64: 2, 16>, scalar_prefetch = 0 : i64, scratch_operands = 4 : i64, tpu.core_type = #tpu.core_type<sc_vector_subcore>, window_params = [{transform_indices = #map}, {transform_indices = #map1}, {transform_indices = #map1}, {transform_indices = #map2}]} {
    %mul3A = arith.constant 16 : i32
    %mul3A_0 = arith.muli %arg0, %mul3A : i32
    %add3A = arith.addi %mul3A_0, %arg1 : i32
    %mul3A_1 = arith.constant 640 : i32
    %mul3A_2 = arith.muli %arg1, %mul3A_1 : i32
    "tpu.region"() ({
      %run_scoped3A = tpu.sem_alloc : memref<!tpu.dma_semaphore, #tpu.memory_space<semaphore_mem>>
      %dma_start3A = tpu.memref_slice %arg8[%mul3A_2] : memref<10240xf32, #tpu.memory_space<vmem_shared>> -> memref<640xf32, #tpu.memory_space<vmem_shared>>
      tpu.enqueue_dma source(%arg3 : memref<640xf32, #tpu.memory_space<hbm>>) target(%dma_start3A : memref<640xf32, #tpu.memory_space<vmem_shared>>) target_semaphore(%run_scoped3A : memref<!tpu.dma_semaphore, #tpu.memory_space<semaphore_mem>>)
      %dma_wait3A = tpu.memref_slice %arg8[%mul3A_2] : memref<10240xf32, #tpu.memory_space<vmem_shared>> -> memref<640xf32, #tpu.memory_space<vmem_shared>>
      tpu.wait_dma2 semaphore(%run_scoped3A : memref<!tpu.dma_semaphore, #tpu.memory_space<semaphore_mem>>) src(%arg3 : memref<640xf32, #tpu.memory_space<hbm>>) dst(%dma_wait3A : memref<640xf32, #tpu.memory_space<vmem_shared>>)
      tpu.yield
    }) : () -> ()
    "tpu.region"() ({
      %run_scoped3A = tpu.sem_alloc : memref<!tpu.dma_semaphore, #tpu.memory_space<semaphore_mem>>
      tpu.enqueue_dma source(%arg4 : memref<100xf32, #tpu.memory_space<hbm>>) target(%arg7 : memref<100xf32, #tpu.memory_space<vmem>>) target_semaphore(%run_scoped3A : memref<!tpu.dma_semaphore, #tpu.memory_space<semaphore_mem>>)
      tpu.wait_dma2 semaphore(%run_scoped3A : memref<!tpu.dma_semaphore, #tpu.memory_space<semaphore_mem>>) src(%arg4 : memref<100xf32, #tpu.memory_space<hbm>>) dst(%arg7 : memref<100xf32, #tpu.memory_space<vmem>>)
      tpu.yield
    }) : () -> ()
    "tpu.region"() ({
      %run_scoped3A = tpu.sem_alloc : memref<!tpu.dma_semaphore, #tpu.memory_space<semaphore_mem>>
      %dma_start3A = arith.constant 0 : i32
      %dma_start3A_13 = arith.constant 0 : i32
      %dma_start3A_14 = tpu.memref_slice %arg2[%add3A, %dma_start3A, %dma_start3A_13] : memref<32x100x100xi32, #tpu.memory_space<hbm>> -> memref<1x100x100xi32, #tpu.memory_space<hbm>>
      %dma_start3A_15 = tpu.memref_squeeze %dma_start3A_14 : memref<1x100x100xi32, #tpu.memory_space<hbm>> -> memref<100x100xi32, #tpu.memory_space<hbm>>
      %dma_start3A_16 = arith.constant 0 : i32
      %dma_start3A_17 = arith.constant 0 : i32
      %dma_start3A_18 = tpu.memref_slice %arg2[%add3A, %dma_start3A_16, %dma_start3A_17] : memref<32x100x100xi32, #tpu.memory_space<hbm>> -> memref<1x100x100xi32, #tpu.memory_space<hbm>>
      %dma_start3A_19 = tpu.memref_squeeze %dma_start3A_18 : memref<1x100x100xi32, #tpu.memory_space<hbm>> -> memref<100x100xi32, #tpu.memory_space<hbm>>
      tpu.enqueue_dma source(%dma_start3A_19 : memref<100x100xi32, #tpu.memory_space<hbm>>) target(%arg6 : memref<100x100xi32, #tpu.memory_space<vmem>>) target_semaphore(%run_scoped3A : memref<!tpu.dma_semaphore, #tpu.memory_space<semaphore_mem>>)
      %dma_wait3A = arith.constant 0 : i32
      %dma_wait3A_20 = arith.constant 0 : i32
      %dma_wait3A_21 = tpu.memref_slice %arg2[%add3A, %dma_wait3A, %dma_wait3A_20] : memref<32x100x100xi32, #tpu.memory_space<hbm>> -> memref<1x100x100xi32, #tpu.memory_space<hbm>>
      %dma_wait3A_22 = tpu.memref_squeeze %dma_wait3A_21 : memref<1x100x100xi32, #tpu.memory_space<hbm>> -> memref<100x100xi32, #tpu.memory_space<hbm>>
      %dma_wait3A_23 = arith.constant 0 : i32
      %dma_wait3A_24 = arith.constant 0 : i32
      %dma_wait3A_25 = tpu.memref_slice %arg2[%add3A, %dma_wait3A_23, %dma_wait3A_24] : memref<32x100x100xi32, #tpu.memory_space<hbm>> -> memref<1x100x100xi32, #tpu.memory_space<hbm>>
      %dma_wait3A_26 = tpu.memref_squeeze %dma_wait3A_25 : memref<1x100x100xi32, #tpu.memory_space<hbm>> -> memref<100x100xi32, #tpu.memory_space<hbm>>
      tpu.wait_dma2 semaphore(%run_scoped3A : memref<!tpu.dma_semaphore, #tpu.memory_space<semaphore_mem>>) src(%dma_wait3A_26 : memref<100x100xi32, #tpu.memory_space<hbm>>) dst(%arg6 : memref<100x100xi32, #tpu.memory_space<vmem>>)
      tpu.yield
    }) : () -> ()
    %barrier3A = arith.constant 0 : index
    tpu.barrier barrier_id(%barrier3A)
    %scan3A = arith.constant 0 : i32
    %scan3A_3 = arith.constant 0 : i32
    %scan3A_4 = arith.constant 100 : i32
    %scan3A_5 = arith.addi %scan3A_3, %scan3A_4 : i32
    %scan3A_6 = arith.constant 1 : i32
    scf.for %scan3A_13 = %scan3A_3 to %scan3A_5 step %scan3A_6  : i32 {
      "tpu.region"() ({
        %run_scoped3A = tpu.sem_alloc : memref<!tpu.dma_semaphore, #tpu.memory_space<semaphore_mem>>
        %dma_start3A = arith.constant 0 : i32
        %dma_start3A_14 = tpu.memref_slice %arg6[%scan3A_13, %dma_start3A] : memref<100x100xi32, #tpu.memory_space<vmem>> -> memref<1x100xi32, #tpu.memory_space<vmem>>
        %dma_start3A_15 = tpu.memref_squeeze %dma_start3A_14 : memref<1x100xi32, #tpu.memory_space<vmem>> -> memref<100xi32, #tpu.memory_space<vmem>>
        %dma_start3A_16 = arith.constant 0 : i32
        %dma_start3A_17 = tpu.memref_slice %arg8[%dma_start3A_16] : memref<10240xf32, #tpu.memory_space<vmem_shared>> -> memref<10240xf32, #tpu.memory_space<vmem_shared>>
        tpu.enqueue_indirect_dma source(%arg7 : memref<100xf32, #tpu.memory_space<vmem>>) target(%dma_start3A_17 : memref<10240xf32, #tpu.memory_space<vmem_shared>>) offsets(%dma_start3A_15 : memref<100xi32, #tpu.memory_space<vmem>>) semaphore(%run_scoped3A : memref<!tpu.dma_semaphore, #tpu.memory_space<semaphore_mem>>) {add = true}
        %dma_wait3A = arith.constant 0 : i32
        %dma_wait3A_18 = tpu.memref_slice %arg6[%scan3A_13, %dma_wait3A] : memref<100x100xi32, #tpu.memory_space<vmem>> -> memref<1x100xi32, #tpu.memory_space<vmem>>
        %dma_wait3A_19 = tpu.memref_squeeze %dma_wait3A_18 : memref<1x100xi32, #tpu.memory_space<vmem>> -> memref<100xi32, #tpu.memory_space<vmem>>
        %dma_wait3A_20 = arith.constant 0 : i32
        %dma_wait3A_21 = tpu.memref_slice %arg8[%dma_wait3A_20] : memref<10240xf32, #tpu.memory_space<vmem_shared>> -> memref<10240xf32, #tpu.memory_space<vmem_shared>>
        tpu.wait_indirect_dma semaphore(%run_scoped3A : memref<!tpu.dma_semaphore, #tpu.memory_space<semaphore_mem>>) src(%arg7 : memref<100xf32, #tpu.memory_space<vmem>>) dst(%dma_wait3A_21 : memref<10240xf32, #tpu.memory_space<vmem_shared>>)
        tpu.yield
      }) : () -> ()
    }
    %scan3A_7 = arith.constant 100 : i32
    %barrier3A_8 = arith.constant 0 : index
    tpu.barrier barrier_id(%barrier3A_8)
    %mul3A_9 = arith.constant 640 : i32
    %mul3A_10 = arith.muli %arg1, %mul3A_9 : i32
    %mul3A_11 = arith.constant 640 : i32
    %mul3A_12 = arith.muli %arg1, %mul3A_11 : i32
    "tpu.region"() ({
      %run_scoped3A = tpu.sem_alloc : memref<!tpu.dma_semaphore, #tpu.memory_space<semaphore_mem>>
      %dma_start3A = tpu.memref_slice %arg5[%arg0, %mul3A_12] : memref<2x10240xf32, #tpu.memory_space<hbm>> -> memref<1x640xf32, #tpu.memory_space<hbm>>
      %dma_start3A_13 = tpu.memref_squeeze %dma_start3A : memref<1x640xf32, #tpu.memory_space<hbm>> -> memref<640xf32, #tpu.memory_space<hbm>>
      %dma_start3A_14 = tpu.memref_slice %arg8[%mul3A_10] : memref<10240xf32, #tpu.memory_space<vmem_shared>> -> memref<640xf32, #tpu.memory_space<vmem_shared>>
      tpu.enqueue_dma source(%dma_start3A_14 : memref<640xf32, #tpu.memory_space<vmem_shared>>) target(%dma_start3A_13 : memref<640xf32, #tpu.memory_space<hbm>>) target_semaphore(%run_scoped3A : memref<!tpu.dma_semaphore, #tpu.memory_space<semaphore_mem>>)
      %dma_wait3A = tpu.memref_slice %arg5[%arg0, %mul3A_12] : memref<2x10240xf32, #tpu.memory_space<hbm>> -> memref<1x640xf32, #tpu.memory_space<hbm>>
      %dma_wait3A_15 = tpu.memref_squeeze %dma_wait3A : memref<1x640xf32, #tpu.memory_space<hbm>> -> memref<640xf32, #tpu.memory_space<hbm>>
      %dma_wait3A_16 = tpu.memref_slice %arg8[%mul3A_10] : memref<10240xf32, #tpu.memory_space<vmem_shared>> -> memref<640xf32, #tpu.memory_space<vmem_shared>>
      tpu.wait_dma2 semaphore(%run_scoped3A : memref<!tpu.dma_semaphore, #tpu.memory_space<semaphore_mem>>) src(%dma_wait3A_16 : memref<640xf32, #tpu.memory_space<vmem_shared>>) dst(%dma_wait3A_15 : memref<640xf32, #tpu.memory_space<hbm>>)
      tpu.yield
    }) : () -> ()
    return
  }
}

module attributes {stable_mosaic.version = 14 : i64} {
  func.func @_prep_body(%arg0: memref<10000x128xf32, #tpu.memory_space<vmem>>, %arg1: memref<128x128xf32, #tpu.memory_space<vmem>>, %arg2: memref<512x128xf32, #tpu.memory_space<vmem>>, %arg3: memref<512x128xf32, #tpu.memory_space<vmem>>, %arg4: memref<512xf32, #tpu.memory_space<vmem>>, %arg5: memref<512xf32, #tpu.memory_space<vmem>>, %arg6: memref<2x10240xf32, #tpu.memory_space<vmem>>, %arg7: memref<10000x128xf32, #tpu.memory_space<vmem>>, %arg8: memref<10000x128xf32, #tpu.memory_space<vmem>>, %arg9: memref<10000xf32, #tpu.memory_space<vmem>>) attributes {dimension_semantics = [], scalar_prefetch = 0 : i64, scratch_operands = 0 : i64, tpu.core_type = #tpu.core_type<tc>} {
    %get3A = arith.constant 0 : index
    %get3A_0 = arith.constant 0 : index
    %get3A_1 = vector.load %arg1[%get3A, %get3A_0] : memref<128x128xf32, #tpu.memory_space<vmem>>, vector<128x128xf32>
    %broadcast_in_dim3A = arith.constant 0.000000e+00 : f32
    %broadcast_in_dim3A_2 = vector.broadcast %broadcast_in_dim3A : f32 to vector<128x128xf32>
    %broadcast_in_dim3A_3 = arith.constant 0.000000e+00 : f32
    %broadcast_in_dim3A_4 = vector.broadcast %broadcast_in_dim3A_3 : f32 to vector<128x128xf32>
    %get3A_5 = arith.constant 0 : index
    %get3A_6 = arith.constant 0 : index
    %get3A_7 = vector.load %arg2[%get3A_5, %get3A_6] : memref<512x128xf32, #tpu.memory_space<vmem>>, vector<512x128xf32>
    %get3A_8 = arith.constant 0 : index
    %get3A_9 = arith.constant 0 : index
    %get3A_10 = vector.load %arg3[%get3A_8, %get3A_9] : memref<512x128xf32, #tpu.memory_space<vmem>>, vector<512x128xf32>
    %get3A_11 = arith.constant 0 : index
    %get3A_12 = vector.load %arg4[%get3A_11] : memref<512xf32, #tpu.memory_space<vmem>>, vector<512xf32>
    %get3A_13 = arith.constant 0 : index
    %get3A_14 = vector.load %arg5[%get3A_13] : memref<512xf32, #tpu.memory_space<vmem>>, vector<512xf32>
    %dot_general3A = arith.constant dense<0.000000e+00> : vector<128x512xf32>
    %dot_general3A_15 = tpu.matmul %get3A_1, %get3A_7, %dot_general3A {dimension_numbers = #tpu.dot_dimension_numbers<[1], [1], [0], [0], [0, 0, 1, 0], [], []>, transpose_lhs_hint = false} : vector<128x128xf32>, vector<512x128xf32>, vector<128x512xf32> -> vector<128x512xf32>
    %dot_general3A_16 = arith.constant dense<0.000000e+00> : vector<128x512xf32>
    %dot_general3A_17 = tpu.matmul %broadcast_in_dim3A_2, %get3A_10, %dot_general3A_16 {dimension_numbers = #tpu.dot_dimension_numbers<[1], [1], [0], [0], [0, 0, 1, 0], [], []>, transpose_lhs_hint = false} : vector<128x128xf32>, vector<512x128xf32>, vector<128x512xf32> -> vector<128x512xf32>
    %add3A = arith.addf %dot_general3A_15, %dot_general3A_17 : vector<128x512xf32>
    %broadcast_in_dim3A_18 = vector.shape_cast %get3A_12 : vector<512xf32> to vector<1x512xf32>
    %add3A_19 = vector.broadcast %broadcast_in_dim3A_18 : vector<1x512xf32> to vector<128x512xf32>
    %add3A_20 = arith.addf %add3A, %add3A_19 : vector<128x512xf32>
    %broadcast_in_dim3A_21 = vector.shape_cast %get3A_14 : vector<512xf32> to vector<1x512xf32>
    %add3A_22 = vector.broadcast %broadcast_in_dim3A_21 : vector<1x512xf32> to vector<128x512xf32>
    %add3A_23 = arith.addf %add3A_20, %add3A_22 : vector<128x512xf32>
    %slice3A = vector.extract_strided_slice %add3A_23 {offsets = [0, 0], sizes = [128, 128], strides = [1, 1]} : vector<128x512xf32> to vector<128x128xf32>
    %logistic3A = arith.negf %slice3A : vector<128x128xf32>
    %logistic3A_24 = math.exp %logistic3A : vector<128x128xf32>
    %logistic3A_25 = arith.constant 1.000000e+00 : f32
    %logistic3A_26 = vector.broadcast %logistic3A_25 : f32 to vector<128x128xf32>
    %logistic3A_27 = arith.addf %logistic3A_26, %logistic3A_24 : vector<128x128xf32>
    %logistic3A_28 = arith.divf %logistic3A_26, %logistic3A_27 : vector<128x128xf32>
    %slice3A_29 = vector.extract_strided_slice %add3A_23 {offsets = [0, 128], sizes = [128, 128], strides = [1, 1]} : vector<128x512xf32> to vector<128x128xf32>
    %logistic3A_30 = arith.negf %slice3A_29 : vector<128x128xf32>
    %logistic3A_31 = math.exp %logistic3A_30 : vector<128x128xf32>
    %logistic3A_32 = arith.constant 1.000000e+00 : f32
    %logistic3A_33 = vector.broadcast %logistic3A_32 : f32 to vector<128x128xf32>
    %logistic3A_34 = arith.addf %logistic3A_33, %logistic3A_31 : vector<128x128xf32>
    %logistic3A_35 = arith.divf %logistic3A_33, %logistic3A_34 : vector<128x128xf32>
    %slice3A_36 = vector.extract_strided_slice %add3A_23 {offsets = [0, 256], sizes = [128, 128], strides = [1, 1]} : vector<128x512xf32> to vector<128x128xf32>
    %tanh3A = math.tanh %slice3A_36 : vector<128x128xf32>
    %slice3A_37 = vector.extract_strided_slice %add3A_23 {offsets = [0, 384], sizes = [128, 128], strides = [1, 1]} : vector<128x512xf32> to vector<128x128xf32>
    %logistic3A_38 = arith.negf %slice3A_37 : vector<128x128xf32>
    %logistic3A_39 = math.exp %logistic3A_38 : vector<128x128xf32>
    %logistic3A_40 = arith.constant 1.000000e+00 : f32
    %logistic3A_41 = vector.broadcast %logistic3A_40 : f32 to vector<128x128xf32>
    %logistic3A_42 = arith.addf %logistic3A_41, %logistic3A_39 : vector<128x128xf32>
    %logistic3A_43 = arith.divf %logistic3A_41, %logistic3A_42 : vector<128x128xf32>
    %mul3A = arith.mulf %logistic3A_35, %broadcast_in_dim3A_4 : vector<128x128xf32>
    %mul3A_44 = arith.mulf %logistic3A_28, %tanh3A : vector<128x128xf32>
    %add3A_45 = arith.addf %mul3A, %mul3A_44 : vector<128x128xf32>
    %tanh3A_46 = math.tanh %add3A_45 : vector<128x128xf32>
    %mul3A_47 = arith.mulf %logistic3A_43, %tanh3A_46 : vector<128x128xf32>
    %dot_general3A_48 = arith.constant dense<0.000000e+00> : vector<128x512xf32>
    %dot_general3A_49 = tpu.matmul %mul3A_47, %get3A_7, %dot_general3A_48 {dimension_numbers = #tpu.dot_dimension_numbers<[1], [1], [0], [0], [0, 0, 1, 0], [], []>, transpose_lhs_hint = false} : vector<128x128xf32>, vector<512x128xf32>, vector<128x512xf32> -> vector<128x512xf32>
    %dot_general3A_50 = arith.constant dense<0.000000e+00> : vector<128x512xf32>
    %dot_general3A_51 = tpu.matmul %mul3A_47, %get3A_10, %dot_general3A_50 {dimension_numbers = #tpu.dot_dimension_numbers<[1], [1], [0], [0], [0, 0, 1, 0], [], []>, transpose_lhs_hint = false} : vector<128x128xf32>, vector<512x128xf32>, vector<128x512xf32> -> vector<128x512xf32>
    %add3A_52 = arith.addf %dot_general3A_49, %dot_general3A_51 : vector<128x512xf32>
    %broadcast_in_dim3A_53 = vector.shape_cast %get3A_12 : vector<512xf32> to vector<1x512xf32>
    %add3A_54 = vector.broadcast %broadcast_in_dim3A_53 : vector<1x512xf32> to vector<128x512xf32>
    %add3A_55 = arith.addf %add3A_52, %add3A_54 : vector<128x512xf32>
    %broadcast_in_dim3A_56 = vector.shape_cast %get3A_14 : vector<512xf32> to vector<1x512xf32>
    %add3A_57 = vector.broadcast %broadcast_in_dim3A_56 : vector<1x512xf32> to vector<128x512xf32>
    %add3A_58 = arith.addf %add3A_55, %add3A_57 : vector<128x512xf32>
    %slice3A_59 = vector.extract_strided_slice %add3A_58 {offsets = [0, 0], sizes = [128, 128], strides = [1, 1]} : vector<128x512xf32> to vector<128x128xf32>
    %logistic3A_60 = arith.negf %slice3A_59 : vector<128x128xf32>
    %logistic3A_61 = math.exp %logistic3A_60 : vector<128x128xf32>
    %logistic3A_62 = arith.constant 1.000000e+00 : f32
    %logistic3A_63 = vector.broadcast %logistic3A_62 : f32 to vector<128x128xf32>
    %logistic3A_64 = arith.addf %logistic3A_63, %logistic3A_61 : vector<128x128xf32>
    %logistic3A_65 = arith.divf %logistic3A_63, %logistic3A_64 : vector<128x128xf32>
    %slice3A_66 = vector.extract_strided_slice %add3A_58 {offsets = [0, 128], sizes = [128, 128], strides = [1, 1]} : vector<128x512xf32> to vector<128x128xf32>
    %logistic3A_67 = arith.negf %slice3A_66 : vector<128x128xf32>
    %logistic3A_68 = math.exp %logistic3A_67 : vector<128x128xf32>
    %logistic3A_69 = arith.constant 1.000000e+00 : f32
    %logistic3A_70 = vector.broadcast %logistic3A_69 : f32 to vector<128x128xf32>
    %logistic3A_71 = arith.addf %logistic3A_70, %logistic3A_68 : vector<128x128xf32>
    %logistic3A_72 = arith.divf %logistic3A_70, %logistic3A_71 : vector<128x128xf32>
    %slice3A_73 = vector.extract_strided_slice %add3A_58 {offsets = [0, 256], sizes = [128, 128], strides = [1, 1]} : vector<128x512xf32> to vector<128x128xf32>
    %tanh3A_74 = math.tanh %slice3A_73 : vector<128x128xf32>
    %slice3A_75 = vector.extract_strided_slice %add3A_58 {offsets = [0, 384], sizes = [128, 128], strides = [1, 1]} : vector<128x512xf32> to vector<128x128xf32>
    %logistic3A_76 = arith.negf %slice3A_75 : vector<128x128xf32>
    %logistic3A_77 = math.exp %logistic3A_76 : vector<128x128xf32>
    %logistic3A_78 = arith.constant 1.000000e+00 : f32
    %logistic3A_79 = vector.broadcast %logistic3A_78 : f32 to vector<128x128xf32>
    %logistic3A_80 = arith.addf %logistic3A_79, %logistic3A_77 : vector<128x128xf32>
    %logistic3A_81 = arith.divf %logistic3A_79, %logistic3A_80 : vector<128x128xf32>
    %mul3A_82 = arith.mulf %logistic3A_72, %add3A_45 : vector<128x128xf32>
    %mul3A_83 = arith.mulf %logistic3A_65, %tanh3A_74 : vector<128x128xf32>
    %add3A_84 = arith.addf %mul3A_82, %mul3A_83 : vector<128x128xf32>
    %tanh3A_85 = math.tanh %add3A_84 : vector<128x128xf32>
    %mul3A_86 = arith.mulf %logistic3A_81, %tanh3A_85 : vector<128x128xf32>
    %dot_general3A_87 = arith.constant dense<0.000000e+00> : vector<128x512xf32>
    %dot_general3A_88 = tpu.matmul %mul3A_86, %get3A_7, %dot_general3A_87 {dimension_numbers = #tpu.dot_dimension_numbers<[1], [1], [0], [0], [0, 0, 1, 0], [], []>, transpose_lhs_hint = false} : vector<128x128xf32>, vector<512x128xf32>, vector<128x512xf32> -> vector<128x512xf32>
    %dot_general3A_89 = arith.constant dense<0.000000e+00> : vector<128x512xf32>
    %dot_general3A_90 = tpu.matmul %mul3A_86, %get3A_10, %dot_general3A_89 {dimension_numbers = #tpu.dot_dimension_numbers<[1], [1], [0], [0], [0, 0, 1, 0], [], []>, transpose_lhs_hint = false} : vector<128x128xf32>, vector<512x128xf32>, vector<128x512xf32> -> vector<128x512xf32>
    %add3A_91 = arith.addf %dot_general3A_88, %dot_general3A_90 : vector<128x512xf32>
    %broadcast_in_dim3A_92 = vector.shape_cast %get3A_12 : vector<512xf32> to vector<1x512xf32>
    %add3A_93 = vector.broadcast %broadcast_in_dim3A_92 : vector<1x512xf32> to vector<128x512xf32>
    %add3A_94 = arith.addf %add3A_91, %add3A_93 : vector<128x512xf32>
    %broadcast_in_dim3A_95 = vector.shape_cast %get3A_14 : vector<512xf32> to vector<1x512xf32>
    %add3A_96 = vector.broadcast %broadcast_in_dim3A_95 : vector<1x512xf32> to vector<128x512xf32>
    %add3A_97 = arith.addf %add3A_94, %add3A_96 : vector<128x512xf32>
    %slice3A_98 = vector.extract_strided_slice %add3A_97 {offsets = [0, 0], sizes = [128, 128], strides = [1, 1]} : vector<128x512xf32> to vector<128x128xf32>
    %logistic3A_99 = arith.negf %slice3A_98 : vector<128x128xf32>
    %logistic3A_100 = math.exp %logistic3A_99 : vector<128x128xf32>
    %logistic3A_101 = arith.constant 1.000000e+00 : f32
    %logistic3A_102 = vector.broadcast %logistic3A_101 : f32 to vector<128x128xf32>
    %logistic3A_103 = arith.addf %logistic3A_102, %logistic3A_100 : vector<128x128xf32>
    %logistic3A_104 = arith.divf %logistic3A_102, %logistic3A_103 : vector<128x128xf32>
    %slice3A_105 = vector.extract_strided_slice %add3A_97 {offsets = [0, 128], sizes = [128, 128], strides = [1, 1]} : vector<128x512xf32> to vector<128x128xf32>
    %logistic3A_106 = arith.negf %slice3A_105 : vector<128x128xf32>
    %logistic3A_107 = math.exp %logistic3A_106 : vector<128x128xf32>
    %logistic3A_108 = arith.constant 1.000000e+00 : f32
    %logistic3A_109 = vector.broadcast %logistic3A_108 : f32 to vector<128x128xf32>
    %logistic3A_110 = arith.addf %logistic3A_109, %logistic3A_107 : vector<128x128xf32>
    %logistic3A_111 = arith.divf %logistic3A_109, %logistic3A_110 : vector<128x128xf32>
    %slice3A_112 = vector.extract_strided_slice %add3A_97 {offsets = [0, 256], sizes = [128, 128], strides = [1, 1]} : vector<128x512xf32> to vector<128x128xf32>
    %tanh3A_113 = math.tanh %slice3A_112 : vector<128x128xf32>
    %slice3A_114 = vector.extract_strided_slice %add3A_97 {offsets = [0, 384], sizes = [128, 128], strides = [1, 1]} : vector<128x512xf32> to vector<128x128xf32>
    %logistic3A_115 = arith.negf %slice3A_114 : vector<128x128xf32>
    %logistic3A_116 = math.exp %logistic3A_115 : vector<128x128xf32>
    %logistic3A_117 = arith.constant 1.000000e+00 : f32
    %logistic3A_118 = vector.broadcast %logistic3A_117 : f32 to vector<128x128xf32>
    %logistic3A_119 = arith.addf %logistic3A_118, %logistic3A_116 : vector<128x128xf32>
    %logistic3A_120 = arith.divf %logistic3A_118, %logistic3A_119 : vector<128x128xf32>
    %mul3A_121 = arith.mulf %logistic3A_111, %add3A_84 : vector<128x128xf32>
    %mul3A_122 = arith.mulf %logistic3A_104, %tanh3A_113 : vector<128x128xf32>
    %add3A_123 = arith.addf %mul3A_121, %mul3A_122 : vector<128x128xf32>
    %tanh3A_124 = math.tanh %add3A_123 : vector<128x128xf32>
    %mul3A_125 = arith.mulf %logistic3A_120, %tanh3A_124 : vector<128x128xf32>
    %get3A_126 = arith.constant 0 : index
    %get3A_127 = arith.constant 0 : index
    %get3A_128 = vector.load %arg0[%get3A_126, %get3A_127] : memref<10000x128xf32, #tpu.memory_space<vmem>>, vector<10000x128xf32>
    %dot_general3A_129 = arith.constant dense<0.000000e+00> : vector<10000x128xf32>
    %dot_general3A_130 = tpu.matmul %get3A_128, %mul3A_125, %dot_general3A_129 {dimension_numbers = #tpu.dot_dimension_numbers<[1], [1], [0], [0], [0, 0, 1, 0], [], []>, transpose_lhs_hint = false} : vector<10000x128xf32>, vector<128x128xf32>, vector<10000x128xf32> -> vector<10000x128xf32>
    %get3A_131 = arith.constant 0 : index
    %get3A_132 = arith.constant 0 : index
    %get3A_133 = vector.load %arg6[%get3A_131, %get3A_132] : memref<2x10240xf32, #tpu.memory_space<vmem>>, vector<1x10000xf32>
    %get3A_134 = vector.shape_cast %get3A_133 : vector<1x10000xf32> to vector<10000xf32>
    %get3A_135 = arith.constant 1 : index
    %get3A_136 = arith.constant 0 : index
    %get3A_137 = vector.load %arg6[%get3A_135, %get3A_136] : memref<2x10240xf32, #tpu.memory_space<vmem>>, vector<1x10000xf32>
    %get3A_138 = vector.shape_cast %get3A_137 : vector<1x10000xf32> to vector<10000xf32>
    %add3A_139 = arith.addf %get3A_134, %get3A_138 : vector<10000xf32>
    %add3A_140 = arith.constant 1.000000e+00 : f32
    %add3A_141 = vector.broadcast %add3A_140 : f32 to vector<10000xf32>
    %add3A_142 = arith.addf %add3A_139, %add3A_141 : vector<10000xf32>
    %rsqrt3A = math.rsqrt %add3A_142 : vector<10000xf32>
    %swap3A = arith.constant 0 : index
    %swap3A_143 = arith.constant 0 : index
    %swap3A_144 = vector.load %arg7[%swap3A, %swap3A_143] : memref<10000x128xf32, #tpu.memory_space<vmem>>, vector<10000x128xf32>
    tpu.vector_store %arg7[%swap3A, %swap3A_143], %dot_general3A_130 {strides = array<i32>} : memref<10000x128xf32, #tpu.memory_space<vmem>>, vector<10000x128xf32>,
    %broadcast_in_dim3A_145 = vector.shape_cast %rsqrt3A : vector<10000xf32> to vector<10000x1xf32>
    %mul3A_146 = vector.broadcast %broadcast_in_dim3A_145 : vector<10000x1xf32> to vector<10000x128xf32>
    %mul3A_147 = arith.mulf %dot_general3A_130, %mul3A_146 : vector<10000x128xf32>
    %swap3A_148 = arith.constant 0 : index
    %swap3A_149 = arith.constant 0 : index
    %swap3A_150 = vector.load %arg8[%swap3A_148, %swap3A_149] : memref<10000x128xf32, #tpu.memory_space<vmem>>, vector<10000x128xf32>
    tpu.vector_store %arg8[%swap3A_148, %swap3A_149], %mul3A_147 {strides = array<i32>} : memref<10000x128xf32, #tpu.memory_space<vmem>>, vector<10000x128xf32>,
    %swap3A_151 = arith.constant 0 : index
    %swap3A_152 = vector.load %arg9[%swap3A_151] : memref<10000xf32, #tpu.memory_space<vmem>>, vector<10000xf32>
    tpu.vector_store %arg9[%swap3A_151], %rsqrt3A {strides = array<i32>} : memref<10000xf32, #tpu.memory_space<vmem>>, vector<10000xf32>,
    return
  }
}

module attributes {stable_mosaic.version = 14 : i64} {
  func.func @_edgec_body(%arg0: i32, %arg1: memref<4000x16xf32, #tpu.memory_space<vmem>>, %arg2: memref<128x16xf32, #tpu.memory_space<vmem>>, %arg3: memref<4000x128xf32, #tpu.memory_space<vmem>>) attributes {dimension_semantics = [#tpu.dimension_semantics<arbitrary>], iteration_bounds = array<i64: 80>, scalar_prefetch = 0 : i64, scratch_operands = 0 : i64, tpu.core_type = #tpu.core_type<tc>, window_params = [{transform_indices = @transform_0, window_bounds = array<i64: 4000, 16>}, {pipeline_mode = #tpu.pipeline_mode<synchronous>, transform_indices = @transform_1, window_bounds = array<i64: 128, 16>}, {transform_indices = @transform_2, window_bounds = array<i64: 4000, 128>}]} {
    %get3A = arith.constant 0 : index
    %get3A_0 = arith.constant 0 : index
    %get3A_1 = vector.load %arg1[%get3A, %get3A_0] : memref<4000x16xf32, #tpu.memory_space<vmem>>, vector<4000x16xf32>
    %get3A_2 = arith.constant 0 : index
    %get3A_3 = arith.constant 0 : index
    %get3A_4 = vector.load %arg2[%get3A_2, %get3A_3] : memref<128x16xf32, #tpu.memory_space<vmem>>, vector<128x16xf32>
    %dot_general3A = arith.constant dense<0.000000e+00> : vector<4000x128xf32>
    %dot_general3A_5 = tpu.matmul %get3A_1, %get3A_4, %dot_general3A {dimension_numbers = #tpu.dot_dimension_numbers<[1], [1], [0], [0], [0, 0, 1, 0], [], []>, transpose_lhs_hint = false} : vector<4000x16xf32>, vector<128x16xf32>, vector<4000x128xf32> -> vector<4000x128xf32>
    %swap3A = arith.constant 0 : index
    %swap3A_6 = arith.constant 0 : index
    %swap3A_7 = vector.load %arg3[%swap3A, %swap3A_6] : memref<4000x128xf32, #tpu.memory_space<vmem>>, vector<4000x128xf32>
    tpu.vector_store %arg3[%swap3A, %swap3A_6], %dot_general3A_5 {strides = array<i32>} : memref<4000x128xf32, #tpu.memory_space<vmem>>, vector<4000x128xf32>,
    return
  }
  func.func @transform_0(%arg0: i32) -> (i32, i32) {
    %c0_i32 = arith.constant 0 : i32
    %c0_i32_0 = arith.constant 0 : i32
    return %arg0, %c0_i32 : i32, i32
  }
  func.func @transform_1(%arg0: i32) -> (i32, i32) {
    %c0_i32 = arith.constant 0 : i32
    %c0_i32_0 = arith.constant 0 : i32
    %c0_i32_1 = arith.constant 0 : i32
    return %c0_i32, %c0_i32_0 : i32, i32
  }
  func.func @transform_2(%arg0: i32) -> (i32, i32) {
    %c0_i32 = arith.constant 0 : i32
    %c0_i32_0 = arith.constant 0 : i32
    return %arg0, %c0_i32 : i32, i32
  }
}

module attributes {stable_mosaic.version = 14 : i64} {
  func.func @_node_body(%arg0: memref<2x10240x128xf32, #tpu.memory_space<vmem>>, %arg1: memref<10000x128xf32, #tpu.memory_space<vmem>>, %arg2: memref<10000xf32, #tpu.memory_space<vmem>>, %arg3: memref<128x128xf32, #tpu.memory_space<vmem>>, %arg4: memref<128x128xf32, #tpu.memory_space<vmem>>, %arg5: memref<128xf32, #tpu.memory_space<vmem>>, %arg6: memref<10000x128xf32, #tpu.memory_space<vmem>>, %arg7: memref<10000x128xf32, #tpu.memory_space<vmem>>) attributes {dimension_semantics = [], scalar_prefetch = 0 : i64, scratch_operands = 0 : i64, tpu.core_type = #tpu.core_type<tc>} {
    %get3A = arith.constant 0 : index
    %get3A_0 = vector.load %arg2[%get3A] : memref<10000xf32, #tpu.memory_space<vmem>>, vector<10000xf32>
    %get3A_1 = arith.constant 0 : index
    %get3A_2 = arith.constant 0 : index
    %get3A_3 = arith.constant 0 : index
    %get3A_4 = vector.load %arg0[%get3A_1, %get3A_2, %get3A_3] : memref<2x10240x128xf32, #tpu.memory_space<vmem>>, vector<1x10000x128xf32>
    %get3A_5 = vector.shape_cast %get3A_4 : vector<1x10000x128xf32> to vector<10000x128xf32>
    %get3A_6 = arith.constant 1 : index
    %get3A_7 = arith.constant 0 : index
    %get3A_8 = arith.constant 0 : index
    %get3A_9 = vector.load %arg0[%get3A_6, %get3A_7, %get3A_8] : memref<2x10240x128xf32, #tpu.memory_space<vmem>>, vector<1x10000x128xf32>
    %get3A_10 = vector.shape_cast %get3A_9 : vector<1x10000x128xf32> to vector<10000x128xf32>
    %add3A = arith.addf %get3A_5, %get3A_10 : vector<10000x128xf32>
    %broadcast_in_dim3A = vector.shape_cast %get3A_0 : vector<10000xf32> to vector<10000x1xf32>
    %mul3A = vector.broadcast %broadcast_in_dim3A : vector<10000x1xf32> to vector<10000x128xf32>
    %mul3A_11 = arith.mulf %add3A, %mul3A : vector<10000x128xf32>
    %mul3A_12 = arith.mulf %get3A_0, %get3A_0 : vector<10000xf32>
    %broadcast_in_dim3A_13 = vector.shape_cast %mul3A_12 : vector<10000xf32> to vector<10000x1xf32>
    %get3A_14 = arith.constant 0 : index
    %get3A_15 = arith.constant 0 : index
    %get3A_16 = vector.load %arg1[%get3A_14, %get3A_15] : memref<10000x128xf32, #tpu.memory_space<vmem>>, vector<10000x128xf32>
    %mul3A_17 = vector.broadcast %broadcast_in_dim3A_13 : vector<10000x1xf32> to vector<10000x128xf32>
    %mul3A_18 = arith.mulf %mul3A_17, %get3A_16 : vector<10000x128xf32>
    %add3A_19 = arith.addf %mul3A_11, %mul3A_18 : vector<10000x128xf32>
    %max3A = arith.constant 0.000000e+00 : f32
    %max3A_20 = vector.broadcast %max3A : f32 to vector<10000x128xf32>
    %max3A_21 = arith.maximumf %add3A_19, %max3A_20 : vector<10000x128xf32>
    %get3A_22 = arith.constant 0 : index
    %get3A_23 = arith.constant 0 : index
    %get3A_24 = vector.load %arg3[%get3A_22, %get3A_23] : memref<128x128xf32, #tpu.memory_space<vmem>>, vector<128x128xf32>
    %dot_general3A = arith.constant dense<0.000000e+00> : vector<10000x128xf32>
    %dot_general3A_25 = tpu.matmul %max3A_21, %get3A_24, %dot_general3A {dimension_numbers = #tpu.dot_dimension_numbers<[1], [1], [0], [0], [0, 0, 1, 0], [], []>, transpose_lhs_hint = false} : vector<10000x128xf32>, vector<128x128xf32>, vector<10000x128xf32> -> vector<10000x128xf32>
    %swap3A = arith.constant 0 : index
    %swap3A_26 = arith.constant 0 : index
    %swap3A_27 = vector.load %arg6[%swap3A, %swap3A_26] : memref<10000x128xf32, #tpu.memory_space<vmem>>, vector<10000x128xf32>
    tpu.vector_store %arg6[%swap3A, %swap3A_26], %dot_general3A_25 {strides = array<i32>} : memref<10000x128xf32, #tpu.memory_space<vmem>>, vector<10000x128xf32>,
    %get3A_28 = arith.constant 0 : index
    %get3A_29 = arith.constant 0 : index
    %get3A_30 = vector.load %arg4[%get3A_28, %get3A_29] : memref<128x128xf32, #tpu.memory_space<vmem>>, vector<128x128xf32>
    %dot_general3A_31 = arith.constant dense<0.000000e+00> : vector<10000x128xf32>
    %dot_general3A_32 = tpu.matmul %max3A_21, %get3A_30, %dot_general3A_31 {dimension_numbers = #tpu.dot_dimension_numbers<[1], [1], [0], [0], [0, 0, 1, 0], [], []>, transpose_lhs_hint = false} : vector<10000x128xf32>, vector<128x128xf32>, vector<10000x128xf32> -> vector<10000x128xf32>
    %get3A_33 = arith.constant 0 : index
    %get3A_34 = vector.load %arg5[%get3A_33] : memref<128xf32, #tpu.memory_space<vmem>>, vector<128xf32>
    %broadcast_in_dim3A_35 = vector.shape_cast %get3A_34 : vector<128xf32> to vector<1x128xf32>
    %add3A_36 = vector.broadcast %broadcast_in_dim3A_35 : vector<1x128xf32> to vector<10000x128xf32>
    %add3A_37 = arith.addf %dot_general3A_32, %add3A_36 : vector<10000x128xf32>
    %swap3A_38 = arith.constant 0 : index
    %swap3A_39 = arith.constant 0 : index
    %swap3A_40 = vector.load %arg7[%swap3A_38, %swap3A_39] : memref<10000x128xf32, #tpu.memory_space<vmem>>, vector<10000x128xf32>
    tpu.vector_store %arg7[%swap3A_38, %swap3A_39], %add3A_37 {strides = array<i32>} : memref<10000x128xf32, #tpu.memory_space<vmem>>, vector<10000x128xf32>,
    return
  }
}

module attributes {stable_mosaic.version = 14 : i64} {
  func.func @_fin_body(%arg0: memref<10000x512xf32, #tpu.memory_space<vmem>>, %arg1: memref<512x32xf32, #tpu.memory_space<vmem>>, %arg2: memref<1xf32, #tpu.memory_space<vmem>>, %arg3: memref<10000x32xf32, #tpu.memory_space<vmem>>) attributes {dimension_semantics = [], scalar_prefetch = 0 : i64, scratch_operands = 0 : i64, tpu.core_type = #tpu.core_type<tc>} {
    %get3A = arith.constant 0 : index
    %get3A_0 = arith.constant 0 : index
    %get3A_1 = vector.load %arg0[%get3A, %get3A_0] : memref<10000x512xf32, #tpu.memory_space<vmem>>, vector<10000x512xf32>
    %get3A_2 = arith.constant 0 : index
    %get3A_3 = arith.constant 0 : index
    %get3A_4 = vector.load %arg1[%get3A_2, %get3A_3] : memref<512x32xf32, #tpu.memory_space<vmem>>, vector<512x32xf32>
    %dot_general3A = arith.constant dense<0.000000e+00> : vector<10000x32xf32>
    %dot_general3A_5 = tpu.matmul %get3A_1, %get3A_4, %dot_general3A {dimension_numbers = #tpu.dot_dimension_numbers<[1], [0], [0], [1], [0, 0, 1, 1], [], []>, transpose_lhs_hint = false} : vector<10000x512xf32>, vector<512x32xf32>, vector<10000x32xf32> -> vector<10000x32xf32>
    %get3A_6 = arith.constant 0 : index
    %get3A_7 = vector.load %arg2[%get3A_6] : memref<1xf32, #tpu.memory_space<vmem>>, vector<1xf32>
    %get3A_8 = vector.extract %get3A_7[0] : f32 from vector<1xf32>
    %add3A = vector.broadcast %get3A_8 : f32 to vector<10000x32xf32>
    %add3A_9 = arith.addf %dot_general3A_5, %add3A : vector<10000x32xf32>
    %swap3A = arith.constant 0 : index
    %swap3A_10 = arith.constant 0 : index
    %swap3A_11 = vector.load %arg3[%swap3A, %swap3A_10] : memref<10000x32xf32, #tpu.memory_space<vmem>>, vector<10000x32xf32>
    tpu.vector_store %arg3[%swap3A, %swap3A_10], %add3A_9 {strides = array<i32>} : memref<10000x32xf32, #tpu.memory_space<vmem>>, vector<10000x32xf32>,
    return
  }
}

</mosaic_0001>

<sc_bundles>
// kernel: kernel.12.cloned.1.call-start
scs
__scs_entry_jumppad:
0x0: {  	(pc) =	sbr.rel $0x88, $3  }
0x1: {  	(tag) =	ssettag $0x0;
	lr =	simm.s32 $0x1  }
0x2: {  	[smem:$0x3F95] =	sst lr;
	_ =	strace $0xD0000000  }
0x3: {  	_ = 	snop  }
0x4: {  	_ = 	snop  }
0x5: {  	_ = 	snop  }
0x6: {  	_ = 	snop  }
0x7: {  	_ = 	snop  }
__scs_overlays_trampoline_lowered:
0x8: {  	[smem:$0x3FA4] =	sst s0  }
0x9: {  	[smem:$0x3FA5] =	sst s1  }
0xa: {  	[smem:$0x3FA6] =	sst s2  }
0xb: {  	[smem:$0x3FA7] =	sst s3  }
0xc: {  	[smem:$0x3FA8] =	sst s4  }
0xd: {  	[smem:$0x3FA9] =	sst s5  }
0xe: {  	[smem:$0x3FAA] =	sst s6  }
0xf: {  	[smem:$0x3FAB] =	sst s7  }
0x10: {  	[smem:$0x3FAC] =	sst s8  }
0x11: {  	[smem:$0x3FAD] =	sst s9;
	s0 =	simm.s32 @!p0 $0x0  }
0x12: {  	s1 =	sld [smem:$0x3F93];
	s0 =	simm.s32 @p0 $0x1  }
0x13: {  	[smem:$0x3FAE] =	sst s0;
	s0 =	simm.s32 @!p1 $0x0  }
0x14: {  	s2 =	sld [smem:$0x3F92];
	s0 =	simm.s32 @p1 $0x1  }
0x15: {  	[smem:$0x3FAF] =	sst s0;
	s0 =	simm.s32 @!p2 $0x0  }
0x16: {  	s3 =	sld [smem:$0x3FDB];
	s0 =	simm.s32 @p2 $0x1  }
0x17: {  	s4 =	simm.s32 $0x1BF5;
	[smem:$0x3FB1] =	sst s0  }
0x18: {  	s0 =	sld [smem:$0x3F94];
	_ =	swait.ge [sflag:s4], $0x0  }
0x19: {  	s7 =	sld [smem:$0x3F95]  }
0x1a: {  	s8 =	sadd.s32 $0xFFFFE003, lr  }
0x1b: {  	s9 =	sadd.s32 $0xFFFFFEF7, lr;
	s5 =	simm.s32 $0xFFFFFFFF;
	p2 =	slt.u32 s8, $0xFFFFF086  }
0x1c: {  	p1 =	slt.u32 s9, $0xF7A;
	s5 =	simm.s32 @!p2 $0x0  }
0x1d: {  	s5 =	simm.s32 @p1 $0x1;
	p0 =	seq.s32 s7, s2  }
0x1e: {  	s7 =	smul.u32 @!p0 $0xF7A, s2;
	p2 =	seq.s32 @!p0 s5, $0x0  }
0x1f: {  	s9 =	smul.u32 $0xF7A, s1;
	s8 =	simm.s32 @!p0 $0x1BF5;
	p2 =	por !p2, p0  }
0x20: {  	[sflag:s8] =	ssyncset.s32 @!p0 $0xFFFFF086;
	s6 =	sadd.s32 @!p0 s3, s7;
	s7 =	simm.s32 @!p0 $0x108  }
0x21: {  	s3 =	sadd.s32 s3, s9;
	s6 =	sadd.s32 @!p0 $0x88, s6;
	s7 =	simm.s32 @p2 $0x1082  }
0x22: {  	[simem:s7], [sflag:s8] =	dma.local @!p0 [hbm:s6], $0xF7A  }
0x23: {  	s9 =	sor.u32 $0xD0000000, s2;
	s6 =	simm.s32 $0x108;
	_ =	swait.ge @!p0 [sflag:s8], $0x0  }
0x24: {  	s3 =	sadd.s32 $0x88, s3;
	s6 =	simm.s32 @!p1 $0x1082;
	[sflag:s4] =	ssyncset.s32 $0xFFFFF086  }
0x25: {  	[simem:s6], [sflag:s4] =	dma.local [hbm:s3], $0xF7A  }
0x26: {  	[smem:$0x3F95] =	sst s1;
	(tag) =	ssettag s2;
	_ =	strace s9  }
0x27: {  	s1 =	sld [smem:$0x3FA5]  }
0x28: {  	s2 =	sld [smem:$0x3FA6]  }
0x29: {  	s4 =	sld [smem:$0x3FA8]  }
0x2a: {  	p0 =	seq.s32 s5, $0x0;
	s5 =	sld [smem:$0x3FA9]  }
0x2b: {  	s6 =	sld [smem:$0x3FAA]  }
0x2c: {  	s7 =	sld [smem:$0x3FAB]  }
0x2d: {  	s3 =	simm.s32 $0x108;
	s8 =	sld [smem:$0x3FAC]  }
0x2e: {  	s3 =	simm.s32 @!p0 $0x1082;
	s9 =	sld [smem:$0x3FAD]  }
0x2f: {  	lr =	sadd.s32 s0, s3;
	s0 =	sld [smem:$0x3FA4]  }
0x30: {  	s3 =	sld [smem:$0x3FA7]  }
0x31: {  	[smem:$0x3FB0] =	sst s10  }
0x32: {  	s10 =	sld [smem:$0x3FAE];
	_ =	sdelay $0x3  }
0x33: {  	p0 =	seq.s32 s10, $0x1;
	s10 =	sld [smem:$0x3FB0];
	_ =	sdelay $0x3  }
0x34: {  	[smem:$0x3FB0] =	sst s10  }
0x35: {  	s10 =	sld [smem:$0x3FAF];
	_ =	sdelay $0x3  }
0x36: {  	p1 =	seq.s32 s10, $0x1;
	s10 =	sld [smem:$0x3FB0];
	_ =	sdelay $0x3  }
0x37: {  	[smem:$0x3FB0] =	sst s10  }
0x38: {  	s10 =	sld [smem:$0x3FB1]  }
0x39: {  	_ = 	snop;
	(pc) =	sbr.ind lr, $3  }
0x3a: {  	_ = 	snop  }
0x3b: {  	_ = 	snop  }
0x3c: {  	p2 =	seq.s32 s10, $0x1;
	s10 =	sld [smem:$0x3FB0]  }
0x3d: {  	_ =	shalt  }
0x3e: {  	_ =	shalt  }
0x3f: {  	_ =	shalt  }
0x40: {  	_ =	shalt  }
0x41: {  	_ =	shalt  }
0x42: {  	_ =	shalt  }
0x43: {  	_ =	shalt  }
0x44: {  	_ =	shalt  }
0x45: {  	_ =	shalt  }
0x46: {  	_ =	shalt  }
0x47: {  	_ =	shalt  }
0x48: {  	_ =	shalt  }
0x49: {  	_ =	shalt  }
0x4a: {  	_ =	shalt  }
0x4b: {  	_ =	shalt  }
0x4c: {  	_ =	shalt  }
0x4d: {  	_ =	shalt  }
0x4e: {  	_ =	shalt  }
0x4f: {  	_ =	shalt  }
0x50: {  	_ =	shalt  }
0x51: {  	_ =	shalt  }
0x52: {  	_ =	shalt  }
0x53: {  	_ =	shalt  }
0x54: {  	_ =	shalt  }
0x55: {  	_ =	shalt  }
0x56: {  	_ =	shalt  }
0x57: {  	_ =	shalt  }
0x58: {  	_ =	shalt  }
0x59: {  	_ =	shalt  }
0x5a: {  	_ =	shalt  }
0x5b: {  	_ =	shalt  }
0x5c: {  	_ =	shalt  }
0x5d: {  	_ =	shalt  }
0x5e: {  	_ =	shalt  }
0x5f: {  	_ =	shalt  }
0x60: {  	_ =	shalt  }
0x61: {  	_ =	shalt  }
0x62: {  	_ =	shalt  }
0x63: {  	_ =	shalt  }
0x64: {  	_ =	shalt  }
0x65: {  	_ =	shalt  }
0x66: {  	_ =	shalt  }
0x67: {  	_ =	shalt  }
0x68: {  	_ =	shalt  }
0x69: {  	_ =	shalt  }
0x6a: {  	_ =	shalt  }
0x6b: {  	_ =	shalt  }
0x6c: {  	_ =	shalt  }
0x6d: {  	_ =	shalt  }
0x6e: {  	_ =	shalt  }
0x6f: {  	_ =	shalt  }
0x70: {  	_ =	shalt  }
0x71: {  	_ =	shalt  }
0x72: {  	_ =	shalt  }
0x73: {  	_ =	shalt  }
0x74: {  	_ =	shalt  }
0x75: {  	_ =	shalt  }
0x76: {  	_ =	shalt  }
0x77: {  	_ =	shalt  }
0x78: {  	_ =	shalt  }
0x79: {  	_ =	shalt  }
0x7a: {  	_ =	shalt  }
0x7b: {  	_ =	shalt  }
0x7c: {  	_ =	shalt  }
0x7d: {  	_ =	shalt  }
0x7e: {  	_ =	shalt  }
0x7f: {  	_ =	shalt  }
0x80: {  	_ =	shalt  }
0x81: {  	_ =	shalt  }
0x82: {  	_ =	shalt  }
0x83: {  	_ =	shalt  }
0x84: {  	_ =	shalt  }
0x85: {  	_ =	shalt  }
0x86: {  	_ =	shalt  }
0x87: {  	_ =	shalt  }
.Lfunc_end0:
.L_simem_size_0:
called_computation.1_lowered:
.L_overlay_start_0:
0x88: {  	s2 =	sld [smem:$0x3FD9]  }
0x89: {  	s3 =	sld [smem:$0x3FFE];
	_ =	sdelay $0x1  }
0x8a: {  	s1 =	srdreg.scid  }
0x8b: {  	s0 =	sand.u32 $0x1, s1  }
0x8c: {  	s17 =	sshll.u32 s0, $0xA;
	s2 =	sadd.s32 s3, s2  }
0x8d: {  	s2 =	sadd.s32 s2, s17  }
0x8e: {  	[smem:$0x3FBC] =	sst s2  }
0x8f: {  	_ = 	snop  }
0x90: {  	s2 =	sld [smem:$0x3FD0];
	(tm) =	ssettm $0x1  }
0x91: {  	s18 =	sld [smem:$0x3FFB];
	_ =	sdelay $0x3  }
0x92: {  	_ =	strace s18  }
0x93: {  	s3 =	sld [smem:$0x3FFC];
	_ =	sdelay $0x3  }
0x94: {  	_ =	strace s3  }
0x95: {  	s3 =	sld [smem:$0x3FFD];
	_ =	sdelay $0x3  }
0x96: {  	_ =	strace s3  }
0x97: {  	_ =	strace $0x8FFFFFFF  }
0x98: {  	s19 =	sld [smem:$0x3FDB];
	_ =	sdelay $0x1  }
0x99: {  	s4 =	simm.s32 $_scs_section_size  }
0x9a: {  	s5 =	simm.s32 $_size__tile_overlayer_lowered;
	s6 =	simm.s32 $_tile_overlayer_lowered  }
0x9b: {  	s22 =	simm.s32 $0x1BFF;
	s21 =	sshll.u32 s6, $0x1;
	s3 =	sadd.s32 s4, s19  }
0x9c: {  	s7 =	simm.s32 $0x0;
	s20 =	sshll.u32 s5, $0x1;
	s5 =	sadd.s32 s21, s3  }
0x9d: {  	[timem:s7], [sflag:s22] =	dma.local [hbm:s5], s20  }
0x9e: {  	_ =	swait.ge [sflag:s22], s20  }
0x9f: {  	s4 =	ssub.s32 $0x0, s20;
	[sflag:s22] =	ssyncset.done $0x0  }
0xa0: {  	[sflag:s22] =	ssyncadd.s32 s4;
	_ =	sdelay $0x1  }
0xa1: {  	s23 =	simm.s32 $0x1B8B  }
0xa2: {  	_ =	swait.ge [sflag:s23], $0x1  }
0xa3: {  	[sflag:s23] =	ssyncset.done $0x0  }
0xa4: {  	s25 =	simm.s32 $0x1B8E;
	s24 =	sld [smem:$0x3FFE];
	[sflag:s23] =	ssyncadd.s32 $0xFFFFFFFF  }
0xa5: {  	s26 =	simm.s32 $execute0_lowered;
	[smem:$0x3FD2] =	sst s25  }
0xa6: {  	s5 =	sshll.u32 s26, $0x1;
	_ =	strace $0x80000049;
	[dreg:$0x1] =	wrdreg $0xFFFFFFFF  }
0xa7: {  	s28 =	simm.s32 $_size_execute0_lowered;
	s3 =	sadd.s32 s3, s5;
	[dreg:$0x0] =	wrdreg $0x0  }
0xa8: {  	s5 =	sshll.u32 s28, $0x1;
	[dreg:$0x2] =	wrdreg s3  }
0xa9: {  	[dreg:$0x3] =	wrdreg s5  }
0xaa: {  	[dreg:$0x4] =	wrdreg $0xC0  }
0xab: {  	_ =	task [dreg:s7], $0x5FFFF  }
0xac: {  	[dreg:$0x1] =	wrdreg $0xFFFFFFFF  }
0xad: {  	[dreg:$0x0] =	wrdreg $0x60  }
0xae: {  	[dreg:$0x2] =	wrdreg s24  }
0xaf: {  	[dreg:$0x3] =	wrdreg s2  }
0xb0: {  	[dreg:$0x4] =	wrdreg $0x98000  }
0xb1: {  	[dreg:$0x5] =	wrdreg $0x9  }
0xb2: {  	_ =	task.clear_ibuf [dreg:s7], $0x6FFFF;
	_ =	strace $0x90000049  }
0xb3: {  	s29 =	simm.s32 $0x9;
	_ =	strace $0x8000004B  }
0xb4: {  	_ =	swait.ge [sflag:s29], $0x1  }
0xb5: {  	[sflag:s29] =	ssyncadd.s32 $0xFFFFFFFF  }
0xb6: {  	_ =	strace $0x9000004B  }
0xb7: {  	_ =	sfence  }
0xb8: {  	s30 =	sld [smem:$0x0];
	_ =	sdelay $0x2  }
0xb9: {  	s31 =	sshll.u32 s1, $0xD;
	s1 =	sshrl.u32 s1, $0x2  }
0xba: {  	s3 =	sand.u32 $0x4000, s31;
	s1 =	sadd.s32 s1, s30  }
0xbb: {  	s0 =	sor.u32 s3, s0;
	s1 =	sshll.u32 s1, $0x11  }
0xbc: {  	s0 =	sor.u32 s1, s0  }
0xbd: {  	s0 =	sadd.s32 $0x8F2B, s0  }
0xbe: {  	[sflag:s0] =	ssyncadd.remote.s32 $0x1  }
0xbf: {  	_ =	sfence.sel $0xFFFF  }
0xc0: {  	[dreg:$0x0] =	wrdreg $0xFFFFFFFF;
	(pc) =	sbr.abs _section_cstart, $3  }
0xc1: {  	[dreg:$0x1] =	wrdreg $0xFFFFFFFF  }
0xc2: {  	_ =	task.clear_ibuf [dreg:s7], $0x2FFFF;
	_ =	strace $0x9FFFFFFF  }
0xc3: {  	(tm) =	ssettm $0x7FFFFFFF  }
tec
execute0_lowered:
.L_overlay_start_1:
0x0: {  	(tag) =	ssettag $0x1  }
0x1: {  	s6 =	rddreg [dreg:$0x0]  }
0x2: {  	s1 =	rddreg [dreg:$0x1]  }
0x3: {  	s3 =	rddreg [dreg:$0x2];
	s2 =	srdreg.scid  }
0x4: {  	s0 =	rddreg [dreg:$0x3];
	s4 =	simm.s32 $0x0;
	s13 =	simm.s32 $0x6400  }
0x5: {  	s14 =	simm.s32 $0x1;
	s7 =	sand.u32 $0x1, s2;
	s2 =	stileid.u32  }
0x6: {  	s15 =	simm.s32 $0x0;
	[smem:$0x7FF] =	sst s4;
	s8 =	smul.u32 $0x140000, s7  }
0x7: {  	s5 =	sshll.u32 s7, $0x4;
	s9 =	smul.u32 $0x14000, s2;
	_ =	strace $0x8000004A  }
0x8: {  	s10 =	smul.u32 $0x50000, s2;
	s31 =	ssub.s32 $0x2, s7;
	s5 =	sor.u32 s2, s5  }
0x9: {  	s11 =	sshll.u32 s2, $0x6;
	s7 =	sshrl.u32 s31, $0x1;
	s5 =	smul.u32 $0xC80, s5  }
0xa: {  	s8 =	sadd.s32 s9, s8;
	s10 =	sshrl.u32 s10, $0x2;
	s12 =	ssub.s32 s31, s7  }
0xb: {  	s8 =	sshrl.u32 s8, $0x3;
	s10 =	sadd.s32 s10, s3;
	s9 =	smax.u32 s12, $0x1  }
0xc: {  	s12 =	simm.s32 $0x64;
	s30 =	sadd.s32 s5, s6;
	s5 =	sadd.s32 $0x2B200, s6  }
0xd: {  	s8 =	sadd.s32 s8, s6;
	s6 =	sor.u32 $0x1C02, s11;
	s10 =	sshrl.u32 s10, $0x3  }
0xe: {  	s11 =	simm.s32 $0x2;
	s7 =	sadd.s32 $0x12200, s30;
	s8 =	sadd.s32 $0x79600, s8  }
.LBB2_1:
0xf: {  	[spmem:s10], [sflag:s6] =	dma.local [hbm:s1], $0x2800  }
0x10: {  	_ =	swait.ge [sflag:s11], $0x2800  }
0x11: {  	[sflag:s11] =	ssyncset.done $0x0  }
0x12: {  	[sflag:s11] =	ssyncadd.s32 $0xFFFFD800  }
0x13: {  	[tilespmem:s4], [sflag:$0x2] =	stream.linear.gather [hbm4b:s7+s4], $0x6400, $0x38;
	[tilespmem:$0x1D800] =	vst v63  }
0x14: {  	_ =	swait.ge [sflag:s11], $0x6400  }
0x15: {  	[sflag:s11] =	ssyncset.done $0x0  }
0x16: {  	[sflag:s11] =	ssyncadd.s32 $0xFFFF9C00  }
0x17: {  	s16 =	simm.s32 $0x0;
	[bflag:$0x0] =	sbarrier.arrive $0xFFFF  }
0x18: {  	[tilespmem:s13], [sflag:$0x1] =	stream.indirect.gather [hbm4b:s5+s12], $0x80, s16, s12, $0xb8;
	[tilespmem:$0x1D800] =	vst v63  }
0x19: {  	_ =	swait.ge [sflag:s14], $0x3200  }
0x1a: {  	[sflag:s14] =	ssyncset.done $0x0  }
0x1b: {  	s31 =	simm.s32 $0x3200;
	[sflag:s14] =	ssyncadd.s32 $0xFFFFCE00  }
0x1c: {  	[spmem:s3] =	stream.indirect.scatter.add.f32 [tilespmem:s13], [sflag:$0x2], $0x80, s31, s12, $0xb8;
	[tilespmem:$0x1D800] =	vst v63  }
0x1d: {  	_ =	swait.ge [sflag:s11], $0x3200  }
0x1e: {  	s17 =	simm.s32 $0x400;
	s16 =	simm.s32 $0x200;
	[sflag:s11] =	ssyncset.done $0x0  }
.LBB2_2:
0x1f: {  	s18 =	sshra.s32 s16, $0x2  }
0x20: {  	[sflag:s11] =	ssyncadd.s32 $0xFFFFCE00;
	s16 =	smov.u32 s17;
	s19 =	sadd.s32 $0x200, s17  }
0x21: {  	[tilespmem:s13], [sflag:$0x1] =	stream.indirect.gather [hbm4b:s5+s12], $0x80, s18, s12, $0xb8;
	[tilespmem:$0x1D800] =	vst v63  }
0x22: {  	p0 =	sne.s32 s17, $0xC600;
	_ =	swait.ge [sflag:s14], $0x3200  }
.Ltmp0:
0x23: {  	[sflag:s14] =	ssyncset.done $0x0;
	(pc) =	sbr.rel @p0 .LBB2_2-.Ltmp0, $4  }
0x24: {  	s17 =	sadd.s32 $0x3200, s18;
	[sflag:s14] =	ssyncadd.s32 $0xFFFFCE00  }
0x25: {  	[spmem:s3] =	stream.indirect.scatter.add.f32 [tilespmem:s13], [sflag:$0x2], $0x80, s17, s12, $0xb8;
	[tilespmem:$0x1D800] =	vst v63  }
0x26: {  	_ =	swait.ge [sflag:s11], $0x3200  }
0x27: {  	s17 =	smov.u32 s19;
	[sflag:s11] =	ssyncset.done $0x0  }
0x28: {  	s16 =	sshra.s32 s16, $0x2;
	[sflag:s11] =	ssyncadd.s32 $0xFFFFCE00  }
0x29: {  	[tilespmem:s13], [sflag:$0x1] =	stream.indirect.gather [hbm4b:s5+s12], $0x80, s16, s12, $0xb8;
	[tilespmem:$0x1D800] =	vst v63  }
0x2a: {  	_ =	swait.ge [sflag:s14], $0x3200  }
0x2b: {  	[sflag:s14] =	ssyncset.done $0x0  }
0x2c: {  	s16 =	sadd.s32 $0x3200, s16;
	[sflag:s14] =	ssyncadd.s32 $0xFFFFCE00  }
0x2d: {  	[spmem:s3] =	stream.indirect.scatter.add.f32 [tilespmem:s13], [sflag:$0x2], $0x80, s16, s12, $0xb8;
	[tilespmem:$0x1D800] =	vst v63  }
0x2e: {  	_ =	swait.ge [sflag:s11], $0x3200  }
0x2f: {  	s15 =	sadd.s32 $0x1, s15;
	[sflag:s11] =	ssyncset.done $0x0  }
0x30: {  	p0 =	sne.s32 s15, s9;
	[sflag:s11] =	ssyncadd.s32 $0xFFFFCE00  }
.Ltmp1:
0x31: {  	[bflag:$0x0] =	sbarrier.arrive $0xFFFF;
	(pc) =	sbr.rel @p0 .LBB2_1-.Ltmp1, $4  }
0x32: {  	[hbm:s8], [sflag:s6] =	dma.local [spmem:s10], $0x2800  }
0x33: {  	_ =	swait.ge [sflag:s11], $0x2800  }
0x34: {  	[sflag:s11] =	ssyncset.done $0x0  }
0x35: {  	[sflag:s11] =	ssyncadd.s32 $0xFFFFD800  }
0x36: {  	_ =	sfence.sel $0x180000  }
0x37: {  	[bflag:$0x0] =	sbarrier.arrive $0xFFFF  }
0x38: {  	p0 =	sne.s32 s2, $0x0;
	_ =	strace $0x9000004A  }
0x39: {  	s0 =	sadd.s32 @!p0 $0x100000, s0;
	[bflag:$0x2] =	sbarrier.arrive $0xFFFF  }
0x3a: {  	[sflag:s0] =	ssyncadd.tile.s32 @!p0 $0x1;
	_ =	shalt  }
.Lfunc_end2:
_tile_overlayer_lowered:
.L_overlay_start_2:
0x3b: {  	(tag) =	ssettag $0x2  }
0x3c: {  	s0 =	rddreg [dreg:$0x0];
	s2 =	stileid.u32  }
0x3d: {  	s1 =	rddreg [dreg:$0x1];
	p0 =	sne.s32 s2, $0x0  }
0x3e: {  	s3 =	rddreg [dreg:$0x2];
	[bflag:$0x3] =	sbarrier.arrive $0xFFFF;
	s2 =	simm.s32 @!p0 $0x1C02  }
0x3f: {  	[timem:s3], [sflag:s2] =	dma.local @!p0 [hbm:s0], s1  }
0x40: {  	s0 =	simm.s32 @!p0 $0x2  }
0x41: {  	_ =	swait.ge @!p0 [sflag:s0], s1  }
0x42: {  	s1 =	ssub.s32 @!p0 $0x0, s1;
	[sflag:s0] =	ssyncset.done @!p0 $0x0  }
0x43: {  	[sflag:s0] =	ssyncadd.s32 @!p0 s1  }
0x44: {  	[bflag:$0x3] =	sbarrier.arrive $0xFFFF  }
0x45: {  	_ =	shalt  }

// kernel: kernel.15.cloned.1.call-start
scs
__scs_entry_jumppad:
0x0: {  	(pc) =	sbr.rel $0x88, $3  }
0x1: {  	(tag) =	ssettag $0x0;
	lr =	simm.s32 $0x1  }
0x2: {  	[smem:$0x3F95] =	sst lr;
	_ =	strace $0xD0000000  }
0x3: {  	_ = 	snop  }
0x4: {  	_ = 	snop  }
0x5: {  	_ = 	snop  }
0x6: {  	_ = 	snop  }
0x7: {  	_ = 	snop  }
__scs_overlays_trampoline_lowered:
0x8: {  	[smem:$0x3FA4] =	sst s0  }
0x9: {  	[smem:$0x3FA5] =	sst s1  }
0xa: {  	[smem:$0x3FA6] =	sst s2  }
0xb: {  	[smem:$0x3FA7] =	sst s3  }
0xc: {  	[smem:$0x3FA8] =	sst s4  }
0xd: {  	[smem:$0x3FA9] =	sst s5  }
0xe: {  	[smem:$0x3FAA] =	sst s6  }
0xf: {  	[smem:$0x3FAB] =	sst s7  }
0x10: {  	[smem:$0x3FAC] =	sst s8  }
0x11: {  	[smem:$0x3FAD] =	sst s9;
	s0 =	simm.s32 @!p0 $0x0  }
0x12: {  	s1 =	sld [smem:$0x3F93];
	s0 =	simm.s32 @p0 $0x1  }
0x13: {  	[smem:$0x3FAE] =	sst s0;
	s0 =	simm.s32 @!p1 $0x0  }
0x14: {  	s2 =	sld [smem:$0x3F92];
	s0 =	simm.s32 @p1 $0x1  }
0x15: {  	[smem:$0x3FAF] =	sst s0;
	s0 =	simm.s32 @!p2 $0x0  }
0x16: {  	s3 =	sld [smem:$0x3FDB];
	s0 =	simm.s32 @p2 $0x1  }
0x17: {  	s4 =	simm.s32 $0x1BF5;
	[smem:$0x3FB1] =	sst s0  }
0x18: {  	s0 =	sld [smem:$0x3F94];
	_ =	swait.ge [sflag:s4], $0x0  }
0x19: {  	s7 =	sld [smem:$0x3F95]  }
0x1a: {  	s8 =	sadd.s32 $0xFFFFE003, lr  }
0x1b: {  	s9 =	sadd.s32 $0xFFFFFEF7, lr;
	s5 =	simm.s32 $0xFFFFFFFF;
	p2 =	slt.u32 s8, $0xFFFFF086  }
0x1c: {  	p1 =	slt.u32 s9, $0xF7A;
	s5 =	simm.s32 @!p2 $0x0  }
0x1d: {  	s5 =	simm.s32 @p1 $0x1;
	p0 =	seq.s32 s7, s2  }
0x1e: {  	s7 =	smul.u32 @!p0 $0xF7A, s2;
	p2 =	seq.s32 @!p0 s5, $0x0  }
0x1f: {  	s9 =	smul.u32 $0xF7A, s1;
	s8 =	simm.s32 @!p0 $0x1BF5;
	p2 =	por !p2, p0  }
0x20: {  	[sflag:s8] =	ssyncset.s32 @!p0 $0xFFFFF086;
	s6 =	sadd.s32 @!p0 s3, s7;
	s7 =	simm.s32 @!p0 $0x108  }
0x21: {  	s3 =	sadd.s32 s3, s9;
	s6 =	sadd.s32 @!p0 $0x88, s6;
	s7 =	simm.s32 @p2 $0x1082  }
0x22: {  	[simem:s7], [sflag:s8] =	dma.local @!p0 [hbm:s6], $0xF7A  }
0x23: {  	s9 =	sor.u32 $0xD0000000, s2;
	s6 =	simm.s32 $0x108;
	_ =	swait.ge @!p0 [sflag:s8], $0x0  }
0x24: {  	s3 =	sadd.s32 $0x88, s3;
	s6 =	simm.s32 @!p1 $0x1082;
	[sflag:s4] =	ssyncset.s32 $0xFFFFF086  }
0x25: {  	[simem:s6], [sflag:s4] =	dma.local [hbm:s3], $0xF7A  }
0x26: {  	[smem:$0x3F95] =	sst s1;
	(tag) =	ssettag s2;
	_ =	strace s9  }
0x27: {  	s1 =	sld [smem:$0x3FA5]  }
0x28: {  	s2 =	sld [smem:$0x3FA6]  }
0x29: {  	s4 =	sld [smem:$0x3FA8]  }
0x2a: {  	p0 =	seq.s32 s5, $0x0;
	s5 =	sld [smem:$0x3FA9]  }
0x2b: {  	s6 =	sld [smem:$0x3FAA]  }
0x2c: {  	s7 =	sld [smem:$0x3FAB]  }
0x2d: {  	s3 =	simm.s32 $0x108;
	s8 =	sld [smem:$0x3FAC]  }
0x2e: {  	s3 =	simm.s32 @!p0 $0x1082;
	s9 =	sld [smem:$0x3FAD]  }
0x2f: {  	lr =	sadd.s32 s0, s3;
	s0 =	sld [smem:$0x3FA4]  }
0x30: {  	s3 =	sld [smem:$0x3FA7]  }
0x31: {  	[smem:$0x3FB0] =	sst s10  }
0x32: {  	s10 =	sld [smem:$0x3FAE];
	_ =	sdelay $0x3  }
0x33: {  	p0 =	seq.s32 s10, $0x1;
	s10 =	sld [smem:$0x3FB0];
	_ =	sdelay $0x3  }
0x34: {  	[smem:$0x3FB0] =	sst s10  }
0x35: {  	s10 =	sld [smem:$0x3FAF];
	_ =	sdelay $0x3  }
0x36: {  	p1 =	seq.s32 s10, $0x1;
	s10 =	sld [smem:$0x3FB0];
	_ =	sdelay $0x3  }
0x37: {  	[smem:$0x3FB0] =	sst s10  }
0x38: {  	s10 =	sld [smem:$0x3FB1]  }
0x39: {  	_ = 	snop;
	(pc) =	sbr.ind lr, $3  }
0x3a: {  	_ = 	snop  }
0x3b: {  	_ = 	snop  }
0x3c: {  	p2 =	seq.s32 s10, $0x1;
	s10 =	sld [smem:$0x3FB0]  }
0x3d: {  	_ =	shalt  }
0x3e: {  	_ =	shalt  }
0x3f: {  	_ =	shalt  }
0x40: {  	_ =	shalt  }
0x41: {  	_ =	shalt  }
0x42: {  	_ =	shalt  }
0x43: {  	_ =	shalt  }
0x44: {  	_ =	shalt  }
0x45: {  	_ =	shalt  }
0x46: {  	_ =	shalt  }
0x47: {  	_ =	shalt  }
0x48: {  	_ =	shalt  }
0x49: {  	_ =	shalt  }
0x4a: {  	_ =	shalt  }
0x4b: {  	_ =	shalt  }
0x4c: {  	_ =	shalt  }
0x4d: {  	_ =	shalt  }
0x4e: {  	_ =	shalt  }
0x4f: {  	_ =	shalt  }
0x50: {  	_ =	shalt  }
0x51: {  	_ =	shalt  }
0x52: {  	_ =	shalt  }
0x53: {  	_ =	shalt  }
0x54: {  	_ =	shalt  }
0x55: {  	_ =	shalt  }
0x56: {  	_ =	shalt  }
0x57: {  	_ =	shalt  }
0x58: {  	_ =	shalt  }
0x59: {  	_ =	shalt  }
0x5a: {  	_ =	shalt  }
0x5b: {  	_ =	shalt  }
0x5c: {  	_ =	shalt  }
0x5d: {  	_ =	shalt  }
0x5e: {  	_ =	shalt  }
0x5f: {  	_ =	shalt  }
0x60: {  	_ =	shalt  }
0x61: {  	_ =	shalt  }
0x62: {  	_ =	shalt  }
0x63: {  	_ =	shalt  }
0x64: {  	_ =	shalt  }
0x65: {  	_ =	shalt  }
0x66: {  	_ =	shalt  }
0x67: {  	_ =	shalt  }
0x68: {  	_ =	shalt  }
0x69: {  	_ =	shalt  }
0x6a: {  	_ =	shalt  }
0x6b: {  	_ =	shalt  }
0x6c: {  	_ =	shalt  }
0x6d: {  	_ =	shalt  }
0x6e: {  	_ =	shalt  }
0x6f: {  	_ =	shalt  }
0x70: {  	_ =	shalt  }
0x71: {  	_ =	shalt  }
0x72: {  	_ =	shalt  }
0x73: {  	_ =	shalt  }
0x74: {  	_ =	shalt  }
0x75: {  	_ =	shalt  }
0x76: {  	_ =	shalt  }
0x77: {  	_ =	shalt  }
0x78: {  	_ =	shalt  }
0x79: {  	_ =	shalt  }
0x7a: {  	_ =	shalt  }
0x7b: {  	_ =	shalt  }
0x7c: {  	_ =	shalt  }
0x7d: {  	_ =	shalt  }
0x7e: {  	_ =	shalt  }
0x7f: {  	_ =	shalt  }
0x80: {  	_ =	shalt  }
0x81: {  	_ =	shalt  }
0x82: {  	_ =	shalt  }
0x83: {  	_ =	shalt  }
0x84: {  	_ =	shalt  }
0x85: {  	_ =	shalt  }
0x86: {  	_ =	shalt  }
0x87: {  	_ =	shalt  }
.Lfunc_end0:
.L_simem_size_0:
called_computation.2_lowered:
.L_overlay_start_0:
0x88: {  	s2 =	sld [smem:$0x3FD9]  }
0x89: {  	s3 =	sld [smem:$0x3FFE];
	_ =	sdelay $0x1  }
0x8a: {  	s1 =	srdreg.scid  }
0x8b: {  	s0 =	sand.u32 $0x1, s1  }
0x8c: {  	s17 =	sshll.u32 s0, $0xA;
	s2 =	sadd.s32 s3, s2  }
0x8d: {  	s2 =	sadd.s32 s2, s17  }
0x8e: {  	[smem:$0x3FBC] =	sst s2  }
0x8f: {  	_ = 	snop  }
0x90: {  	s2 =	sld [smem:$0x3FBF];
	(tm) =	ssettm $0x1  }
0x91: {  	s18 =	sld [smem:$0x3FFB];
	_ =	sdelay $0x3  }
0x92: {  	_ =	strace s18  }
0x93: {  	s3 =	sld [smem:$0x3FFC];
	_ =	sdelay $0x3  }
0x94: {  	_ =	strace s3  }
0x95: {  	s3 =	sld [smem:$0x3FFD];
	_ =	sdelay $0x3  }
0x96: {  	_ =	strace s3  }
0x97: {  	_ =	strace $0x8FFFFFFF  }
0x98: {  	s19 =	sld [smem:$0x3FDB];
	_ =	sdelay $0x1  }
0x99: {  	s4 =	simm.s32 $_scs_section_size  }
0x9a: {  	s5 =	simm.s32 $_size__tile_overlayer_lowered;
	s6 =	simm.s32 $_tile_overlayer_lowered  }
0x9b: {  	s22 =	simm.s32 $0x1BFF;
	s21 =	sshll.u32 s6, $0x1;
	s3 =	sadd.s32 s4, s19  }
0x9c: {  	s7 =	simm.s32 $0x0;
	s20 =	sshll.u32 s5, $0x1;
	s5 =	sadd.s32 s21, s3  }
0x9d: {  	[timem:s7], [sflag:s22] =	dma.local [hbm:s5], s20  }
0x9e: {  	_ =	swait.ge [sflag:s22], s20  }
0x9f: {  	s4 =	ssub.s32 $0x0, s20;
	[sflag:s22] =	ssyncset.done $0x0  }
0xa0: {  	[sflag:s22] =	ssyncadd.s32 s4;
	_ =	sdelay $0x1  }
0xa1: {  	s23 =	simm.s32 $0x1B8B  }
0xa2: {  	_ =	swait.ge [sflag:s23], $0x1  }
0xa3: {  	[sflag:s23] =	ssyncset.done $0x0  }
0xa4: {  	s25 =	simm.s32 $0x1B8E;
	s24 =	sld [smem:$0x3FFE];
	[sflag:s23] =	ssyncadd.s32 $0xFFFFFFFF  }
0xa5: {  	s26 =	simm.s32 $execute0_lowered;
	[smem:$0x3FD2] =	sst s25  }
0xa6: {  	s5 =	sshll.u32 s26, $0x1;
	_ =	strace $0x8000004C;
	[dreg:$0x1] =	wrdreg $0xFFFFFFFF  }
0xa7: {  	s28 =	simm.s32 $_size_execute0_lowered;
	s3 =	sadd.s32 s3, s5;
	[dreg:$0x0] =	wrdreg $0x0  }
0xa8: {  	s5 =	sshll.u32 s28, $0x1;
	[dreg:$0x2] =	wrdreg s3  }
0xa9: {  	[dreg:$0x3] =	wrdreg s5  }
0xaa: {  	[dreg:$0x4] =	wrdreg $0xC0  }
0xab: {  	_ =	task [dreg:s7], $0x5FFFF  }
0xac: {  	[dreg:$0x1] =	wrdreg $0xFFFFFFFF  }
0xad: {  	[dreg:$0x0] =	wrdreg $0x60  }
0xae: {  	[dreg:$0x2] =	wrdreg s24  }
0xaf: {  	[dreg:$0x3] =	wrdreg s2  }
0xb0: {  	[dreg:$0x4] =	wrdreg $0x9  }
0xb1: {  	_ =	task.clear_ibuf [dreg:s7], $0x5FFFF;
	_ =	strace $0x9000004C  }
0xb2: {  	s29 =	simm.s32 $0x9;
	_ =	strace $0x8000004E  }
0xb3: {  	_ =	swait.ge [sflag:s29], $0x1  }
0xb4: {  	[sflag:s29] =	ssyncadd.s32 $0xFFFFFFFF  }
0xb5: {  	_ =	strace $0x9000004E  }
0xb6: {  	_ =	sfence  }
0xb7: {  	s30 =	sld [smem:$0x0];
	_ =	sdelay $0x2  }
0xb8: {  	s31 =	sshll.u32 s1, $0xD;
	s1 =	sshrl.u32 s1, $0x2  }
0xb9: {  	s3 =	sand.u32 $0x4000, s31;
	s1 =	sadd.s32 s1, s30  }
0xba: {  	s0 =	sor.u32 s3, s0;
	s1 =	sshll.u32 s1, $0x11  }
0xbb: {  	s0 =	sor.u32 s1, s0  }
0xbc: {  	s0 =	sadd.s32 $0x8F2B, s0  }
0xbd: {  	[sflag:s0] =	ssyncadd.remote.s32 $0x1  }
0xbe: {  	_ =	sfence.sel $0xFFFF  }
0xbf: {  	[dreg:$0x0] =	wrdreg $0xFFFFFFFF;
	(pc) =	sbr.abs _section_cstart, $3  }
0xc0: {  	[dreg:$0x1] =	wrdreg $0xFFFFFFFF  }
0xc1: {  	_ =	task.clear_ibuf [dreg:s7], $0x2FFFF;
	_ =	strace $0x9FFFFFFF  }
0xc2: {  	(tm) =	ssettm $0x7FFFFFFF  }
0xc3: {  	_ =	shalt  }
tec
execute0_lowered:
.L_overlay_start_1:
0x0: {  	(tag) =	ssettag $0x1  }
0x1: {  	s0 =	srdreg.scid;
	s1 =	rddreg [dreg:$0x0]  }
0x2: {  	s3 =	stileid.u32;
	s15 =	simm.s32 $0x5;
	s18 =	simm.s32 $0x32  }
0x3: {  	s23 =	simm.s32 $0x13800;
	s28 =	simm.s32 $0x1;
	s29 =	simm.s32 $0x11C00  }
0x4: {  	s30 =	simm.s32 $0x2;
	s31 =	simm.s32 $0x18C00;
	s0 =	sand.u32 $0x1, s0  }
0x5: {  	s5 =	sadd.s32 $0x4E00, s1;
	s6 =	sadd.s32 $0x2C000, s1;
	s2 =	sshll.u32 s0, $0x4  }
0x6: {  	s7 =	sadd.s32 $0xABF600, s1;
	s0 =	ssub.s32 $0x2, s0;
	s2 =	sor.u32 s3, s2  }
0x7: {  	s3 =	simm.s32 $0x0;
	s24 =	sshrl.u32 s0, $0x1;
	s4 =	smul.u32 $0xC80, s2  }
0x8: {  	s8 =	sadd.s32 $0xFB600, s1;
	[smem:$0x7FF] =	sst s3;
	s0 =	ssub.s32 s0, s24  }
0x9: {  	_ =	strace $0x8000004D;
	s10 =	sadd.s32 s4, s1;
	s4 =	smul.u32 $0x15E000, s2  }
.Ltmp0:
0xa: {  	s14 =	smax.u32 s0, $0x1;
	s0 =	simm.s32 $0x4;
	(pc) =	sbr.rel .LBB2_1-.Ltmp0, $4  }
0xb: {  	s1 =	simm.s32 $0x3;
	s2 =	simm.s32 $0x0;
	s25 =	sadd.s32 $0xC9600, s10  }
0xc: {  	s26 =	sadd.s32 $0xE2600, s10;
	s9 =	sshrl.u32 s4, $0x3;
	[dreg:$0x3] =	wrdreg s25  }
0xd: {  	[dreg:$0x4] =	wrdreg s26;
	s13 =	sor.u32 $0x1C00, s4;
	s9 =	sadd.s32 s7, s9  }
0xe: {  	s25 =	simm.s32 $0x15400;
	s26 =	simm.s32 $0x17000;
	s12 =	sadd.s32 $0x380, s9  }
.LBB2_12:
0xf: {  	s2 =	sadd.s32 $0x1, s2  }
0x10: {  	_ =	swait.ge [sflag:s1], $0x1900;
	p0 =	sne.s32 s2, s14  }
.Ltmp1:
0x11: {  	[sflag:s1] =	ssyncset.done $0x0;
	(pc) =	sbr.rel @!p0 .LBB2_13-.Ltmp1, $4  }
0x12: {  	[sflag:s1] =	ssyncadd.s32 $0xFFFFE700  }
0x13: {  	_ =	swait.ge [sflag:s0], $0x1900  }
0x14: {  	[sflag:s0] =	ssyncset.done $0x0  }
0x15: {  	[sflag:s0] =	ssyncadd.s32 $0xFFFFE700  }
.LBB2_1:
0x16: {  	s10 =	rddreg [dreg:$0x3]  }
0x17: {  	[tilespmem:s3], [sflag:$0x5] =	stream.linear.gather [hbm4b:s10+s3], $0x6400, $0x38;
	[tilespmem:$0x1A880] =	vst v63  }
0x18: {  	_ =	swait.ge [sflag:s15], $0x6400  }
0x19: {  	[sflag:s15] =	ssyncset.done $0x0  }
0x1a: {  	s11 =	simm.s32 $0x6400;
	s16 =	rddreg [dreg:$0x4];
	[sflag:s15] =	ssyncadd.s32 $0xFFFF9C00  }
0x1b: {  	[tilespmem:s11], [sflag:$0x5] =	stream.linear.gather [hbm4b:s16+s3], $0x6400, $0x38;
	[tilespmem:$0x1A880] =	vst v63  }
0x1c: {  	_ =	swait.ge [sflag:s15], $0x6400  }
0x1d: {  	[sflag:s15] =	ssyncset.done $0x0  }
0x1e: {  	[sflag:s15] =	ssyncadd.s32 $0xFFFF9C00  }
0x1f: {  	s16 =	simm.s32 $0x1A800;
	s17 =	rddreg [dreg:$0x1]  }
0x20: {  	[tilespmem:s16], [sflag:$0x5] =	stream.linear.gather [hbm4b:s17+s3], $0x80, $0x38;
	[tilespmem:$0x1A880] =	vst v63  }
0x21: {  	_ =	swait.ge [sflag:s15], $0x80  }
0x22: {  	[sflag:s15] =	ssyncset.done $0x0  }
0x23: {  	[sflag:s15] =	ssyncadd.s32 $0xFFFFFF80  }
0x24: {  	v0 =	vld [tilespmem:$0x1A800]  }
0x25: {  	v1 =	vld [tilespmem:$0x1A810]  }
0x26: {  	v2 =	vld [tilespmem:$0x1A820]  }
0x27: {  	v3 =	vld [tilespmem:$0x1A830]  }
0x28: {  	v4 =	vld [tilespmem:$0x1A840]  }
0x29: {  	v5 =	vld [tilespmem:$0x1A850]  }
0x2a: {  	s19 =	simm.s32 $0xC800;
	v6 =	vld [tilespmem:$0x1A860]  }
0x2b: {  	v7 =	vld [tilespmem:$0x1A870];
	[tilespmem:s19], [sflag:$0x1] =	stream.indirect.gather [hbm4b:s5+s18], $0x80, s3, s18, $0xb8  }
0x2c: {  	s20 =	simm.s32 $0xE400  }
0x2d: {  	[tilespmem:s20], [sflag:$0x1] =	stream.indirect.gather [hbm4b:s6+s18], $0x80, s11, s18, $0xb8;
	[tilespmem:$0x1A880] =	vst v63  }
0x2e: {  	s21 =	simm.s32 $0x10000  }
0x2f: {  	[tilespmem:s21], [sflag:$0x1] =	stream.linear.gather [hbm4b:s9+s3], $0x1900, $0x38;
	[tilespmem:$0x1A880] =	vst v63  }
0x30: {  	s22 =	simm.s32 $0x80  }
0x31: {  	[tilespmem:s23], [sflag:$0x2] =	stream.indirect.gather [hbm4b:s5+s18], $0x80, s22, s18, $0xb8;
	[tilespmem:$0x1A880] =	vst v63  }
0x32: {  	s24 =	simm.s32 $0x6480  }
0x33: {  	[tilespmem:s25], [sflag:$0x2] =	stream.indirect.gather [hbm4b:s6+s18], $0x80, s24, s18, $0xb8;
	[tilespmem:$0x1A880] =	vst v63  }
0x34: {  	s17 =	simm.s32 $0x0  }
0x35: {  	[tilespmem:s26], [sflag:$0x2] =	stream.linear.gather [hbm4b:s12+s3], $0x1900, $0x38;
	[tilespmem:$0x1A880] =	vst v63  }
.LBB2_2:
0x36: {  	_ =	swait.ge [sflag:s28], $0x1900  }
0x37: {  	[sflag:s28] =	ssyncset.done $0x0  }
0x38: {  	[sflag:s28] =	ssyncadd.s32 $0xFFFFE700  }
0x39: {  	_ =	swait.ge [sflag:s28], $0x1900  }
0x3a: {  	[sflag:s28] =	ssyncset.done $0x0  }
0x3b: {  	[sflag:s28] =	ssyncadd.s32 $0xFFFFE700  }
0x3c: {  	_ =	swait.ge [sflag:s28], $0x1900  }
0x3d: {  	p0 =	seq.s32 s17, $0x0;
	[sflag:s28] =	ssyncset.done $0x0  }
0x3e: {  	s10 =	simm.s32 @!p0 $0x3;
	[sflag:s28] =	ssyncadd.s32 $0xFFFFE700  }
0x3f: {  	_ =	swait.ge @!p0 [sflag:s10], $0x1900  }
0x40: {  	[sflag:s10] =	ssyncset.done @!p0 $0x0  }
0x41: {  	s16 =	simm.s32 $0x10100;
	[sflag:s10] =	ssyncadd.s32 @!p0 $0xFFFFE700  }
0x42: {  	v8 =	vld [tilespmem:s16+$0xE0]  }
0x43: {  	v9 =	vld [tilespmem:s16+$0xD0]  }
0x44: {  	v10 =	vld [tilespmem:s16+$0xC0]  }
0x45: {  	v11 =	vld [tilespmem:s16+$0xB0]  }
0x46: {  	v12 =	vld [tilespmem:s16+$0xA0]  }
0x47: {  	v13 =	vld [tilespmem:s16+$0x90]  }
0x48: {  	s20 =	simm.s32 $0xC900;
	v14 =	vld [tilespmem:s16+$0x80]  }
0x49: {  	s21 =	simm.s32 $0xE500;
	v15 =	vld [tilespmem:s20+$0x80]  }
0x4a: {  	v16 =	vld [tilespmem:s21+$0x80]  }
0x4b: {  	v17 =	vld [tilespmem:s20+$0x90]  }
0x4c: {  	v18 =	vld [tilespmem:s21+$0x90]  }
0x4d: {  	v19 =	vld [tilespmem:s20+$0xA0]  }
0x4e: {  	v20 =	vld [tilespmem:s21+$0xA0]  }
0x4f: {  	v21 =	vld [tilespmem:s20+$0xB0]  }
0x50: {  	v22 =	vld [tilespmem:s21+$0xB0]  }
0x51: {  	v23 =	vld [tilespmem:s20+$0xC0]  }
0x52: {  	v24 =	vld [tilespmem:s21+$0xC0]  }
0x53: {  	v25 =	vld [tilespmem:s20+$0xD0]  }
0x54: {  	v26 =	vld [tilespmem:s21+$0xD0]  }
0x55: {  	v27 =	vld [tilespmem:s20+$0xE0]  }
0x56: {  	v28 =	vld [tilespmem:s21+$0xE0]  }
0x57: {  	v29 =	vld [tilespmem:s20+$0xF0]  }
0x58: {  	v30 =	vld [tilespmem:s21+$0xF0]  }
0x59: {  	v31 =	vld [tilespmem:s21+$0xFFFFFF00]  }
0x5a: {  	v32 =	vld [tilespmem:s16+$0xF0]  }
0x5b: {  	v33 =	vld [tilespmem:s20+$0xFFFFFF80]  }
0x5c: {  	v34 =	vld [tilespmem:s21+$0xFFFFFF80]  }
0x5d: {  	v35 =	vld [tilespmem:s20+$0x0]  }
0x5e: {  	v36 =	vld [tilespmem:s21+$0x0]  }
0x5f: {  	v37 =	vld [tilespmem:s20+$0xFFFFFF00]  }
0x60: {  	v38 =	vld [tilespmem:s16+$0xFFFFFF00]  }
0x61: {  	v39 =	vld [tilespmem:s20+$0xFFFFFF10]  }
0x62: {  	v40 =	vld [tilespmem:s21+$0xFFFFFF10]  }
0x63: {  	v41 =	vld [tilespmem:s16+$0xFFFFFF80]  }
0x64: {  	v42 =	vld [tilespmem:s20+$0xFFFFFF90]  }
0x65: {  	v43 =	vld [tilespmem:s21+$0xFFFFFF90]  }
0x66: {  	v44 =	vld [tilespmem:s16+$0x0]  }
0x67: {  	v45 =	vld [tilespmem:s20+$0x10]  }
0x68: {  	v46 =	vld [tilespmem:s21+$0x10]  }
0x69: {  	v47 =	vld [tilespmem:s16+$0xFFFFFF10]  }
0x6a: {  	v48 =	vld [tilespmem:s21+$0xFFFFFF20]  }
0x6b: {  	v49 =	vld [tilespmem:s21+$0x20]  }
0x6c: {  	v50 =	vld [tilespmem:s16+$0xFFFFFF20]  }
0x6d: {  	v51 =	vld [tilespmem:s21+$0xFFFFFF30]  }
0x6e: {  	v52 =	vld [tilespmem:s20+$0xFFFFFFB0]  }
0x6f: {  	v55 =	vld [tilespmem:s21+$0x30]  }
0x70: {  	v57 =	vld [tilespmem:s20+$0xFFFFFF40];
	v15 =	vadd.f32 v16, v15;
	v53 =	vadd.f32 v30, v29  }
0x71: {  	v59 =	vld [tilespmem:s21+$0xFFFFFF40];
	v54 =	vadd.f32 v31, v37;
	v56 =	vadd.f32 v34, v33  }
0x72: {  	v61 =	vld [tilespmem:s16+$0xFFFFFFB0];
	v58 =	vadd.f32 v36, v35;
	v60 =	vadd.f32 v40, v39  }
0x73: {  	v63 =	vld [tilespmem:s20+$0xFFFFFFC0];
	v14 =	vadd.f32 v14, v15;
	v15 =	vadd.f32 v18, v17  }
0x74: {  	v16 =	vld [tilespmem:s20+$0xFFFFFF20];
	v62 =	vadd.f32 v43, v42;
	v29 =	vadd.f32 v41, v56  }
0x75: {  	v43 =	vld [tilespmem:s16+$0x30];
	v14 =	vmax.f32 v14, $0.0e+00;
	v13 =	vadd.f32 v13, v15;
	v15 =	vadd.f32 v20, v19  }
0x76: {  	v45 =	vadd.f32 v46, v45;
	v46 =	vld [tilespmem:s21+$0x40];
	v29 =	vmax.f32 v29, $0.0e+00;
	v14 =	vmul.f32 v14, v0  }
0x77: {  	v17 =	vld [tilespmem:s16+$0xFFFFFF90];
	v13 =	vmax.f32 v13, $0.0e+00;
	v12 =	vadd.f32 v12, v15;
	v15 =	vadd.f32 v22, v21  }
0x78: {  	v18 =	vld [tilespmem:s20+$0xFFFFFFA0];
	v29 =	vmul.f32 v29, v0;
	v14 =	vadd.f32 $0.0e+00, v14;
	v13 =	vmul.f32 v13, v1  }
0x79: {  	v56 =	vld [tilespmem:s21+$0xFFFFFFE0];
	v11 =	vadd.f32 v11, v15;
	v12 =	vmax.f32 v12, $0.0e+00;
	v15 =	vadd.f32 v24, v23  }
0x7a: {  	v19 =	vld [tilespmem:s21+$0xFFFFFFA0];
	v16 =	vadd.f32 v48, v16;
	v13 =	vadd.f32 v13, v14;
	v12 =	vmul.f32 v12, v2  }
0x7b: {  	v20 =	vld [tilespmem:s16+$0x10];
	v10 =	vadd.f32 v10, v15;
	v11 =	vmax.f32 v11, $0.0e+00;
	v15 =	vadd.f32 v26, v25  }
0x7c: {  	v48 =	vld [tilespmem:s21+$0xFFFFFF50];
	v17 =	vadd.f32 v17, v62;
	v12 =	vadd.f32 v12, v13;
	v11 =	vmul.f32 v11, v3  }
0x7d: {  	v21 =	vld [tilespmem:s20+$0x20];
	v9 =	vadd.f32 v9, v15;
	v10 =	vmax.f32 v10, $0.0e+00;
	v15 =	vadd.f32 v28, v27  }
0x7e: {  	v29 =	vadd.f32 $0.0e+00, v29;
	v62 =	vld [tilespmem:s16+$0x60];
	v11 =	vadd.f32 v11, v12;
	v10 =	vmul.f32 v10, v4  }
0x7f: {  	v16 =	vadd.f32 v50, v16;
	v14 =	vld [tilespmem:s20+$0xFFFFFF30];
	v9 =	vmax.f32 v9, $0.0e+00;
	v8 =	vadd.f32 v8, v15  }
0x80: {  	v18 =	vadd.f32 v19, v18;
	v19 =	vld [tilespmem:s20+$0xFFFFFF50];
	v10 =	vadd.f32 v10, v11;
	v9 =	vmul.f32 v9, v5  }
0x81: {  	v17 =	vmax.f32 v17, $0.0e+00;
	v26 =	vadd.f32 v32, v53;
	v53 =	vld [tilespmem:s16+$0xFFFFFF50];
	v8 =	vmax.f32 v8, $0.0e+00  }
0x82: {  	v20 =	vadd.f32 v20, v45;
	v13 =	vld [tilespmem:s16+$0xFFFFFFA0];
	v9 =	vadd.f32 v9, v10;
	v8 =	vmul.f32 v8, v6  }
0x83: {  	v16 =	vmax.f32 v16, $0.0e+00;
	v17 =	vmul.f32 v17, v1;
	v21 =	vadd.f32 v49, v21;
	v49 =	vld [tilespmem:s16+$0xFFFFFFC0]  }
0x84: {  	v27 =	vadd.f32 v38, v54;
	v12 =	vld [tilespmem:s21+$0xFFFFFFB0];
	v8 =	vadd.f32 v8, v9;
	v9 =	vmax.f32 v26, $0.0e+00  }
0x85: {  	v16 =	vmul.f32 v16, v2;
	v20 =	vmax.f32 v20, $0.0e+00;
	v15 =	vld [tilespmem:s16+$0x20];
	v9 =	vmul.f32 v9, v7  }
0x86: {  	v17 =	vadd.f32 v17, v29;
	v54 =	vadd.f32 v59, v57;
	v27 =	vmax.f32 v27, $0.0e+00;
	v10 =	vld [tilespmem:s16+$0xFFFFFF30]  }
0x87: {  	v59 =	vld [tilespmem:s20+$0x60];
	v27 =	vmul.f32 v27, v0;
	v42 =	vadd.f32 v9, v8;
	v8 =	vadd.f32 v47, v60  }
0x88: {  	v20 =	vmul.f32 v20, v1;
	v14 =	vadd.f32 v51, v14;
	v51 =	vld [tilespmem:s20+$0xFFFFFFD0];
	v19 =	vadd.f32 v48, v19  }
0x89: {  	v11 =	vld [tilespmem:s20+$0x30];
	v13 =	vadd.f32 v13, v18;
	v27 =	vadd.f32 $0.0e+00, v27;
	v8 =	vmax.f32 v8, $0.0e+00  }
0x8a: {  	v18 =	vld [tilespmem:s21+$0xFFFFFFD0];
	v12 =	vadd.f32 v12, v52;
	v26 =	vadd.f32 v44, v58;
	v8 =	vmul.f32 v8, v1  }
0x8b: {  	v52 =	vld [tilespmem:s16+$0x40];
	v13 =	vmax.f32 v13, $0.0e+00;
	v15 =	vadd.f32 v15, v21;
	v10 =	vadd.f32 v10, v14  }
0x8c: {  	v13 =	vmul.f32 v13, v2;
	v26 =	vmax.f32 v26, $0.0e+00;
	v9 =	vld [tilespmem:s21+$0xFFFFFFC0];
	v8 =	vadd.f32 v8, v27  }
0x8d: {  	v12 =	vadd.f32 v61, v12;
	v47 =	vld [tilespmem:s16+$0xFFFFFF40];
	v26 =	vmul.f32 v26, v0;
	v10 =	vmax.f32 v10, $0.0e+00  }
0x8e: {  	v44 =	vld [tilespmem:s20+$0x40];
	v11 =	vadd.f32 v55, v11;
	v10 =	vmul.f32 v10, v3;
	v8 =	vadd.f32 v16, v8  }
0x8f: {  	v58 =	vld [tilespmem:s16+$0x50];
	v13 =	vadd.f32 v13, v17;
	v12 =	vmax.f32 v12, $0.0e+00;
	v50 =	vadd.f32 $0.0e+00, v26  }
0x90: {  	v55 =	vld [tilespmem:s21+$0xFFFFFF60];
	v11 =	vadd.f32 v43, v11;
	v8 =	vadd.f32 v10, v8;
	v10 =	vmul.f32 v12, v3  }
0x91: {  	v15 =	vmax.f32 v15, $0.0e+00;
	v17 =	vld [tilespmem:s20+$0xFFFFFF60];
	v20 =	vadd.f32 v20, v50;
	v9 =	vadd.f32 v9, v63  }
0x92: {  	v14 =	vld [tilespmem:s20+$0x50];
	v15 =	vmul.f32 v15, v2;
	v10 =	vadd.f32 v10, v13;
	v13 =	vadd.f32 v47, v54  }
0x93: {  	v57 =	vadd.f32 v46, v44;
	v11 =	vmax.f32 v11, $0.0e+00;
	v9 =	vadd.f32 v49, v9;
	v12 =	vld [tilespmem:s16+$0xFFFFFFD0]  }
0x94: {  	v11 =	vmul.f32 v11, v3;
	v15 =	vadd.f32 v15, v20;
	v16 =	vld [tilespmem:s21+$0x50];
	v13 =	vmax.f32 v13, $0.0e+00  }
0x95: {  	v61 =	vld [tilespmem:s20+$0xFFFFFF70];
	v25 =	vadd.f32 v52, v57;
	v9 =	vmax.f32 v9, $0.0e+00;
	v13 =	vmul.f32 v13, v4  }
0x96: {  	v11 =	vadd.f32 v11, v15;
	v15 =	vadd.f32 v18, v51;
	v18 =	vld [tilespmem:s16+$0xFFFFFF60];
	v9 =	vmul.f32 v9, v4  }
0x97: {  	v19 =	vadd.f32 v53, v19;
	v20 =	vld [tilespmem:s20+$0xFFFFFFE0];
	v8 =	vadd.f32 v13, v8;
	v13 =	vmax.f32 v25, $0.0e+00  }
0x98: {  	v60 =	vld [tilespmem:s21+$0x60];
	v9 =	vadd.f32 v9, v10;
	v12 =	vadd.f32 v12, v15;
	v10 =	vmul.f32 v13, v4  }
0x99: {  	v13 =	vadd.f32 v16, v14;
	v14 =	vmax.f32 v19, $0.0e+00;
	v16 =	vadd.f32 v55, v17;
	v17 =	vld [tilespmem:s16+$0xFFFFFFE0]  }
0x9a: {  	v15 =	vld [tilespmem:s21+$0xFFFFFF70];
	v12 =	vmax.f32 v12, $0.0e+00;
	v10 =	vadd.f32 v10, v11;
	v11 =	vmul.f32 v14, v5  }
0x9b: {  	v19 =	vld [tilespmem:s20+$0xFFFFFFF0];
	v12 =	vmul.f32 v12, v5;
	v13 =	vadd.f32 v58, v13;
	v14 =	vadd.f32 v18, v16  }
0x9c: {  	v20 =	vadd.f32 v56, v20;
	v16 =	vld [tilespmem:s21+$0xFFFFFFF0];
	v18 =	vadd.f32 v11, v8  }
0x9d: {  	v8 =	vadd.f32 v12, v9;
	v9 =	vmax.f32 v13, $0.0e+00;
	v12 =	vmax.f32 v14, $0.0e+00;
	v11 =	vld [tilespmem:s20+$0x70]  }
0x9e: {  	v13 =	vld [tilespmem:s21+$0x70];
	v9 =	vmul.f32 v9, v5;
	v63 =	vmul.f32 v12, v6;
	v17 =	vadd.f32 v17, v20  }
0x9f: {  	v14 =	vld [tilespmem:s16+$0xFFFFFF70];
	v20 =	vadd.f32 v60, v59;
	v12 =	vadd.f32 v15, v61  }
0xa0: {  	s22 =	simm.s32 $0x11D00;
	v15 =	vld [tilespmem:s16+$0xFFFFFFF0];
	v10 =	vadd.f32 v9, v10;
	v9 =	vadd.f32 v63, v18;
	v18 =	vmax.f32 v17, $0.0e+00  }
0xa1: {  	s19 =	sshll.u32 s17, $0x1;
	s24 =	simm.s32 $0x0;
	[tilespmem:s22+$0x80] =	vst v42;
	v17 =	vadd.f32 v16, v19;
	v19 =	vadd.f32 v62, v20;
	v16 =	vld [tilespmem:s16+$0x70];
	s16 =	simm.s32 $0x10300;
	v18 =	vmul.f32 v18, v6  }
.LBB2_3:
0xa2: {  	v20 =	vld [tilespmem:s16+$0xE0]  }
0xa3: {  	v21 =	vld [tilespmem:s16+$0xD0];
	v8 =	vadd.f32 v18, v8;
	v18 =	vmax.f32 v19, $0.0e+00;
	v11 =	vadd.f32 v13, v11  }
0xa4: {  	v13 =	vld [tilespmem:s16+$0xC0];
	v12 =	vadd.f32 v14, v12;
	v14 =	vmul.f32 v18, v6  }
0xa5: {  	v18 =	vld [tilespmem:s16+$0xB0];
	v15 =	vadd.f32 v15, v17  }
0xa6: {  	v17 =	vld [tilespmem:s16+$0xA0];
	v12 =	vmax.f32 v12, $0.0e+00;
	v10 =	vadd.f32 v14, v10;
	v11 =	vadd.f32 v16, v11  }
0xa7: {  	v14 =	vld [tilespmem:s16+$0x90];
	v12 =	vmul.f32 v12, v7;
	v15 =	vmax.f32 v15, $0.0e+00  }
0xa8: {  	s20 =	sadd.s32 $0x200, s20;
	v16 =	vld [tilespmem:s16+$0x80];
	v15 =	vmul.f32 v15, v7;
	v11 =	vmax.f32 v11, $0.0e+00  }
0xa9: {  	s21 =	sadd.s32 $0x200, s21;
	v19 =	vld [tilespmem:s20+$0x80];
	v9 =	vadd.f32 v12, v9;
	v11 =	vmul.f32 v11, v7  }
0xaa: {  	s24 =	sadd.s32 $0x4, s24;
	v12 =	vld [tilespmem:s21+$0x80];
	v8 =	vadd.f32 v15, v8  }
0xab: {  	p1 =	slt.u32 s24, $0x2C;
	v15 =	vld [tilespmem:s20+$0x90];
	[tilespmem:s22+$0xFFFFFF00] =	vst v9;
	v9 =	vadd.f32 v11, v10  }
0xac: {  	v10 =	vld [tilespmem:s21+$0x90];
	[tilespmem:s22+$0xFFFFFF80] =	vst v8  }
0xad: {  	v8 =	vld [tilespmem:s20+$0xA0];
	[tilespmem:s22+$0x0] =	vst v9  }
0xae: {  	v9 =	vld [tilespmem:s21+$0xA0]  }
0xaf: {  	v11 =	vadd.f32 v12, v19;
	v12 =	vld [tilespmem:s20+$0xB0]  }
0xb0: {  	v19 =	vld [tilespmem:s21+$0xB0]  }
0xb1: {  	v11 =	vadd.f32 v16, v11;
	v10 =	vadd.f32 v10, v15;
	v15 =	vld [tilespmem:s20+$0xC0]  }
0xb2: {  	v16 =	vld [tilespmem:s21+$0xC0]  }
0xb3: {  	v11 =	vmax.f32 v11, $0.0e+00;
	v10 =	vadd.f32 v14, v10;
	v8 =	vadd.f32 v9, v8;
	v9 =	vld [tilespmem:s20+$0xD0]  }
0xb4: {  	v11 =	vmul.f32 v11, v0;
	v14 =	vld [tilespmem:s21+$0xD0]  }
0xb5: {  	v10 =	vmax.f32 v10, $0.0e+00;
	v8 =	vadd.f32 v17, v8;
	v12 =	vadd.f32 v19, v12;
	v17 =	vld [tilespmem:s20+$0xE0]  }
0xb6: {  	v11 =	vadd.f32 $0.0e+00, v11;
	v10 =	vmul.f32 v10, v1;
	v19 =	vld [tilespmem:s21+$0xE0]  }
0xb7: {  	v8 =	vmax.f32 v8, $0.0e+00;
	v12 =	vadd.f32 v18, v12;
	v15 =	vadd.f32 v16, v15;
	v16 =	vld [tilespmem:s20+$0xF0]  }
0xb8: {  	v10 =	vadd.f32 v10, v11;
	v8 =	vmul.f32 v8, v2;
	v11 =	vld [tilespmem:s21+$0xF0]  }
0xb9: {  	v18 =	vld [tilespmem:s21+$0xFFFFFF00];
	v12 =	vmax.f32 v12, $0.0e+00;
	v13 =	vadd.f32 v13, v15;
	v9 =	vadd.f32 v14, v9  }
0xba: {  	v8 =	vadd.f32 v8, v10;
	v10 =	vmul.f32 v12, v3;
	v12 =	vld [tilespmem:s16+$0xF0]  }
0xbb: {  	v14 =	vld [tilespmem:s20+$0xFFFFFF80];
	v13 =	vmax.f32 v13, $0.0e+00;
	v9 =	vadd.f32 v21, v9;
	v15 =	vadd.f32 v19, v17  }
0xbc: {  	v17 =	vld [tilespmem:s21+$0xFFFFFF80];
	v8 =	vadd.f32 v10, v8;
	v10 =	vmul.f32 v13, v4  }
0xbd: {  	v13 =	vld [tilespmem:s20+$0x0];
	v9 =	vmax.f32 v9, $0.0e+00;
	v15 =	vadd.f32 v20, v15;
	v11 =	vadd.f32 v11, v16  }
0xbe: {  	v16 =	vld [tilespmem:s21+$0x0];
	v8 =	vadd.f32 v10, v8;
	v9 =	vmul.f32 v9, v5  }
0xbf: {  	v10 =	vld [tilespmem:s20+$0xFFFFFF00];
	v15 =	vmax.f32 v15, $0.0e+00;
	v11 =	vadd.f32 v12, v11  }
0xc0: {  	v12 =	vld [tilespmem:s16+$0xFFFFFF00];
	v8 =	vadd.f32 v9, v8;
	v9 =	vmul.f32 v15, v6  }
0xc1: {  	v15 =	vld [tilespmem:s20+$0xFFFFFF10];
	v14 =	vadd.f32 v17, v14;
	v11 =	vmax.f32 v11, $0.0e+00  }
0xc2: {  	v17 =	vld [tilespmem:s21+$0xFFFFFF10];
	v8 =	vadd.f32 v9, v8;
	v9 =	vmul.f32 v11, v7  }
0xc3: {  	v11 =	vld [tilespmem:s16+$0xFFFFFF80];
	v13 =	vadd.f32 v16, v13  }
0xc4: {  	v10 =	vadd.f32 v18, v10;
	v16 =	vld [tilespmem:s20+$0xFFFFFF90];
	v8 =	vadd.f32 v9, v8  }
0xc5: {  	s22 =	sadd.s32 $0x200, s22;
	v9 =	vld [tilespmem:s21+$0xFFFFFF90]  }
0xc6: {  	s10 =	simm.s32 $0x0;
	v10 =	vadd.f32 v12, v10;
	v12 =	vld [tilespmem:s16+$0x0];
	[tilespmem:s22+$0x80] =	vst v8  }
0xc7: {  	v8 =	vadd.f32 v17, v15;
	v15 =	vld [tilespmem:s20+$0x10]  }
0xc8: {  	v10 =	vmax.f32 v10, $0.0e+00;
	v11 =	vadd.f32 v11, v14;
	v14 =	vld [tilespmem:s21+$0x10]  }
0xc9: {  	v10 =	vmul.f32 v10, v0;
	v17 =	vld [tilespmem:s16+$0xFFFFFF10]  }
0xca: {  	v18 =	vld [tilespmem:s20+$0xFFFFFF20];
	v11 =	vmax.f32 v11, $0.0e+00;
	v9 =	vadd.f32 v9, v16  }
0xcb: {  	v10 =	vadd.f32 $0.0e+00, v10;
	v16 =	vld [tilespmem:s21+$0xFFFFFF20];
	v11 =	vmul.f32 v11, v0;
	v12 =	vadd.f32 v12, v13  }
0xcc: {  	v13 =	vld [tilespmem:s16+$0xFFFFFF90]  }
0xcd: {  	v11 =	vadd.f32 $0.0e+00, v11;
	v19 =	vld [tilespmem:s20+$0xFFFFFFA0];
	v12 =	vmax.f32 v12, $0.0e+00;
	v14 =	vadd.f32 v14, v15  }
0xce: {  	v8 =	vadd.f32 v17, v8;
	v15 =	vld [tilespmem:s21+$0xFFFFFFA0];
	v12 =	vmul.f32 v12, v0  }
0xcf: {  	v17 =	vld [tilespmem:s16+$0x10]  }
0xd0: {  	v8 =	vmax.f32 v8, $0.0e+00;
	v16 =	vadd.f32 v16, v18;
	v12 =	vadd.f32 $0.0e+00, v12;
	v18 =	vld [tilespmem:s20+$0x20]  }
0xd1: {  	v8 =	vmul.f32 v8, v1;
	v9 =	vadd.f32 v13, v9;
	v13 =	vld [tilespmem:s21+$0x20]  }
0xd2: {  	v20 =	vld [tilespmem:s16+$0xFFFFFF20]  }
0xd3: {  	v8 =	vadd.f32 v8, v10;
	v10 =	vld [tilespmem:s20+$0xFFFFFF30];
	v9 =	vmax.f32 v9, $0.0e+00;
	v15 =	vadd.f32 v15, v19  }
0xd4: {  	v19 =	vld [tilespmem:s21+$0xFFFFFF30];
	v9 =	vmul.f32 v9, v1;
	v14 =	vadd.f32 v17, v14  }
0xd5: {  	v17 =	vld [tilespmem:s16+$0xFFFFFFA0]  }
0xd6: {  	v9 =	vadd.f32 v9, v11;
	v11 =	vld [tilespmem:s20+$0xFFFFFFB0];
	v14 =	vmax.f32 v14, $0.0e+00;
	v13 =	vadd.f32 v13, v18  }
0xd7: {  	v16 =	vadd.f32 v20, v16;
	v18 =	vld [tilespmem:s21+$0xFFFFFFB0];
	v14 =	vmul.f32 v14, v1  }
0xd8: {  	v20 =	vld [tilespmem:s16+$0x20]  }
0xd9: {  	v16 =	vmax.f32 v16, $0.0e+00;
	v10 =	vadd.f32 v19, v10;
	v12 =	vadd.f32 v14, v12;
	v14 =	vld [tilespmem:s20+$0x30]  }
0xda: {  	v16 =	vmul.f32 v16, v2;
	v15 =	vadd.f32 v17, v15;
	v17 =	vld [tilespmem:s21+$0x30]  }
0xdb: {  	v19 =	vld [tilespmem:s16+$0xFFFFFF30]  }
0xdc: {  	v8 =	vadd.f32 v16, v8;
	v16 =	vld [tilespmem:s20+$0xFFFFFF40];
	v15 =	vmax.f32 v15, $0.0e+00;
	v11 =	vadd.f32 v18, v11  }
0xdd: {  	v18 =	vld [tilespmem:s21+$0xFFFFFF40];
	v15 =	vmul.f32 v15, v2;
	v13 =	vadd.f32 v20, v13  }
0xde: {  	v20 =	vld [tilespmem:s16+$0xFFFFFFB0]  }
0xdf: {  	v9 =	vadd.f32 v15, v9;
	v15 =	vld [tilespmem:s20+$0xFFFFFFC0];
	v13 =	vmax.f32 v13, $0.0e+00;
	v14 =	vadd.f32 v17, v14  }
0xe0: {  	v10 =	vadd.f32 v19, v10;
	v17 =	vld [tilespmem:s21+$0xFFFFFFC0];
	v13 =	vmul.f32 v13, v2  }
0xe1: {  	v19 =	vld [tilespmem:s16+$0x30]  }
0xe2: {  	v10 =	vmax.f32 v10, $0.0e+00;
	v16 =	vadd.f32 v18, v16;
	v12 =	vadd.f32 v13, v12;
	v13 =	vld [tilespmem:s20+$0x40]  }
0xe3: {  	v10 =	vmul.f32 v10, v3;
	v11 =	vadd.f32 v20, v11;
	v18 =	vld [tilespmem:s21+$0x40]  }
0xe4: {  	v20 =	vld [tilespmem:s16+$0xFFFFFF40]  }
0xe5: {  	v8 =	vadd.f32 v10, v8;
	v10 =	vld [tilespmem:s20+$0xFFFFFF50];
	v11 =	vmax.f32 v11, $0.0e+00;
	v15 =	vadd.f32 v17, v15  }
0xe6: {  	v17 =	vld [tilespmem:s21+$0xFFFFFF50];
	v11 =	vmul.f32 v11, v3;
	v14 =	vadd.f32 v19, v14  }
0xe7: {  	v19 =	vld [tilespmem:s16+$0xFFFFFFC0]  }
0xe8: {  	v9 =	vadd.f32 v11, v9;
	v11 =	vld [tilespmem:s20+$0xFFFFFFD0];
	v14 =	vmax.f32 v14, $0.0e+00;
	v13 =	vadd.f32 v18, v13  }
0xe9: {  	v16 =	vadd.f32 v20, v16;
	v18 =	vld [tilespmem:s21+$0xFFFFFFD0];
	v14 =	vmul.f32 v14, v3  }
0xea: {  	v20 =	vld [tilespmem:s16+$0x40]  }
0xeb: {  	v16 =	vmax.f32 v16, $0.0e+00;
	v10 =	vadd.f32 v17, v10;
	v12 =	vadd.f32 v14, v12;
	v14 =	vld [tilespmem:s20+$0x50]  }
0xec: {  	v16 =	vmul.f32 v16, v4;
	v15 =	vadd.f32 v19, v15;
	v17 =	vld [tilespmem:s21+$0x50]  }
0xed: {  	v19 =	vld [tilespmem:s16+$0xFFFFFF50]  }
0xee: {  	v8 =	vadd.f32 v16, v8;
	v16 =	vld [tilespmem:s20+$0xFFFFFF60];
	v15 =	vmax.f32 v15, $0.0e+00;
	v11 =	vadd.f32 v18, v11  }
0xef: {  	v18 =	vld [tilespmem:s21+$0xFFFFFF60];
	v15 =	vmul.f32 v15, v4;
	v13 =	vadd.f32 v20, v13  }
0xf0: {  	v20 =	vld [tilespmem:s16+$0xFFFFFFD0]  }
0xf1: {  	v9 =	vadd.f32 v15, v9;
	v15 =	vld [tilespmem:s20+$0xFFFFFFE0];
	v13 =	vmax.f32 v13, $0.0e+00;
	v14 =	vadd.f32 v17, v14  }
0xf2: {  	v10 =	vadd.f32 v19, v10;
	v17 =	vld [tilespmem:s21+$0xFFFFFFE0];
	v13 =	vmul.f32 v13, v4  }
0xf3: {  	v19 =	vld [tilespmem:s16+$0x50]  }
0xf4: {  	v10 =	vmax.f32 v10, $0.0e+00;
	v16 =	vadd.f32 v18, v16;
	v13 =	vadd.f32 v13, v12;
	v12 =	vld [tilespmem:s20+$0x60]  }
0xf5: {  	v10 =	vmul.f32 v10, v5;
	v11 =	vadd.f32 v20, v11;
	v18 =	vld [tilespmem:s21+$0x60]  }
0xf6: {  	v20 =	vld [tilespmem:s16+$0xFFFFFF60]  }
0xf7: {  	v21 =	vadd.f32 v10, v8;
	v10 =	vld [tilespmem:s20+$0xFFFFFF70];
	v8 =	vmax.f32 v11, $0.0e+00;
	v15 =	vadd.f32 v17, v15  }
0xf8: {  	v11 =	vld [tilespmem:s21+$0xFFFFFF70];
	v8 =	vmul.f32 v8, v5;
	v14 =	vadd.f32 v19, v14  }
0xf9: {  	v17 =	vld [tilespmem:s16+$0xFFFFFFE0]  }
0xfa: {  	v8 =	vadd.f32 v8, v9;
	v19 =	vld [tilespmem:s20+$0xFFFFFFF0];
	v9 =	vmax.f32 v14, $0.0e+00;
	v22 =	vadd.f32 v18, v12  }
0xfb: {  	v12 =	vadd.f32 v20, v16;
	v16 =	vld [tilespmem:s21+$0xFFFFFFF0];
	v9 =	vmul.f32 v9, v5  }
0xfc: {  	v20 =	vld [tilespmem:s16+$0x60]  }
.Ltmp2:
0xfd: {  	v14 =	vmax.f32 v12, $0.0e+00;
	v12 =	vadd.f32 v11, v10;
	v10 =	vadd.f32 v9, v13;
	v11 =	vld [tilespmem:s20+$0x70];
	(pc) =	sbr.rel @p1 .LBB2_3-.Ltmp2, $4  }
0xfe: {  	v9 =	vmul.f32 v14, v6;
	v15 =	vadd.f32 v17, v15;
	v13 =	vld [tilespmem:s21+$0x70]  }
0xff: {  	v14 =	vld [tilespmem:s16+$0xFFFFFF70]  }
0x100: {  	v9 =	vadd.f32 v9, v21;
	v18 =	vmax.f32 v15, $0.0e+00;
	v15 =	vld [tilespmem:s16+$0xFFFFFFF0];
	v17 =	vadd.f32 v16, v19  }
0x101: {  	v18 =	vmul.f32 v18, v6;
	v19 =	vadd.f32 v20, v22;
	v16 =	vld [tilespmem:s16+$0x70];
	s16 =	sadd.s32 $0x200, s16  }
0x102: {  	_ =	sdelay $0x1  }
0x103: {  	v11 =	vadd.f32 v13, v11;
	v12 =	vadd.f32 v14, v12  }
0x104: {  	v61 =	vadd.f32 v15, v17  }
0x105: {  	v62 =	vmax.f32 v19, $0.0e+00;
	v12 =	vmax.f32 v12, $0.0e+00;
	v11 =	vadd.f32 v16, v11  }
0x106: {  	v14 =	vmul.f32 v62, v6;
	v12 =	vmul.f32 v12, v7;
	v13 =	vmax.f32 v61, $0.0e+00  }
0x107: {  	v8 =	vadd.f32 v18, v8;
	v13 =	vmul.f32 v13, v7;
	v11 =	vmax.f32 v11, $0.0e+00  }
0x108: {  	v10 =	vadd.f32 v14, v10;
	v9 =	vadd.f32 v12, v9;
	v11 =	vmul.f32 v11, v7  }
0x109: {  	v8 =	vadd.f32 v13, v8  }
0x10a: {  	[tilespmem:s22+$0xFFFFFF00] =	vst v9;
	v63 =	vadd.f32 v11, v10  }
0x10b: {  	[tilespmem:s22+$0xFFFFFF80] =	vst v8  }
0x10c: {  	[tilespmem:s22+$0x0] =	vst v63  }
.LBB2_5:
0x10d: {  	s11 =	sshra.s32 s10, $0x2  }
0x10e: {  	v8 =	vld [tilespmem:s11+$0xE000]  }
0x10f: {  	v9 =	vld [tilespmem:s11+$0xFC00]  }
0x110: {  	v10 =	vld [tilespmem:s11+$0x11800]  }
0x111: {  	v11 =	vld [tilespmem:s11+$0xE010]  }
0x112: {  	v12 =	vld [tilespmem:s11+$0xFC10]  }
0x113: {  	v13 =	vld [tilespmem:s11+$0x11810]  }
0x114: {  	v14 =	vld [tilespmem:s11+$0xE020]  }
0x115: {  	v15 =	vld [tilespmem:s11+$0xFC20]  }
0x116: {  	v16 =	vld [tilespmem:s11+$0x11820]  }
0x117: {  	v17 =	vld [tilespmem:s11+$0xE030]  }
0x118: {  	v18 =	vld [tilespmem:s11+$0xFC30]  }
0x119: {  	v19 =	vld [tilespmem:s11+$0x11830]  }
0x11a: {  	v20 =	vld [tilespmem:s11+$0xE040]  }
0x11b: {  	v41 =	vld [tilespmem:s11+$0xFC40];
	v8 =	vadd.f32 v9, v8  }
0x11c: {  	v21 =	vld [tilespmem:s11+$0x11840]  }
0x11d: {  	v43 =	vld [tilespmem:s11+$0xE050];
	v42 =	vadd.f32 v12, v11;
	v8 =	vadd.f32 v10, v8  }
0x11e: {  	v44 =	vld [tilespmem:s11+$0xFC50]  }
0x11f: {  	v46 =	vld [tilespmem:s11+$0x11850];
	v45 =	vadd.f32 v15, v14;
	v10 =	vadd.f32 v13, v42;
	v8 =	vmax.f32 v8, $0.0e+00  }
0x120: {  	v47 =	vld [tilespmem:s11+$0xE060];
	v8 =	vmul.f32 v8, v0  }
0x121: {  	v49 =	vld [tilespmem:s11+$0xFC60];
	v48 =	vadd.f32 v18, v17;
	v13 =	vadd.f32 v16, v45;
	v10 =	vmax.f32 v10, $0.0e+00  }
0x122: {  	v50 =	vld [tilespmem:s11+$0x11860];
	v10 =	vmul.f32 v10, v1;
	v8 =	vadd.f32 $0.0e+00, v8  }
0x123: {  	v51 =	vld [tilespmem:s11+$0xE070];
	v9 =	vadd.f32 v41, v20;
	v16 =	vadd.f32 v19, v48;
	v13 =	vmax.f32 v13, $0.0e+00  }
0x124: {  	v53 =	vld [tilespmem:s11+$0xFC70];
	v52 =	vmul.f32 v13, v2;
	v8 =	vadd.f32 v10, v8  }
0x125: {  	v11 =	vadd.f32 v44, v43;
	v9 =	vadd.f32 v21, v9;
	v54 =	vmax.f32 v16, $0.0e+00  }
0x126: {  	v56 =	vld [tilespmem:s11+$0x11870];
	v55 =	vmul.f32 v54, v3;
	v8 =	vadd.f32 v52, v8  }
0x127: {  	v57 =	vadd.f32 v49, v47;
	v11 =	vadd.f32 v46, v11;
	v9 =	vmax.f32 v9, $0.0e+00  }
0x128: {  	v9 =	vmul.f32 v9, v4;
	v8 =	vadd.f32 v55, v8  }
0x129: {  	v58 =	vadd.f32 v50, v57;
	v11 =	vmax.f32 v11, $0.0e+00;
	v13 =	vadd.f32 v53, v51  }
0x12a: {  	v59 =	vmul.f32 v11, v5;
	v8 =	vadd.f32 v9, v8  }
0x12b: {  	v60 =	vadd.f32 v56, v13;
	v10 =	vmax.f32 v58, $0.0e+00  }
0x12c: {  	v61 =	vmul.f32 v10, v6;
	v8 =	vadd.f32 v59, v8  }
0x12d: {  	p1 =	sne.s32 s10, $0x200;
	v62 =	vmax.f32 v60, $0.0e+00  }
.Ltmp3:
0x12e: {  	v63 =	vmul.f32 v62, v7;
	v8 =	vadd.f32 v61, v8;
	(pc) =	sbr.rel @p1 .LBB2_5-.Ltmp3, $3  }
0x12f: {  	_ = 	snop  }
0x130: {  	v8 =	vadd.f32 v63, v8;
	_ =	sdelay $0x1  }
0x131: {  	s10 =	sadd.s32 $0x200, s10;
	[tilespmem:s11+$0x13400] =	vst v8  }
0x132: {  	s20 =	smul.u32 $0x3800, s17;
	_ =	sdelay $0x1  }
0x133: {  	s10 =	sadd.s32 s4, s20  }
0x134: {  	s10 =	sshrl.u32 s10, $0x3  }
0x135: {  	p1 =	seq.s32 s17, $0x63;
	s10 =	sadd.s32 s8, s10  }
0x136: {  	[hbm4b:s10+s3] =	stream.linear.scatter [tilespmem:s29], [sflag:$0x3], $0x1900, $0x38;
	[tilespmem:$0x1A880] =	vst v63  }
0x137: {  	s16 =	simm.s32 @!p1 $0x32;
	s10 =	sadd.s32 @!p1 $0x2, s19  }
0x138: {  	s21 =	simm.s32 @!p1 $0xC800;
	s11 =	sshll.u32 @!p1 s10, $0x7;
	s10 =	smul.u32 @!p1 $0x1C00, s10  }
0x139: {  	[tilespmem:s21], [sflag:$0x1] =	stream.indirect.gather @!p1 [hbm4b:s5+s16], $0x80, s11, s16, $0xb8;
	[tilespmem:$0x1A880] =	vst v63  }
0x13a: {  	s11 =	sadd.s32 @!p1 $0x6400, s11;
	s21 =	simm.s32 @!p1 $0xE400;
	s10 =	sadd.s32 @!p1 s4, s10  }
0x13b: {  	[tilespmem:s21], [sflag:$0x1] =	stream.indirect.gather @!p1 [hbm4b:s6+s16], $0x80, s11, s16, $0xb8;
	[tilespmem:$0x1A880] =	vst v63  }
0x13c: {  	s10 =	sshrl.u32 @!p1 s10, $0x3  }
0x13d: {  	s11 =	simm.s32 @!p1 $0x0;
	s16 =	simm.s32 @!p1 $0x10000;
	s10 =	sadd.s32 @!p1 s7, s10  }
0x13e: {  	[tilespmem:s16], [sflag:$0x1] =	stream.linear.gather @!p1 [hbm4b:s10+s11], $0x1900, $0x38;
	[tilespmem:$0x1A880] =	vst v63  }
0x13f: {  	_ =	swait.ge [sflag:s30], $0x1900  }
0x140: {  	[sflag:s30] =	ssyncset.done $0x0  }
0x141: {  	[sflag:s30] =	ssyncadd.s32 $0xFFFFE700  }
0x142: {  	_ =	swait.ge [sflag:s30], $0x1900  }
0x143: {  	[sflag:s30] =	ssyncset.done $0x0  }
0x144: {  	[sflag:s30] =	ssyncadd.s32 $0xFFFFE700  }
0x145: {  	_ =	swait.ge [sflag:s30], $0x1900  }
0x146: {  	[sflag:s30] =	ssyncset.done $0x0  }
0x147: {  	s10 =	simm.s32 @!p0 $0x4;
	[sflag:s30] =	ssyncadd.s32 $0xFFFFE700  }
0x148: {  	_ =	swait.ge @!p0 [sflag:s10], $0x1900  }
0x149: {  	[sflag:s10] =	ssyncset.done @!p0 $0x0  }
0x14a: {  	s11 =	simm.s32 $0x17100;
	[sflag:s10] =	ssyncadd.s32 @!p0 $0xFFFFE700  }
0x14b: {  	v8 =	vld [tilespmem:s11+$0xE0]  }
0x14c: {  	v9 =	vld [tilespmem:s11+$0xD0]  }
0x14d: {  	v10 =	vld [tilespmem:s11+$0xC0]  }
0x14e: {  	v11 =	vld [tilespmem:s11+$0xB0]  }
0x14f: {  	v12 =	vld [tilespmem:s11+$0xA0]  }
0x150: {  	v13 =	vld [tilespmem:s11+$0x90]  }
0x151: {  	s21 =	simm.s32 $0x13900;
	v14 =	vld [tilespmem:s11+$0x80]  }
0x152: {  	s22 =	simm.s32 $0x15500;
	v15 =	vld [tilespmem:s21+$0x80]  }
0x153: {  	v16 =	vld [tilespmem:s22+$0x80]  }
0x154: {  	v17 =	vld [tilespmem:s21+$0x90]  }
0x155: {  	v18 =	vld [tilespmem:s22+$0x90]  }
0x156: {  	v19 =	vld [tilespmem:s21+$0xA0]  }
0x157: {  	v20 =	vld [tilespmem:s22+$0xA0]  }
0x158: {  	v21 =	vld [tilespmem:s21+$0xB0]  }
0x159: {  	v22 =	vld [tilespmem:s22+$0xB0]  }
0x15a: {  	v23 =	vld [tilespmem:s21+$0xC0]  }
0x15b: {  	v24 =	vld [tilespmem:s22+$0xC0]  }
0x15c: {  	v25 =	vld [tilespmem:s21+$0xD0]  }
0x15d: {  	v26 =	vld [tilespmem:s22+$0xD0]  }
0x15e: {  	v27 =	vld [tilespmem:s21+$0xE0]  }
0x15f: {  	v28 =	vld [tilespmem:s22+$0xE0]  }
0x160: {  	v29 =	vld [tilespmem:s21+$0xF0]  }
0x161: {  	v30 =	vld [tilespmem:s22+$0xF0]  }
0x162: {  	v31 =	vld [tilespmem:s22+$0xFFFFFF00]  }
0x163: {  	v32 =	vld [tilespmem:s11+$0xF0]  }
0x164: {  	v33 =	vld [tilespmem:s21+$0xFFFFFF80]  }
0x165: {  	v34 =	vld [tilespmem:s22+$0xFFFFFF80]  }
0x166: {  	v35 =	vld [tilespmem:s21+$0x0]  }
0x167: {  	v36 =	vld [tilespmem:s22+$0x0]  }
0x168: {  	v37 =	vld [tilespmem:s21+$0xFFFFFF00]  }
0x169: {  	v38 =	vld [tilespmem:s11+$0xFFFFFF00]  }
0x16a: {  	v39 =	vld [tilespmem:s21+$0xFFFFFF10]  }
0x16b: {  	v40 =	vld [tilespmem:s22+$0xFFFFFF10]  }
0x16c: {  	v41 =	vld [tilespmem:s11+$0xFFFFFF80]  }
0x16d: {  	v42 =	vld [tilespmem:s21+$0xFFFFFF90]  }
0x16e: {  	v43 =	vld [tilespmem:s22+$0xFFFFFF90]  }
0x16f: {  	v44 =	vld [tilespmem:s11+$0x0]  }
0x170: {  	v45 =	vld [tilespmem:s21+$0x10]  }
0x171: {  	v46 =	vld [tilespmem:s22+$0x10]  }
0x172: {  	v47 =	vld [tilespmem:s11+$0xFFFFFF10]  }
0x173: {  	v48 =	vld [tilespmem:s22+$0xFFFFFF20]  }
0x174: {  	v49 =	vld [tilespmem:s22+$0x20]  }
0x175: {  	v50 =	vld [tilespmem:s11+$0xFFFFFF20]  }
0x176: {  	v51 =	vld [tilespmem:s22+$0xFFFFFF30]  }
0x177: {  	v52 =	vld [tilespmem:s21+$0xFFFFFFB0]  }
0x178: {  	v55 =	vld [tilespmem:s22+$0x30]  }
0x179: {  	v57 =	vld [tilespmem:s21+$0xFFFFFF40];
	v15 =	vadd.f32 v16, v15;
	v53 =	vadd.f32 v30, v29  }
0x17a: {  	v59 =	vld [tilespmem:s22+$0xFFFFFF40];
	v54 =	vadd.f32 v31, v37;
	v56 =	vadd.f32 v34, v33  }
0x17b: {  	v61 =	vld [tilespmem:s11+$0xFFFFFFB0];
	v58 =	vadd.f32 v36, v35;
	v60 =	vadd.f32 v40, v39  }
0x17c: {  	v63 =	vld [tilespmem:s21+$0xFFFFFFC0];
	v14 =	vadd.f32 v14, v15;
	v15 =	vadd.f32 v18, v17  }
0x17d: {  	v16 =	vld [tilespmem:s21+$0xFFFFFF20];
	v62 =	vadd.f32 v43, v42;
	v29 =	vadd.f32 v41, v56  }
0x17e: {  	v43 =	vld [tilespmem:s11+$0x30];
	v14 =	vmax.f32 v14, $0.0e+00;
	v13 =	vadd.f32 v13, v15;
	v15 =	vadd.f32 v20, v19  }
0x17f: {  	v45 =	vadd.f32 v46, v45;
	v46 =	vld [tilespmem:s22+$0x40];
	v29 =	vmax.f32 v29, $0.0e+00;
	v14 =	vmul.f32 v14, v0  }
0x180: {  	v17 =	vld [tilespmem:s11+$0xFFFFFF90];
	v13 =	vmax.f32 v13, $0.0e+00;
	v12 =	vadd.f32 v12, v15;
	v15 =	vadd.f32 v22, v21  }
0x181: {  	v18 =	vld [tilespmem:s21+$0xFFFFFFA0];
	v29 =	vmul.f32 v29, v0;
	v14 =	vadd.f32 $0.0e+00, v14;
	v13 =	vmul.f32 v13, v1  }
0x182: {  	v56 =	vld [tilespmem:s22+$0xFFFFFFE0];
	v11 =	vadd.f32 v11, v15;
	v12 =	vmax.f32 v12, $0.0e+00;
	v15 =	vadd.f32 v24, v23  }
0x183: {  	v19 =	vld [tilespmem:s22+$0xFFFFFFA0];
	v16 =	vadd.f32 v48, v16;
	v13 =	vadd.f32 v13, v14;
	v12 =	vmul.f32 v12, v2  }
0x184: {  	v20 =	vld [tilespmem:s11+$0x10];
	v10 =	vadd.f32 v10, v15;
	v11 =	vmax.f32 v11, $0.0e+00;
	v15 =	vadd.f32 v26, v25  }
0x185: {  	v48 =	vld [tilespmem:s22+$0xFFFFFF50];
	v17 =	vadd.f32 v17, v62;
	v12 =	vadd.f32 v12, v13;
	v11 =	vmul.f32 v11, v3  }
0x186: {  	v21 =	vld [tilespmem:s21+$0x20];
	v9 =	vadd.f32 v9, v15;
	v10 =	vmax.f32 v10, $0.0e+00;
	v15 =	vadd.f32 v28, v27  }
0x187: {  	v29 =	vadd.f32 $0.0e+00, v29;
	v62 =	vld [tilespmem:s11+$0x60];
	v11 =	vadd.f32 v11, v12;
	v10 =	vmul.f32 v10, v4  }
0x188: {  	v16 =	vadd.f32 v50, v16;
	v14 =	vld [tilespmem:s21+$0xFFFFFF30];
	v9 =	vmax.f32 v9, $0.0e+00;
	v8 =	vadd.f32 v8, v15  }
0x189: {  	v18 =	vadd.f32 v19, v18;
	v19 =	vld [tilespmem:s21+$0xFFFFFF50];
	v10 =	vadd.f32 v10, v11;
	v9 =	vmul.f32 v9, v5  }
0x18a: {  	v17 =	vmax.f32 v17, $0.0e+00;
	v26 =	vadd.f32 v32, v53;
	v53 =	vld [tilespmem:s11+$0xFFFFFF50];
	v8 =	vmax.f32 v8, $0.0e+00  }
0x18b: {  	v20 =	vadd.f32 v20, v45;
	v13 =	vld [tilespmem:s11+$0xFFFFFFA0];
	v9 =	vadd.f32 v9, v10;
	v8 =	vmul.f32 v8, v6  }
0x18c: {  	v16 =	vmax.f32 v16, $0.0e+00;
	v17 =	vmul.f32 v17, v1;
	v21 =	vadd.f32 v49, v21;
	v49 =	vld [tilespmem:s11+$0xFFFFFFC0]  }
0x18d: {  	v27 =	vadd.f32 v38, v54;
	v12 =	vld [tilespmem:s22+$0xFFFFFFB0];
	v8 =	vadd.f32 v8, v9;
	v9 =	vmax.f32 v26, $0.0e+00  }
0x18e: {  	v16 =	vmul.f32 v16, v2;
	v20 =	vmax.f32 v20, $0.0e+00;
	v15 =	vld [tilespmem:s11+$0x20];
	v9 =	vmul.f32 v9, v7  }
0x18f: {  	v17 =	vadd.f32 v17, v29;
	v54 =	vadd.f32 v59, v57;
	v27 =	vmax.f32 v27, $0.0e+00;
	v10 =	vld [tilespmem:s11+$0xFFFFFF30]  }
0x190: {  	v59 =	vld [tilespmem:s21+$0x60];
	v27 =	vmul.f32 v27, v0;
	v42 =	vadd.f32 v9, v8;
	v8 =	vadd.f32 v47, v60  }
0x191: {  	v20 =	vmul.f32 v20, v1;
	v14 =	vadd.f32 v51, v14;
	v51 =	vld [tilespmem:s21+$0xFFFFFFD0];
	v19 =	vadd.f32 v48, v19  }
0x192: {  	v11 =	vld [tilespmem:s21+$0x30];
	v13 =	vadd.f32 v13, v18;
	v27 =	vadd.f32 $0.0e+00, v27;
	v8 =	vmax.f32 v8, $0.0e+00  }
0x193: {  	v18 =	vld [tilespmem:s22+$0xFFFFFFD0];
	v12 =	vadd.f32 v12, v52;
	v26 =	vadd.f32 v44, v58;
	v8 =	vmul.f32 v8, v1  }
0x194: {  	v52 =	vld [tilespmem:s11+$0x40];
	v13 =	vmax.f32 v13, $0.0e+00;
	v15 =	vadd.f32 v15, v21;
	v10 =	vadd.f32 v10, v14  }
0x195: {  	v13 =	vmul.f32 v13, v2;
	v26 =	vmax.f32 v26, $0.0e+00;
	v9 =	vld [tilespmem:s22+$0xFFFFFFC0];
	v8 =	vadd.f32 v8, v27  }
0x196: {  	v12 =	vadd.f32 v61, v12;
	v47 =	vld [tilespmem:s11+$0xFFFFFF40];
	v26 =	vmul.f32 v26, v0;
	v10 =	vmax.f32 v10, $0.0e+00  }
0x197: {  	v44 =	vld [tilespmem:s21+$0x40];
	v11 =	vadd.f32 v55, v11;
	v10 =	vmul.f32 v10, v3;
	v8 =	vadd.f32 v16, v8  }
0x198: {  	v58 =	vld [tilespmem:s11+$0x50];
	v13 =	vadd.f32 v13, v17;
	v12 =	vmax.f32 v12, $0.0e+00;
	v50 =	vadd.f32 $0.0e+00, v26  }
0x199: {  	v55 =	vld [tilespmem:s22+$0xFFFFFF60];
	v11 =	vadd.f32 v43, v11;
	v8 =	vadd.f32 v10, v8;
	v10 =	vmul.f32 v12, v3  }
0x19a: {  	v15 =	vmax.f32 v15, $0.0e+00;
	v17 =	vld [tilespmem:s21+$0xFFFFFF60];
	v20 =	vadd.f32 v20, v50;
	v9 =	vadd.f32 v9, v63  }
0x19b: {  	v14 =	vld [tilespmem:s21+$0x50];
	v15 =	vmul.f32 v15, v2;
	v10 =	vadd.f32 v10, v13;
	v13 =	vadd.f32 v47, v54  }
0x19c: {  	v57 =	vadd.f32 v46, v44;
	v11 =	vmax.f32 v11, $0.0e+00;
	v9 =	vadd.f32 v49, v9;
	v12 =	vld [tilespmem:s11+$0xFFFFFFD0]  }
0x19d: {  	v11 =	vmul.f32 v11, v3;
	v15 =	vadd.f32 v15, v20;
	v16 =	vld [tilespmem:s22+$0x50];
	v13 =	vmax.f32 v13, $0.0e+00  }
0x19e: {  	v61 =	vld [tilespmem:s21+$0xFFFFFF70];
	v25 =	vadd.f32 v52, v57;
	v9 =	vmax.f32 v9, $0.0e+00;
	v13 =	vmul.f32 v13, v4  }
0x19f: {  	v11 =	vadd.f32 v11, v15;
	v15 =	vadd.f32 v18, v51;
	v18 =	vld [tilespmem:s11+$0xFFFFFF60];
	v9 =	vmul.f32 v9, v4  }
0x1a0: {  	v19 =	vadd.f32 v53, v19;
	v20 =	vld [tilespmem:s21+$0xFFFFFFE0];
	v8 =	vadd.f32 v13, v8;
	v13 =	vmax.f32 v25, $0.0e+00  }
0x1a1: {  	v60 =	vld [tilespmem:s22+$0x60];
	v9 =	vadd.f32 v9, v10;
	v12 =	vadd.f32 v12, v15;
	v10 =	vmul.f32 v13, v4  }
0x1a2: {  	v13 =	vadd.f32 v16, v14;
	v14 =	vmax.f32 v19, $0.0e+00;
	v16 =	vadd.f32 v55, v17;
	v17 =	vld [tilespmem:s11+$0xFFFFFFE0]  }
0x1a3: {  	v15 =	vld [tilespmem:s22+$0xFFFFFF70];
	v12 =	vmax.f32 v12, $0.0e+00;
	v10 =	vadd.f32 v10, v11;
	v11 =	vmul.f32 v14, v5  }
0x1a4: {  	v19 =	vld [tilespmem:s21+$0xFFFFFFF0];
	v12 =	vmul.f32 v12, v5;
	v13 =	vadd.f32 v58, v13;
	v14 =	vadd.f32 v18, v16  }
0x1a5: {  	v20 =	vadd.f32 v56, v20;
	v16 =	vld [tilespmem:s22+$0xFFFFFFF0];
	v18 =	vadd.f32 v11, v8  }
0x1a6: {  	v8 =	vadd.f32 v12, v9;
	v9 =	vmax.f32 v13, $0.0e+00;
	v12 =	vmax.f32 v14, $0.0e+00;
	v11 =	vld [tilespmem:s21+$0x70]  }
0x1a7: {  	v13 =	vld [tilespmem:s22+$0x70];
	v9 =	vmul.f32 v9, v5;
	v63 =	vmul.f32 v12, v6;
	v17 =	vadd.f32 v17, v20  }
0x1a8: {  	v14 =	vld [tilespmem:s11+$0xFFFFFF70];
	v20 =	vadd.f32 v60, v59;
	v12 =	vadd.f32 v15, v61  }
0x1a9: {  	s24 =	simm.s32 $0x18D00;
	v15 =	vld [tilespmem:s11+$0xFFFFFFF0];
	v10 =	vadd.f32 v9, v10;
	v9 =	vadd.f32 v63, v18;
	v18 =	vmax.f32 v17, $0.0e+00  }
0x1aa: {  	s16 =	simm.s32 $0x0;
	s10 =	simm.s32 $0x17300;
	[tilespmem:s24+$0x80] =	vst v42;
	v17 =	vadd.f32 v16, v19;
	v19 =	vadd.f32 v62, v20;
	v16 =	vld [tilespmem:s11+$0x70];
	v18 =	vmul.f32 v18, v6  }
.LBB2_7:
0x1ab: {  	v20 =	vld [tilespmem:s10+$0xE0]  }
0x1ac: {  	v21 =	vld [tilespmem:s10+$0xD0];
	v8 =	vadd.f32 v18, v8;
	v18 =	vmax.f32 v19, $0.0e+00;
	v11 =	vadd.f32 v13, v11  }
0x1ad: {  	v13 =	vld [tilespmem:s10+$0xC0];
	v12 =	vadd.f32 v14, v12;
	v14 =	vmul.f32 v18, v6  }
0x1ae: {  	v18 =	vld [tilespmem:s10+$0xB0];
	v15 =	vadd.f32 v15, v17  }
0x1af: {  	v17 =	vld [tilespmem:s10+$0xA0];
	v12 =	vmax.f32 v12, $0.0e+00;
	v10 =	vadd.f32 v14, v10;
	v11 =	vadd.f32 v16, v11  }
0x1b0: {  	v14 =	vld [tilespmem:s10+$0x90];
	v12 =	vmul.f32 v12, v7;
	v15 =	vmax.f32 v15, $0.0e+00  }
0x1b1: {  	s21 =	sadd.s32 $0x200, s21;
	v16 =	vld [tilespmem:s10+$0x80];
	v15 =	vmul.f32 v15, v7;
	v11 =	vmax.f32 v11, $0.0e+00  }
0x1b2: {  	s22 =	sadd.s32 $0x200, s22;
	v19 =	vld [tilespmem:s21+$0x80];
	v9 =	vadd.f32 v12, v9;
	v11 =	vmul.f32 v11, v7  }
0x1b3: {  	s16 =	sadd.s32 $0x4, s16;
	v12 =	vld [tilespmem:s22+$0x80];
	v8 =	vadd.f32 v15, v8  }
0x1b4: {  	p0 =	slt.u32 s16, $0x2C;
	v15 =	vld [tilespmem:s21+$0x90];
	[tilespmem:s24+$0xFFFFFF00] =	vst v9;
	v9 =	vadd.f32 v11, v10  }
0x1b5: {  	v10 =	vld [tilespmem:s22+$0x90];
	[tilespmem:s24+$0xFFFFFF80] =	vst v8  }
0x1b6: {  	v8 =	vld [tilespmem:s21+$0xA0];
	[tilespmem:s24+$0x0] =	vst v9  }
0x1b7: {  	v9 =	vld [tilespmem:s22+$0xA0]  }
0x1b8: {  	v11 =	vadd.f32 v12, v19;
	v12 =	vld [tilespmem:s21+$0xB0]  }
0x1b9: {  	v19 =	vld [tilespmem:s22+$0xB0]  }
0x1ba: {  	v11 =	vadd.f32 v16, v11;
	v10 =	vadd.f32 v10, v15;
	v15 =	vld [tilespmem:s21+$0xC0]  }
0x1bb: {  	v16 =	vld [tilespmem:s22+$0xC0]  }
0x1bc: {  	v11 =	vmax.f32 v11, $0.0e+00;
	v10 =	vadd.f32 v14, v10;
	v8 =	vadd.f32 v9, v8;
	v9 =	vld [tilespmem:s21+$0xD0]  }
0x1bd: {  	v11 =	vmul.f32 v11, v0;
	v14 =	vld [tilespmem:s22+$0xD0]  }
0x1be: {  	v10 =	vmax.f32 v10, $0.0e+00;
	v8 =	vadd.f32 v17, v8;
	v12 =	vadd.f32 v19, v12;
	v17 =	vld [tilespmem:s21+$0xE0]  }
0x1bf: {  	v11 =	vadd.f32 $0.0e+00, v11;
	v10 =	vmul.f32 v10, v1;
	v19 =	vld [tilespmem:s22+$0xE0]  }
0x1c0: {  	v8 =	vmax.f32 v8, $0.0e+00;
	v12 =	vadd.f32 v18, v12;
	v15 =	vadd.f32 v16, v15;
	v16 =	vld [tilespmem:s21+$0xF0]  }
0x1c1: {  	v10 =	vadd.f32 v10, v11;
	v8 =	vmul.f32 v8, v2;
	v11 =	vld [tilespmem:s22+$0xF0]  }
0x1c2: {  	v18 =	vld [tilespmem:s22+$0xFFFFFF00];
	v12 =	vmax.f32 v12, $0.0e+00;
	v13 =	vadd.f32 v13, v15;
	v9 =	vadd.f32 v14, v9  }
0x1c3: {  	v8 =	vadd.f32 v8, v10;
	v10 =	vmul.f32 v12, v3;
	v12 =	vld [tilespmem:s10+$0xF0]  }
0x1c4: {  	v14 =	vld [tilespmem:s21+$0xFFFFFF80];
	v13 =	vmax.f32 v13, $0.0e+00;
	v9 =	vadd.f32 v21, v9;
	v15 =	vadd.f32 v19, v17  }
0x1c5: {  	v17 =	vld [tilespmem:s22+$0xFFFFFF80];
	v8 =	vadd.f32 v10, v8;
	v10 =	vmul.f32 v13, v4  }
0x1c6: {  	v13 =	vld [tilespmem:s21+$0x0];
	v9 =	vmax.f32 v9, $0.0e+00;
	v15 =	vadd.f32 v20, v15;
	v11 =	vadd.f32 v11, v16  }
0x1c7: {  	v16 =	vld [tilespmem:s22+$0x0];
	v8 =	vadd.f32 v10, v8;
	v9 =	vmul.f32 v9, v5  }
0x1c8: {  	v10 =	vld [tilespmem:s21+$0xFFFFFF00];
	v15 =	vmax.f32 v15, $0.0e+00;
	v11 =	vadd.f32 v12, v11  }
0x1c9: {  	v12 =	vld [tilespmem:s10+$0xFFFFFF00];
	v8 =	vadd.f32 v9, v8;
	v9 =	vmul.f32 v15, v6  }
0x1ca: {  	v15 =	vld [tilespmem:s21+$0xFFFFFF10];
	v14 =	vadd.f32 v17, v14;
	v11 =	vmax.f32 v11, $0.0e+00  }
0x1cb: {  	v17 =	vld [tilespmem:s22+$0xFFFFFF10];
	v8 =	vadd.f32 v9, v8;
	v9 =	vmul.f32 v11, v7  }
0x1cc: {  	v11 =	vld [tilespmem:s10+$0xFFFFFF80];
	v13 =	vadd.f32 v16, v13  }
0x1cd: {  	v10 =	vadd.f32 v18, v10;
	v16 =	vld [tilespmem:s21+$0xFFFFFF90];
	v8 =	vadd.f32 v9, v8  }
0x1ce: {  	s24 =	sadd.s32 $0x200, s24;
	v9 =	vld [tilespmem:s22+$0xFFFFFF90]  }
0x1cf: {  	s11 =	simm.s32 $0x0;
	v10 =	vadd.f32 v12, v10;
	v12 =	vld [tilespmem:s10+$0x0];
	[tilespmem:s24+$0x80] =	vst v8  }
0x1d0: {  	v8 =	vadd.f32 v17, v15;
	v15 =	vld [tilespmem:s21+$0x10]  }
0x1d1: {  	v10 =	vmax.f32 v10, $0.0e+00;
	v11 =	vadd.f32 v11, v14;
	v14 =	vld [tilespmem:s22+$0x10]  }
0x1d2: {  	v10 =	vmul.f32 v10, v0;
	v17 =	vld [tilespmem:s10+$0xFFFFFF10]  }
0x1d3: {  	v18 =	vld [tilespmem:s21+$0xFFFFFF20];
	v11 =	vmax.f32 v11, $0.0e+00;
	v9 =	vadd.f32 v9, v16  }
0x1d4: {  	v10 =	vadd.f32 $0.0e+00, v10;
	v16 =	vld [tilespmem:s22+$0xFFFFFF20];
	v11 =	vmul.f32 v11, v0;
	v12 =	vadd.f32 v12, v13  }
0x1d5: {  	v13 =	vld [tilespmem:s10+$0xFFFFFF90]  }
0x1d6: {  	v11 =	vadd.f32 $0.0e+00, v11;
	v19 =	vld [tilespmem:s21+$0xFFFFFFA0];
	v12 =	vmax.f32 v12, $0.0e+00;
	v14 =	vadd.f32 v14, v15  }
0x1d7: {  	v8 =	vadd.f32 v17, v8;
	v15 =	vld [tilespmem:s22+$0xFFFFFFA0];
	v12 =	vmul.f32 v12, v0  }
0x1d8: {  	v17 =	vld [tilespmem:s10+$0x10]  }
0x1d9: {  	v8 =	vmax.f32 v8, $0.0e+00;
	v16 =	vadd.f32 v16, v18;
	v12 =	vadd.f32 $0.0e+00, v12;
	v18 =	vld [tilespmem:s21+$0x20]  }
0x1da: {  	v8 =	vmul.f32 v8, v1;
	v9 =	vadd.f32 v13, v9;
	v13 =	vld [tilespmem:s22+$0x20]  }
0x1db: {  	v20 =	vld [tilespmem:s10+$0xFFFFFF20]  }
0x1dc: {  	v8 =	vadd.f32 v8, v10;
	v10 =	vld [tilespmem:s21+$0xFFFFFF30];
	v9 =	vmax.f32 v9, $0.0e+00;
	v15 =	vadd.f32 v15, v19  }
0x1dd: {  	v19 =	vld [tilespmem:s22+$0xFFFFFF30];
	v9 =	vmul.f32 v9, v1;
	v14 =	vadd.f32 v17, v14  }
0x1de: {  	v17 =	vld [tilespmem:s10+$0xFFFFFFA0]  }
0x1df: {  	v9 =	vadd.f32 v9, v11;
	v11 =	vld [tilespmem:s21+$0xFFFFFFB0];
	v14 =	vmax.f32 v14, $0.0e+00;
	v13 =	vadd.f32 v13, v18  }
0x1e0: {  	v16 =	vadd.f32 v20, v16;
	v18 =	vld [tilespmem:s22+$0xFFFFFFB0];
	v14 =	vmul.f32 v14, v1  }
0x1e1: {  	v20 =	vld [tilespmem:s10+$0x20]  }
0x1e2: {  	v16 =	vmax.f32 v16, $0.0e+00;
	v10 =	vadd.f32 v19, v10;
	v12 =	vadd.f32 v14, v12;
	v14 =	vld [tilespmem:s21+$0x30]  }
0x1e3: {  	v16 =	vmul.f32 v16, v2;
	v15 =	vadd.f32 v17, v15;
	v17 =	vld [tilespmem:s22+$0x30]  }
0x1e4: {  	v19 =	vld [tilespmem:s10+$0xFFFFFF30]  }
0x1e5: {  	v8 =	vadd.f32 v16, v8;
	v16 =	vld [tilespmem:s21+$0xFFFFFF40];
	v15 =	vmax.f32 v15, $0.0e+00;
	v11 =	vadd.f32 v18, v11  }
0x1e6: {  	v18 =	vld [tilespmem:s22+$0xFFFFFF40];
	v15 =	vmul.f32 v15, v2;
	v13 =	vadd.f32 v20, v13  }
0x1e7: {  	v20 =	vld [tilespmem:s10+$0xFFFFFFB0]  }
0x1e8: {  	v9 =	vadd.f32 v15, v9;
	v15 =	vld [tilespmem:s21+$0xFFFFFFC0];
	v13 =	vmax.f32 v13, $0.0e+00;
	v14 =	vadd.f32 v17, v14  }
0x1e9: {  	v10 =	vadd.f32 v19, v10;
	v17 =	vld [tilespmem:s22+$0xFFFFFFC0];
	v13 =	vmul.f32 v13, v2  }
0x1ea: {  	v19 =	vld [tilespmem:s10+$0x30]  }
0x1eb: {  	v10 =	vmax.f32 v10, $0.0e+00;
	v16 =	vadd.f32 v18, v16;
	v12 =	vadd.f32 v13, v12;
	v13 =	vld [tilespmem:s21+$0x40]  }
0x1ec: {  	v10 =	vmul.f32 v10, v3;
	v11 =	vadd.f32 v20, v11;
	v18 =	vld [tilespmem:s22+$0x40]  }
0x1ed: {  	v20 =	vld [tilespmem:s10+$0xFFFFFF40]  }
0x1ee: {  	v8 =	vadd.f32 v10, v8;
	v10 =	vld [tilespmem:s21+$0xFFFFFF50];
	v11 =	vmax.f32 v11, $0.0e+00;
	v15 =	vadd.f32 v17, v15  }
0x1ef: {  	v17 =	vld [tilespmem:s22+$0xFFFFFF50];
	v11 =	vmul.f32 v11, v3;
	v14 =	vadd.f32 v19, v14  }
0x1f0: {  	v19 =	vld [tilespmem:s10+$0xFFFFFFC0]  }
0x1f1: {  	v9 =	vadd.f32 v11, v9;
	v11 =	vld [tilespmem:s21+$0xFFFFFFD0];
	v14 =	vmax.f32 v14, $0.0e+00;
	v13 =	vadd.f32 v18, v13  }
0x1f2: {  	v16 =	vadd.f32 v20, v16;
	v18 =	vld [tilespmem:s22+$0xFFFFFFD0];
	v14 =	vmul.f32 v14, v3  }
0x1f3: {  	v20 =	vld [tilespmem:s10+$0x40]  }
0x1f4: {  	v16 =	vmax.f32 v16, $0.0e+00;
	v10 =	vadd.f32 v17, v10;
	v12 =	vadd.f32 v14, v12;
	v14 =	vld [tilespmem:s21+$0x50]  }
0x1f5: {  	v16 =	vmul.f32 v16, v4;
	v15 =	vadd.f32 v19, v15;
	v17 =	vld [tilespmem:s22+$0x50]  }
0x1f6: {  	v19 =	vld [tilespmem:s10+$0xFFFFFF50]  }
0x1f7: {  	v8 =	vadd.f32 v16, v8;
	v16 =	vld [tilespmem:s21+$0xFFFFFF60];
	v15 =	vmax.f32 v15, $0.0e+00;
	v11 =	vadd.f32 v18, v11  }
0x1f8: {  	v18 =	vld [tilespmem:s22+$0xFFFFFF60];
	v15 =	vmul.f32 v15, v4;
	v13 =	vadd.f32 v20, v13  }
0x1f9: {  	v20 =	vld [tilespmem:s10+$0xFFFFFFD0]  }
0x1fa: {  	v9 =	vadd.f32 v15, v9;
	v15 =	vld [tilespmem:s21+$0xFFFFFFE0];
	v13 =	vmax.f32 v13, $0.0e+00;
	v14 =	vadd.f32 v17, v14  }
0x1fb: {  	v10 =	vadd.f32 v19, v10;
	v17 =	vld [tilespmem:s22+$0xFFFFFFE0];
	v13 =	vmul.f32 v13, v4  }
0x1fc: {  	v19 =	vld [tilespmem:s10+$0x50]  }
0x1fd: {  	v10 =	vmax.f32 v10, $0.0e+00;
	v16 =	vadd.f32 v18, v16;
	v13 =	vadd.f32 v13, v12;
	v12 =	vld [tilespmem:s21+$0x60]  }
0x1fe: {  	v10 =	vmul.f32 v10, v5;
	v11 =	vadd.f32 v20, v11;
	v18 =	vld [tilespmem:s22+$0x60]  }
0x1ff: {  	v20 =	vld [tilespmem:s10+$0xFFFFFF60]  }
0x200: {  	v21 =	vadd.f32 v10, v8;
	v10 =	vld [tilespmem:s21+$0xFFFFFF70];
	v8 =	vmax.f32 v11, $0.0e+00;
	v15 =	vadd.f32 v17, v15  }
0x201: {  	v11 =	vld [tilespmem:s22+$0xFFFFFF70];
	v8 =	vmul.f32 v8, v5;
	v14 =	vadd.f32 v19, v14  }
0x202: {  	v17 =	vld [tilespmem:s10+$0xFFFFFFE0]  }
0x203: {  	v8 =	vadd.f32 v8, v9;
	v19 =	vld [tilespmem:s21+$0xFFFFFFF0];
	v9 =	vmax.f32 v14, $0.0e+00;
	v22 =	vadd.f32 v18, v12  }
0x204: {  	v12 =	vadd.f32 v20, v16;
	v16 =	vld [tilespmem:s22+$0xFFFFFFF0];
	v9 =	vmul.f32 v9, v5  }
0x205: {  	v20 =	vld [tilespmem:s10+$0x60]  }
.Ltmp4:
0x206: {  	v14 =	vmax.f32 v12, $0.0e+00;
	v12 =	vadd.f32 v11, v10;
	v10 =	vadd.f32 v9, v13;
	v11 =	vld [tilespmem:s21+$0x70];
	(pc) =	sbr.rel @p0 .LBB2_7-.Ltmp4, $4  }
0x207: {  	v9 =	vmul.f32 v14, v6;
	v15 =	vadd.f32 v17, v15;
	v13 =	vld [tilespmem:s22+$0x70]  }
0x208: {  	v14 =	vld [tilespmem:s10+$0xFFFFFF70]  }
0x209: {  	v9 =	vadd.f32 v9, v21;
	v18 =	vmax.f32 v15, $0.0e+00;
	v15 =	vld [tilespmem:s10+$0xFFFFFFF0];
	v17 =	vadd.f32 v16, v19  }
0x20a: {  	v18 =	vmul.f32 v18, v6;
	v19 =	vadd.f32 v20, v22;
	v16 =	vld [tilespmem:s10+$0x70];
	s10 =	sadd.s32 $0x200, s10  }
0x20b: {  	_ =	sdelay $0x1  }
0x20c: {  	v11 =	vadd.f32 v13, v11;
	v12 =	vadd.f32 v14, v12  }
0x20d: {  	v61 =	vadd.f32 v15, v17  }
0x20e: {  	v62 =	vmax.f32 v19, $0.0e+00;
	v12 =	vmax.f32 v12, $0.0e+00;
	v11 =	vadd.f32 v16, v11  }
0x20f: {  	v14 =	vmul.f32 v62, v6;
	v12 =	vmul.f32 v12, v7;
	v13 =	vmax.f32 v61, $0.0e+00  }
0x210: {  	v8 =	vadd.f32 v18, v8;
	v13 =	vmul.f32 v13, v7;
	v11 =	vmax.f32 v11, $0.0e+00  }
0x211: {  	v10 =	vadd.f32 v14, v10;
	v9 =	vadd.f32 v12, v9;
	v11 =	vmul.f32 v11, v7  }
0x212: {  	v8 =	vadd.f32 v13, v8  }
0x213: {  	[tilespmem:s24+$0xFFFFFF00] =	vst v9;
	v63 =	vadd.f32 v11, v10  }
0x214: {  	[tilespmem:s24+$0xFFFFFF80] =	vst v8  }
0x215: {  	[tilespmem:s24+$0x0] =	vst v63  }
.LBB2_9:
0x216: {  	s10 =	sshra.s32 s11, $0x2  }
0x217: {  	v8 =	vld [tilespmem:s10+$0x15000]  }
0x218: {  	v9 =	vld [tilespmem:s10+$0x16C00]  }
0x219: {  	v10 =	vld [tilespmem:s10+$0x18800]  }
0x21a: {  	v11 =	vld [tilespmem:s10+$0x15010]  }
0x21b: {  	v12 =	vld [tilespmem:s10+$0x16C10]  }
0x21c: {  	v13 =	vld [tilespmem:s10+$0x18810]  }
0x21d: {  	v14 =	vld [tilespmem:s10+$0x15020]  }
0x21e: {  	v15 =	vld [tilespmem:s10+$0x16C20]  }
0x21f: {  	v16 =	vld [tilespmem:s10+$0x18820]  }
0x220: {  	v17 =	vld [tilespmem:s10+$0x15030]  }
0x221: {  	v18 =	vld [tilespmem:s10+$0x16C30]  }
0x222: {  	v19 =	vld [tilespmem:s10+$0x18830]  }
0x223: {  	v20 =	vld [tilespmem:s10+$0x15040]  }
0x224: {  	v41 =	vld [tilespmem:s10+$0x16C40];
	v8 =	vadd.f32 v9, v8  }
0x225: {  	v21 =	vld [tilespmem:s10+$0x18840]  }
0x226: {  	v43 =	vld [tilespmem:s10+$0x15050];
	v42 =	vadd.f32 v12, v11;
	v8 =	vadd.f32 v10, v8  }
0x227: {  	v44 =	vld [tilespmem:s10+$0x16C50]  }
0x228: {  	v46 =	vld [tilespmem:s10+$0x18850];
	v45 =	vadd.f32 v15, v14;
	v10 =	vadd.f32 v13, v42;
	v8 =	vmax.f32 v8, $0.0e+00  }
0x229: {  	v47 =	vld [tilespmem:s10+$0x15060];
	v8 =	vmul.f32 v8, v0  }
0x22a: {  	v49 =	vld [tilespmem:s10+$0x16C60];
	v48 =	vadd.f32 v18, v17;
	v13 =	vadd.f32 v16, v45;
	v10 =	vmax.f32 v10, $0.0e+00  }
0x22b: {  	v50 =	vld [tilespmem:s10+$0x18860];
	v10 =	vmul.f32 v10, v1;
	v8 =	vadd.f32 $0.0e+00, v8  }
0x22c: {  	v51 =	vld [tilespmem:s10+$0x15070];
	v9 =	vadd.f32 v41, v20;
	v16 =	vadd.f32 v19, v48;
	v13 =	vmax.f32 v13, $0.0e+00  }
0x22d: {  	v53 =	vld [tilespmem:s10+$0x16C70];
	v52 =	vmul.f32 v13, v2;
	v8 =	vadd.f32 v10, v8  }
0x22e: {  	v11 =	vadd.f32 v44, v43;
	v9 =	vadd.f32 v21, v9;
	v54 =	vmax.f32 v16, $0.0e+00  }
0x22f: {  	v56 =	vld [tilespmem:s10+$0x18870];
	v55 =	vmul.f32 v54, v3;
	v8 =	vadd.f32 v52, v8  }
0x230: {  	v57 =	vadd.f32 v49, v47;
	v11 =	vadd.f32 v46, v11;
	v9 =	vmax.f32 v9, $0.0e+00  }
0x231: {  	v9 =	vmul.f32 v9, v4;
	v8 =	vadd.f32 v55, v8  }
0x232: {  	v58 =	vadd.f32 v50, v57;
	v11 =	vmax.f32 v11, $0.0e+00;
	v13 =	vadd.f32 v53, v51  }
0x233: {  	v59 =	vmul.f32 v11, v5;
	v8 =	vadd.f32 v9, v8  }
0x234: {  	v60 =	vadd.f32 v56, v13;
	v10 =	vmax.f32 v58, $0.0e+00  }
0x235: {  	v61 =	vmul.f32 v10, v6;
	v8 =	vadd.f32 v59, v8  }
0x236: {  	p0 =	sne.s32 s11, $0x200;
	v62 =	vmax.f32 v60, $0.0e+00  }
.Ltmp5:
0x237: {  	v63 =	vmul.f32 v62, v7;
	v8 =	vadd.f32 v61, v8;
	(pc) =	sbr.rel @p0 .LBB2_9-.Ltmp5, $3  }
0x238: {  	_ = 	snop  }
0x239: {  	v8 =	vadd.f32 v63, v8;
	_ =	sdelay $0x1  }
0x23a: {  	s11 =	sadd.s32 $0x200, s11;
	[tilespmem:s10+$0x1A400] =	vst v8  }
.Ltmp6:
0x23b: {  	(pc) =	sbr.rel @p1 .LBB2_12-.Ltmp6, $4  }
0x23c: {  	s10 =	sadd.s32 s20, s13  }
0x23d: {  	s10 =	sshrl.u32 s10, $0x3  }
0x23e: {  	s10 =	sadd.s32 s8, s10  }
0x23f: {  	[hbm4b:s10+s3] =	stream.linear.scatter [tilespmem:s31], [sflag:$0x4], $0x1900, $0x38;
	[tilespmem:$0x1A880] =	vst v63  }
0x240: {  	s10 =	sadd.s32 $0x3, s19  }
0x241: {  	s11 =	sshll.u32 s10, $0x7;
	s10 =	smul.u32 $0x1C00, s10  }
0x242: {  	[tilespmem:s23], [sflag:$0x2] =	stream.indirect.gather [hbm4b:s5+s18], $0x80, s11, s18, $0xb8;
	[tilespmem:$0x1A880] =	vst v63  }
.Ltmp7:
0x243: {  	s11 =	sadd.s32 $0x6400, s11;
	s10 =	sadd.s32 s4, s10;
	(pc) =	sbr.rel .LBB2_2-.Ltmp7, $4  }
0x244: {  	[tilespmem:s25], [sflag:$0x2] =	stream.indirect.gather [hbm4b:s6+s18], $0x80, s11, s18, $0xb8;
	[tilespmem:$0x1A880] =	vst v63  }
0x245: {  	s10 =	sshrl.u32 s10, $0x3  }
0x246: {  	s17 =	sadd.s32 $0x1, s17;
	s10 =	sadd.s32 s7, s10  }
0x247: {  	[tilespmem:s26], [sflag:$0x2] =	stream.linear.gather [hbm4b:s10+s3], $0x1900, $0x38;
	[tilespmem:$0x1A880] =	vst v63  }
.LBB2_13:
0x248: {  	_ =	sfence.sel $0x180000  }
0x249: {  	[bflag:$0x0] =	sbarrier.arrive $0xFFFF  }
0x24a: {  	_ =	strace $0x9000004D  }
0x24b: {  	s0 =	stileid.u32;
	[bflag:$0x2] =	sbarrier.arrive $0xFFFF  }
0x24c: {  	p0 =	sne.s32 s0, $0x0;
	s0 =	rddreg [dreg:$0x2]  }
0x24d: {  	s0 =	sadd.s32 @!p0 $0x100000, s0  }
0x24e: {  	[sflag:s0] =	ssyncadd.tile.s32 @!p0 $0x1;
	_ =	shalt  }
.Lfunc_end2:
_tile_overlayer_lowered:
.L_overlay_start_2:
0x24f: {  	(tag) =	ssettag $0x2  }
0x250: {  	s0 =	rddreg [dreg:$0x0];
	s2 =	stileid.u32  }
0x251: {  	s1 =	rddreg [dreg:$0x1];
	p0 =	sne.s32 s2, $0x0  }
0x252: {  	s3 =	rddreg [dreg:$0x2];
	[bflag:$0x3] =	sbarrier.arrive $0xFFFF;
	s2 =	simm.s32 @!p0 $0x1C05  }
0x253: {  	[timem:s3], [sflag:s2] =	dma.local @!p0 [hbm:s0], s1  }
0x254: {  	s0 =	simm.s32 @!p0 $0x5  }
0x255: {  	_ =	swait.ge @!p0 [sflag:s0], s1  }
0x256: {  	s1 =	ssub.s32 @!p0 $0x0, s1;
	[sflag:s0] =	ssyncset.done @!p0 $0x0  }
0x257: {  	[sflag:s0] =	ssyncadd.s32 @!p0 s1  }
0x258: {  	[bflag:$0x3] =	sbarrier.arrive $0xFFFF  }
0x259: {  	_ =	shalt  }

// kernel: kernel.9.cloned.1.call-start
scs
__scs_entry_jumppad:
0x0: {  	(pc) =	sbr.rel $0x88, $3  }
0x1: {  	(tag) =	ssettag $0x0;
	lr =	simm.s32 $0x1  }
0x2: {  	[smem:$0x3F95] =	sst lr;
	_ =	strace $0xD0000000  }
0x3: {  	_ = 	snop  }
0x4: {  	_ = 	snop  }
0x5: {  	_ = 	snop  }
0x6: {  	_ = 	snop  }
0x7: {  	_ = 	snop  }
__scs_overlays_trampoline_lowered:
0x8: {  	[smem:$0x3FA4] =	sst s0  }
0x9: {  	[smem:$0x3FA5] =	sst s1  }
0xa: {  	[smem:$0x3FA6] =	sst s2  }
0xb: {  	[smem:$0x3FA7] =	sst s3  }
0xc: {  	[smem:$0x3FA8] =	sst s4  }
0xd: {  	[smem:$0x3FA9] =	sst s5  }
0xe: {  	[smem:$0x3FAA] =	sst s6  }
0xf: {  	[smem:$0x3FAB] =	sst s7  }
0x10: {  	[smem:$0x3FAC] =	sst s8  }
0x11: {  	[smem:$0x3FAD] =	sst s9;
	s0 =	simm.s32 @!p0 $0x0  }
0x12: {  	s1 =	sld [smem:$0x3F93];
	s0 =	simm.s32 @p0 $0x1  }
0x13: {  	[smem:$0x3FAE] =	sst s0;
	s0 =	simm.s32 @!p1 $0x0  }
0x14: {  	s2 =	sld [smem:$0x3F92];
	s0 =	simm.s32 @p1 $0x1  }
0x15: {  	[smem:$0x3FAF] =	sst s0;
	s0 =	simm.s32 @!p2 $0x0  }
0x16: {  	s3 =	sld [smem:$0x3FDB];
	s0 =	simm.s32 @p2 $0x1  }
0x17: {  	s4 =	simm.s32 $0x1BF5;
	[smem:$0x3FB1] =	sst s0  }
0x18: {  	s0 =	sld [smem:$0x3F94];
	_ =	swait.ge [sflag:s4], $0x0  }
0x19: {  	s7 =	sld [smem:$0x3F95]  }
0x1a: {  	s8 =	sadd.s32 $0xFFFFE003, lr  }
0x1b: {  	s9 =	sadd.s32 $0xFFFFFEF7, lr;
	s5 =	simm.s32 $0xFFFFFFFF;
	p2 =	slt.u32 s8, $0xFFFFF086  }
0x1c: {  	p1 =	slt.u32 s9, $0xF7A;
	s5 =	simm.s32 @!p2 $0x0  }
0x1d: {  	s5 =	simm.s32 @p1 $0x1;
	p0 =	seq.s32 s7, s2  }
0x1e: {  	s7 =	smul.u32 @!p0 $0xF7A, s2;
	p2 =	seq.s32 @!p0 s5, $0x0  }
0x1f: {  	s9 =	smul.u32 $0xF7A, s1;
	s8 =	simm.s32 @!p0 $0x1BF5;
	p2 =	por !p2, p0  }
0x20: {  	[sflag:s8] =	ssyncset.s32 @!p0 $0xFFFFF086;
	s6 =	sadd.s32 @!p0 s3, s7;
	s7 =	simm.s32 @!p0 $0x108  }
0x21: {  	s3 =	sadd.s32 s3, s9;
	s6 =	sadd.s32 @!p0 $0x88, s6;
	s7 =	simm.s32 @p2 $0x1082  }
0x22: {  	[simem:s7], [sflag:s8] =	dma.local @!p0 [hbm:s6], $0xF7A  }
0x23: {  	s9 =	sor.u32 $0xD0000000, s2;
	s6 =	simm.s32 $0x108;
	_ =	swait.ge @!p0 [sflag:s8], $0x0  }
0x24: {  	s3 =	sadd.s32 $0x88, s3;
	s6 =	simm.s32 @!p1 $0x1082;
	[sflag:s4] =	ssyncset.s32 $0xFFFFF086  }
0x25: {  	[simem:s6], [sflag:s4] =	dma.local [hbm:s3], $0xF7A  }
0x26: {  	[smem:$0x3F95] =	sst s1;
	(tag) =	ssettag s2;
	_ =	strace s9  }
0x27: {  	s1 =	sld [smem:$0x3FA5]  }
0x28: {  	s2 =	sld [smem:$0x3FA6]  }
0x29: {  	s4 =	sld [smem:$0x3FA8]  }
0x2a: {  	p0 =	seq.s32 s5, $0x0;
	s5 =	sld [smem:$0x3FA9]  }
0x2b: {  	s6 =	sld [smem:$0x3FAA]  }
0x2c: {  	s7 =	sld [smem:$0x3FAB]  }
0x2d: {  	s3 =	simm.s32 $0x108;
	s8 =	sld [smem:$0x3FAC]  }
0x2e: {  	s3 =	simm.s32 @!p0 $0x1082;
	s9 =	sld [smem:$0x3FAD]  }
0x2f: {  	lr =	sadd.s32 s0, s3;
	s0 =	sld [smem:$0x3FA4]  }
0x30: {  	s3 =	sld [smem:$0x3FA7]  }
0x31: {  	[smem:$0x3FB0] =	sst s10  }
0x32: {  	s10 =	sld [smem:$0x3FAE];
	_ =	sdelay $0x3  }
0x33: {  	p0 =	seq.s32 s10, $0x1;
	s10 =	sld [smem:$0x3FB0];
	_ =	sdelay $0x3  }
0x34: {  	[smem:$0x3FB0] =	sst s10  }
0x35: {  	s10 =	sld [smem:$0x3FAF];
	_ =	sdelay $0x3  }
0x36: {  	p1 =	seq.s32 s10, $0x1;
	s10 =	sld [smem:$0x3FB0];
	_ =	sdelay $0x3  }
0x37: {  	[smem:$0x3FB0] =	sst s10  }
0x38: {  	s10 =	sld [smem:$0x3FB1]  }
0x39: {  	_ = 	snop;
	(pc) =	sbr.ind lr, $3  }
0x3a: {  	_ = 	snop  }
0x3b: {  	_ = 	snop  }
0x3c: {  	p2 =	seq.s32 s10, $0x1;
	s10 =	sld [smem:$0x3FB0]  }
0x3d: {  	_ =	shalt  }
0x3e: {  	_ =	shalt  }
0x3f: {  	_ =	shalt  }
0x40: {  	_ =	shalt  }
0x41: {  	_ =	shalt  }
0x42: {  	_ =	shalt  }
0x43: {  	_ =	shalt  }
0x44: {  	_ =	shalt  }
0x45: {  	_ =	shalt  }
0x46: {  	_ =	shalt  }
0x47: {  	_ =	shalt  }
0x48: {  	_ =	shalt  }
0x49: {  	_ =	shalt  }
0x4a: {  	_ =	shalt  }
0x4b: {  	_ =	shalt  }
0x4c: {  	_ =	shalt  }
0x4d: {  	_ =	shalt  }
0x4e: {  	_ =	shalt  }
0x4f: {  	_ =	shalt  }
0x50: {  	_ =	shalt  }
0x51: {  	_ =	shalt  }
0x52: {  	_ =	shalt  }
0x53: {  	_ =	shalt  }
0x54: {  	_ =	shalt  }
0x55: {  	_ =	shalt  }
0x56: {  	_ =	shalt  }
0x57: {  	_ =	shalt  }
0x58: {  	_ =	shalt  }
0x59: {  	_ =	shalt  }
0x5a: {  	_ =	shalt  }
0x5b: {  	_ =	shalt  }
0x5c: {  	_ =	shalt  }
0x5d: {  	_ =	shalt  }
0x5e: {  	_ =	shalt  }
0x5f: {  	_ =	shalt  }
0x60: {  	_ =	shalt  }
0x61: {  	_ =	shalt  }
0x62: {  	_ =	shalt  }
0x63: {  	_ =	shalt  }
0x64: {  	_ =	shalt  }
0x65: {  	_ =	shalt  }
0x66: {  	_ =	shalt  }
0x67: {  	_ =	shalt  }
0x68: {  	_ =	shalt  }
0x69: {  	_ =	shalt  }
0x6a: {  	_ =	shalt  }
0x6b: {  	_ =	shalt  }
0x6c: {  	_ =	shalt  }
0x6d: {  	_ =	shalt  }
0x6e: {  	_ =	shalt  }
0x6f: {  	_ =	shalt  }
0x70: {  	_ =	shalt  }
0x71: {  	_ =	shalt  }
0x72: {  	_ =	shalt  }
0x73: {  	_ =	shalt  }
0x74: {  	_ =	shalt  }
0x75: {  	_ =	shalt  }
0x76: {  	_ =	shalt  }
0x77: {  	_ =	shalt  }
0x78: {  	_ =	shalt  }
0x79: {  	_ =	shalt  }
0x7a: {  	_ =	shalt  }
0x7b: {  	_ =	shalt  }
0x7c: {  	_ =	shalt  }
0x7d: {  	_ =	shalt  }
0x7e: {  	_ =	shalt  }
0x7f: {  	_ =	shalt  }
0x80: {  	_ =	shalt  }
0x81: {  	_ =	shalt  }
0x82: {  	_ =	shalt  }
0x83: {  	_ =	shalt  }
0x84: {  	_ =	shalt  }
0x85: {  	_ =	shalt  }
0x86: {  	_ =	shalt  }
0x87: {  	_ =	shalt  }
.Lfunc_end0:
.L_simem_size_0:
called_computation_lowered:
.L_overlay_start_0:
0x88: {  	s2 =	sld [smem:$0x3FD9]  }
0x89: {  	s3 =	sld [smem:$0x3FFE];
	_ =	sdelay $0x1  }
0x8a: {  	s1 =	srdreg.scid  }
0x8b: {  	s0 =	sand.u32 $0x1, s1  }
0x8c: {  	s17 =	sshll.u32 s0, $0xA;
	s2 =	sadd.s32 s3, s2  }
0x8d: {  	s2 =	sadd.s32 s2, s17  }
0x8e: {  	[smem:$0x3FBC] =	sst s2  }
0x8f: {  	_ = 	snop  }
0x90: {  	s2 =	sld [smem:$0x3FD0];
	(tm) =	ssettm $0x1  }
0x91: {  	s18 =	sld [smem:$0x3FFB];
	_ =	sdelay $0x3  }
0x92: {  	_ =	strace s18  }
0x93: {  	s3 =	sld [smem:$0x3FFC];
	_ =	sdelay $0x3  }
0x94: {  	_ =	strace s3  }
0x95: {  	s3 =	sld [smem:$0x3FFD];
	_ =	sdelay $0x3  }
0x96: {  	_ =	strace s3  }
0x97: {  	_ =	strace $0x8FFFFFFF  }
0x98: {  	s19 =	sld [smem:$0x3FDB];
	_ =	sdelay $0x1  }
0x99: {  	s4 =	simm.s32 $_scs_section_size  }
0x9a: {  	s5 =	simm.s32 $_size__tile_overlayer_lowered;
	s6 =	simm.s32 $_tile_overlayer_lowered  }
0x9b: {  	s22 =	simm.s32 $0x1BFF;
	s21 =	sshll.u32 s6, $0x1;
	s3 =	sadd.s32 s4, s19  }
0x9c: {  	s7 =	simm.s32 $0x0;
	s20 =	sshll.u32 s5, $0x1;
	s5 =	sadd.s32 s21, s3  }
0x9d: {  	[timem:s7], [sflag:s22] =	dma.local [hbm:s5], s20  }
0x9e: {  	_ =	swait.ge [sflag:s22], s20  }
0x9f: {  	s4 =	ssub.s32 $0x0, s20;
	[sflag:s22] =	ssyncset.done $0x0  }
0xa0: {  	[sflag:s22] =	ssyncadd.s32 s4;
	_ =	sdelay $0x1  }
0xa1: {  	s23 =	simm.s32 $0x1B8B  }
0xa2: {  	_ =	swait.ge [sflag:s23], $0x1  }
0xa3: {  	[sflag:s23] =	ssyncset.done $0x0  }
0xa4: {  	s25 =	simm.s32 $0x1B8E;
	s24 =	sld [smem:$0x3FFE];
	[sflag:s23] =	ssyncadd.s32 $0xFFFFFFFF  }
0xa5: {  	s26 =	simm.s32 $execute0_lowered;
	[smem:$0x3FD2] =	sst s25  }
0xa6: {  	s5 =	sshll.u32 s26, $0x1;
	_ =	strace $0x80000046;
	[dreg:$0x1] =	wrdreg $0xFFFFFFFF  }
0xa7: {  	s28 =	simm.s32 $_size_execute0_lowered;
	s3 =	sadd.s32 s3, s5;
	[dreg:$0x0] =	wrdreg $0x0  }
0xa8: {  	s5 =	sshll.u32 s28, $0x1;
	[dreg:$0x2] =	wrdreg s3  }
0xa9: {  	[dreg:$0x3] =	wrdreg s5  }
0xaa: {  	[dreg:$0x4] =	wrdreg $0xC0  }
0xab: {  	_ =	task [dreg:s7], $0x5FFFF  }
0xac: {  	[dreg:$0x1] =	wrdreg $0xFFFFFFFF  }
0xad: {  	[dreg:$0x0] =	wrdreg $0x60  }
0xae: {  	[dreg:$0x2] =	wrdreg s24  }
0xaf: {  	[dreg:$0x3] =	wrdreg s2  }
0xb0: {  	[dreg:$0x4] =	wrdreg $0x34800  }
0xb1: {  	[dreg:$0x5] =	wrdreg $0x9  }
0xb2: {  	_ =	task.clear_ibuf [dreg:s7], $0x6FFFF;
	_ =	strace $0x90000046  }
0xb3: {  	s29 =	simm.s32 $0x9;
	_ =	strace $0x80000048  }
0xb4: {  	_ =	swait.ge [sflag:s29], $0x1  }
0xb5: {  	[sflag:s29] =	ssyncadd.s32 $0xFFFFFFFF  }
0xb6: {  	_ =	strace $0x90000048  }
0xb7: {  	_ =	sfence  }
0xb8: {  	s30 =	sld [smem:$0x0];
	_ =	sdelay $0x2  }
0xb9: {  	s31 =	sshll.u32 s1, $0xD;
	s1 =	sshrl.u32 s1, $0x2  }
0xba: {  	s3 =	sand.u32 $0x4000, s31;
	s1 =	sadd.s32 s1, s30  }
0xbb: {  	s0 =	sor.u32 s3, s0;
	s1 =	sshll.u32 s1, $0x11  }
0xbc: {  	s0 =	sor.u32 s1, s0  }
0xbd: {  	s0 =	sadd.s32 $0x8F2B, s0  }
0xbe: {  	[sflag:s0] =	ssyncadd.remote.s32 $0x1  }
0xbf: {  	_ =	sfence.sel $0xFFFF  }
0xc0: {  	[dreg:$0x0] =	wrdreg $0xFFFFFFFF;
	(pc) =	sbr.abs _section_cstart, $3  }
0xc1: {  	[dreg:$0x1] =	wrdreg $0xFFFFFFFF  }
0xc2: {  	_ =	task.clear_ibuf [dreg:s7], $0x2FFFF;
	_ =	strace $0x9FFFFFFF  }
0xc3: {  	(tm) =	ssettm $0x7FFFFFFF  }
tec
execute0_lowered:
.L_overlay_start_1:
0x0: {  	(tag) =	ssettag $0x1  }
0x1: {  	s5 =	rddreg [dreg:$0x0]  }
0x2: {  	s8 =	rddreg [dreg:$0x1]  }
0x3: {  	s0 =	srdreg.scid;
	s2 =	rddreg [dreg:$0x2];
	s3 =	simm.s32 $0x0  }
0x4: {  	s13 =	simm.s32 $0x64;
	s14 =	simm.s32 $0x20;
	s15 =	simm.s32 $0x10  }
0x5: {  	s16 =	simm.s32 $0x0;
	s6 =	sand.u32 $0x1, s0;
	s0 =	stileid.u32  }
0x6: {  	[smem:$0x7FF] =	sst s3;
	s1 =	sshll.u32 s6, $0x4;
	s10 =	smul.u32 $0xA00, s0  }
0x7: {  	s9 =	ssub.s32 $0x2, s6;
	s12 =	smul.u32 $0x500, s0;
	s6 =	sshll.u32 s6, $0x7  }
0x8: {  	s30 =	sshll.u32 s0, $0x6;
	s4 =	sor.u32 s0, s1;
	s1 =	rddreg [dreg:$0x3]  }
0x9: {  	_ =	strace $0x80000047;
	s11 =	sshrl.u32 s9, $0x1;
	s4 =	smul.u32 $0x680, s4  }
0xa: {  	s9 =	ssub.s32 s9, s11;
	s10 =	sshrl.u32 s10, $0x2;
	s12 =	sor.u32 s6, s12  }
0xb: {  	s6 =	sor.u32 $0x1C01, s30;
	s11 =	simm.s32 $0x1;
	s10 =	sadd.s32 s10, s2  }
0xc: {  	s31 =	sshrl.u32 s12, $0x3;
	s9 =	smax.u32 s9, $0x1;
	s12 =	simm.s32 $0x3400  }
0xd: {  	s7 =	sadd.s32 s4, s5;
	s4 =	sadd.s32 $0x11E00, s5;
	s5 =	sadd.s32 $0x12000, s5  }
0xe: {  	s8 =	sadd.s32 s8, s31;
	s10 =	sshrl.u32 s10, $0x3;
	s7 =	sadd.s32 $0x4E00, s7  }
.LBB2_1:
0xf: {  	[spmem:s10], [sflag:s6] =	dma.local [hbm:s4], $0x50  }
0x10: {  	_ =	swait.ge [sflag:s11], $0x50  }
0x11: {  	[sflag:s11] =	ssyncset.done $0x0  }
0x12: {  	[sflag:s11] =	ssyncadd.s32 $0xFFFFFFB0  }
0x13: {  	[tilespmem:s12], [sflag:$0x1] =	stream.linear.gather [hbm4b:s5+s3], $0x80, $0x38;
	[tilespmem:$0x3700] =	vst v63  }
0x14: {  	_ =	swait.ge [sflag:s11], $0x80  }
0x15: {  	[sflag:s11] =	ssyncset.done $0x0  }
0x16: {  	[sflag:s11] =	ssyncadd.s32 $0xFFFFFF80  }
0x17: {  	[tilespmem:s3], [sflag:$0x1] =	stream.linear.gather [hbm4b:s7+s3], $0x3200, $0x38;
	[tilespmem:$0x3700] =	vst v63  }
0x18: {  	_ =	swait.ge [sflag:s11], $0x3200  }
0x19: {  	[sflag:s11] =	ssyncset.done $0x0  }
0x1a: {  	[sflag:s11] =	ssyncadd.s32 $0xFFFFCE00  }
0x1b: {  	s17 =	simm.s32 $0x0;
	[bflag:$0x0] =	sbarrier.arrive $0xFFFF  }
0x1c: {  	[spmem:s2] =	stream.indirect.scatter.add.f32 [tilespmem:s12], [sflag:$0x1], $0x1, s17, s13, $0xb8;
	[tilespmem:$0x3700] =	vst v63  }
0x1d: {  	_ =	swait.ge [sflag:s11], $0x64  }
0x1e: {  	s17 =	simm.s32 $0x200;
	[sflag:s11] =	ssyncset.done $0x0  }
.LBB2_2:
0x1f: {  	s18 =	sshra.s32 s17, $0x2;
	[sflag:s11] =	ssyncadd.s32 $0xFFFFFF9C;
	p0 =	sne.s32 s17, $0xC600  }
0x20: {  	[spmem:s2] =	stream.indirect.scatter.add.f32 [tilespmem:s12], [sflag:$0x1], $0x1, s18, s13, $0xb8;
	[tilespmem:$0x3700] =	vst v63  }
.Ltmp0:
0x21: {  	_ = 	snop;
	(pc) =	sbr.rel @p0 .LBB2_2-.Ltmp0, $4  }
0x22: {  	_ = 	snop  }
0x23: {  	s17 =	sadd.s32 $0x200, s17  }
0x24: {  	_ =	swait.ge [sflag:s11], $0x64  }
0x25: {  	[sflag:s11] =	ssyncset.done $0x0  }
0x26: {  	s16 =	sadd.s32 $0x1, s16  }
0x27: {  	[sflag:s11] =	ssyncadd.s32 $0xFFFFFF9C;
	p0 =	sne.s32 s16, s9  }
.Ltmp1:
0x28: {  	[bflag:$0x0] =	sbarrier.arrive $0xFFFF;
	(pc) =	sbr.rel @p0 .LBB2_1-.Ltmp1, $4  }
0x29: {  	[hbm:s8@s14], [sflag:s6] =	dma.strided [spmem:s10@s15], $0x50, s11, $0x10   }
0x2a: {  	_ =	swait.ge [sflag:s11], $0x50  }
0x2b: {  	[sflag:s11] =	ssyncset.done $0x0  }
0x2c: {  	[sflag:s11] =	ssyncadd.s32 $0xFFFFFFB0  }
0x2d: {  	_ =	sfence.sel $0x180000  }
0x2e: {  	[bflag:$0x0] =	sbarrier.arrive $0xFFFF  }
0x2f: {  	p0 =	sne.s32 s0, $0x0;
	_ =	strace $0x90000047  }
0x30: {  	s0 =	sadd.s32 @!p0 $0x100000, s1;
	[bflag:$0x2] =	sbarrier.arrive $0xFFFF  }
0x31: {  	[sflag:s0] =	ssyncadd.tile.s32 @!p0 $0x1;
	_ =	shalt  }
.Lfunc_end2:
_tile_overlayer_lowered:
.L_overlay_start_2:
0x32: {  	(tag) =	ssettag $0x2  }
0x33: {  	s0 =	rddreg [dreg:$0x0];
	s2 =	stileid.u32  }
0x34: {  	s1 =	rddreg [dreg:$0x1];
	p0 =	sne.s32 s2, $0x0  }
0x35: {  	s3 =	rddreg [dreg:$0x2];
	[bflag:$0x3] =	sbarrier.arrive $0xFFFF;
	s2 =	simm.s32 @!p0 $0x1C01  }
0x36: {  	[timem:s3], [sflag:s2] =	dma.local @!p0 [hbm:s0], s1  }
0x37: {  	s0 =	simm.s32 @!p0 $0x1  }
0x38: {  	_ =	swait.ge @!p0 [sflag:s0], s1  }
0x39: {  	s1 =	ssub.s32 @!p0 $0x0, s1;
	[sflag:s0] =	ssyncset.done @!p0 $0x0  }
0x3a: {  	[sflag:s0] =	ssyncadd.s32 @!p0 s1  }
0x3b: {  	[bflag:$0x3] =	sbarrier.arrive $0xFFFF  }
0x3c: {  	_ =	shalt  }

</sc_bundles>
